<compile_context>
chip_gen: v7x
topology: tpu7x:2x2x1
jax: 0.10.2.dev20260603
libtpu: 0.0.44.dev20260713+nightly
codegen_flags: <defaults>
</compile_context>

<pallas_src>
import functools

import jax
import jax.numpy as jnp
from jax import lax
from jax.experimental import pallas as pl
from jax.experimental.pallas import tpu as pltpu
from jax.experimental.pallas import tpu_sc as plsc

N = 10000
E = 160000
CH = 256
H = CH // 2
P = 10240
EP = 163840
NC, NS, L = 2, 16, 16
BC = 80
KC = EP // NS // BC
RPT = P // NS
BR = 256
GDEPTH = 2
NSLOT = GDEPTH + 1
RS = 8
SHIFT = 14

_mesh = plsc.VectorSubcoreMesh(
    core_axis_name="c", subcore_axis_name="s", num_cores=NC, num_subcores=NS
)


EPT = EP // (NC * NS)


@functools.partial(
    pl.kernel,
    out_type=jax.ShapeDtypeStruct((NC, P), jnp.float32),
    mesh=_mesh,
    scratch_types=[
        pltpu.VMEM((EPT,), jnp.int32),
        pltpu.VMEM((P,), jnp.float32),
        pltpu.VMEM((NS, RPT), jnp.float32),
        pltpu.VMEM((RPT,), jnp.float32),
        pltpu.VMEM_SHARED((NS, P), jnp.float32),
    ],
    compiler_params=pltpu.CompilerParams(needs_layout_passes=False),
)
def _deg_kernel(rows_hbm, out_hbm, idx_v, hist_v, red_v, tot_v, hist_sh):
    cid = lax.axis_index("c")
    sid = lax.axis_index("s")
    wid = cid * NS + sid
    r0 = sid * RPT
    pltpu.sync_copy(rows_hbm.at[wid], idx_v)

    zeros16 = jnp.zeros((L,), jnp.float32)

    def zbody(j, carry):
        hist_v[pl.ds(j * L, L)] = zeros16
        return carry

    lax.fori_loop(0, P // L, zbody, 0)

    ones16 = jnp.ones((L,), jnp.float32)

    def sbody(i, carry):
        idx16 = idx_v[pl.ds(i * L, L)]
        plsc.addupdate_scatter(hist_v, [idx16], ones16)
        return carry

    lax.fori_loop(0, EPT // L, sbody, 0)
    pltpu.sync_copy(hist_v, hist_sh.at[sid])
    plsc.subcore_barrier()
    for t in range(NS):
        pltpu.sync_copy(hist_sh.at[t, pl.ds(r0, RPT)], red_v.at[t])

    def rbody(c, carry):
        acc = red_v[0, pl.ds(c * L, L)]
        for t in range(1, NS):
            acc = acc + red_v[t, pl.ds(c * L, L)]
        tot_v[pl.ds(c * L, L)] = acc
        return carry

    lax.fori_loop(0, RPT // L, rbody, 0)
    pltpu.sync_copy(tot_v, out_hbm.at[cid, pl.ds(r0, RPT)])


def _mm_body(x_ref, w_ref, p_ref, y_ref):
    deg = p_ref[0] + p_ref[1] + 1.0
    d = 1.0 / jnp.sqrt(deg)
    z = jnp.dot(x_ref[...], w_ref[...], preferred_element_type=jnp.float32)
    y_ref[0] = z * d


_mm = pl.pallas_call(
    _mm_body,
    grid=(P // BR, NC),
    in_specs=[
        pl.BlockSpec((BR, CH), lambda i, c: (i, 0)),
        pl.BlockSpec((CH, H), lambda i, c: (0, c)),
        pl.BlockSpec((NC, BR, 1), lambda i, c: (0, i, 0)),
    ],
    out_specs=pl.BlockSpec((1, BR, H), lambda i, c: (c, i, 0)),
    out_shape=jax.ShapeDtypeStruct((NC, P, H), jnp.float32),
)


@functools.partial(
    pl.kernel,
    out_type=jax.ShapeDtypeStruct((NC, P, H), jnp.float32),
    mesh=_mesh,
    scratch_types=[
        pltpu.VMEM((KC, BC), jnp.int32),
        pltpu.VMEM((RS, BC), jnp.int32),
        pltpu.VMEM((RS, BC), jnp.int32),
        pltpu.VMEM((NSLOT, BC, H), jnp.float32),
        pltpu.VMEM_SHARED((P, H), jnp.float32),
        pltpu.SemaphoreType.DMA((NSLOT,)),
        pltpu.SemaphoreType.DMA((NSLOT,)),
        pltpu.SemaphoreType.DMA((NSLOT,)),
    ],
)
def _prop_kernel(
    y_hbm, cr_hbm, out_hbm, cr_v, col_r, row_r, gbuf, acc_sh, gsem, gsem2, ssem
):
    cid = lax.axis_index("c")
    sid = lax.axis_index("s")
    pltpu.sync_copy(cr_hbm.at[sid], cr_v)
    r0 = sid * RPT
    pltpu.sync_copy(y_hbm.at[cid, pl.ds(r0, RPT)], acc_sh.at[pl.ds(r0, RPT)])
    plsc.subcore_barrier()
    table = y_hbm.at[cid]

    def unpack(bi):
        rs = lax.rem(bi, RS)
        for j in range(BC // L):
            v = cr_v[bi, pl.ds(j * L, L)]
            row_r[rs, pl.ds(j * L, L)] = jnp.right_shift(v, SHIFT)
            col_r[rs, pl.ds(j * L, L)] = jnp.bitwise_and(v, (1 << SHIFT) - 1)

    HB = BC // 2

    def start_gather(bi):
        slot = lax.rem(bi, NSLOT)
        rs = lax.rem(bi, RS)
        pltpu.async_copy(
            table.at[col_r.at[rs, pl.ds(0, HB)]],
            gbuf.at[slot, pl.ds(0, HB)],
            gsem.at[slot],
        )
        pltpu.async_copy(
            table.at[col_r.at[rs, pl.ds(HB, HB)]],
            gbuf.at[slot, pl.ds(HB, HB)],
            gsem2.at[slot],
        )

    def wait_gather(bi):
        slot = lax.rem(bi, NSLOT)
        rs = lax.rem(bi, RS)
        pltpu.make_async_copy(
            table.at[col_r.at[rs, pl.ds(0, HB)]],
            gbuf.at[slot, pl.ds(0, HB)],
            gsem.at[slot],
        ).wait()
        pltpu.make_async_copy(
            table.at[col_r.at[rs, pl.ds(HB, HB)]],
            gbuf.at[slot, pl.ds(HB, HB)],
            gsem2.at[slot],
        ).wait()

    def start_scatter(bi):
        slot = lax.rem(bi, NSLOT)
        pltpu.async_copy(
            gbuf.at[slot],
            acc_sh.at[row_r.at[lax.rem(bi, RS)]],
            ssem.at[slot],
            add=True,
        )

    def wait_scatter(bi):
        slot = lax.rem(bi, NSLOT)
        pltpu.make_async_copy(
            gbuf.at[slot], acc_sh.at[row_r.at[lax.rem(bi, RS)]], ssem.at[slot]
        ).wait()

    for bi in range(GDEPTH):
        unpack(bi)
        start_gather(bi)

    def body(bi, carry):
        @pl.when(bi + GDEPTH < KC)
        def _():
            unpack(bi + GDEPTH)

        wait_gather(bi)
        start_scatter(bi)

        @pl.when(bi >= 1)
        def _():
            wait_scatter(bi - 1)

        @pl.when(bi + GDEPTH < KC)
        def _():
            start_gather(bi + GDEPTH)

        return carry

    lax.fori_loop(0, KC, body, 0)
    wait_scatter(KC - 1)
    plsc.subcore_barrier()
    pltpu.sync_copy(acc_sh.at[pl.ds(r0, RPT)], out_hbm.at[cid, pl.ds(r0, RPT)])


def _fin_body(a_ref, p_ref, b_ref, o_ref):
    deg = p_ref[0] + p_ref[1] + 1.0
    d = 1.0 / jnp.sqrt(deg)
    o_ref[...] = jnp.concatenate([a_ref[0] * d, a_ref[1] * d], axis=1) + b_ref[...]


_fin = pl.pallas_call(
    _fin_body,
    grid=(P // BR,),
    in_specs=[
        pl.BlockSpec((NC, BR, H), lambda i: (0, i, 0)),
        pl.BlockSpec((NC, BR, 1), lambda i: (0, i, 0)),
        pl.BlockSpec((1, CH), lambda i: (0, 0)),
    ],
    out_specs=pl.BlockSpec((BR, CH), lambda i: (i, 0)),
    out_shape=jax.ShapeDtypeStruct((N, CH), jnp.float32),
)


def kernel(x, edge_index, W, b):
    ei = edge_index.astype(jnp.int32)
    pad = jnp.full((EP - E,), N, jnp.int32)
    row = jnp.concatenate([ei[0], pad])
    col = jnp.concatenate([ei[1], pad])
    rows_a = row.reshape(NC * NS, EPT)
    cr = ((row << SHIFT) | col).reshape(NS, KC, BC)
    x_pad = jnp.pad(x, ((0, P - N), (0, 0)))
    partial = _deg_kernel(rows_a).reshape(NC, P, 1)
    y = _mm(x_pad, W, partial)
    acc = _prop_kernel(y, cr)
    return _fin(acc, partial, b.reshape(1, CH))

# --- scband reference (transcript-rebuilt; emitter-appended) ---
"""Pipeline reference for scband-gcnconv-54047868452890 (READ-ONLY COPY).

The authoritative reference and input builder live on the scoring server;
editing this copy changes nothing except your own understanding.
"""

import jax, jax.numpy as jnp
import numpy as np

N_NODES = 10000
N_EDGES = 160000
IN_CH = 256
OUT_CH = 256


def setup_inputs(seed: int = 0) -> dict:
    key = jax.random.key(seed)
    k1, k2, k3, k4 = jax.random.split(key, 4)
    x = jax.random.normal(k1, (N_NODES, IN_CH), dtype=jnp.float32)
    edge_index = jax.random.randint(k2, (2, N_EDGES), 0, N_NODES, dtype=jnp.int64)
    # reset_parameters: uniform(size=in_channels) -> bound = 1/sqrt(in_channels)
    bound = 1.0 / np.sqrt(IN_CH)
    W = jax.random.uniform(k3, (IN_CH, OUT_CH), minval=-bound, maxval=bound, dtype=jnp.float32)
    b = jax.random.uniform(k4, (OUT_CH,), minval=-bound, maxval=bound, dtype=jnp.float32)
    return {"x": x, "edge_index": edge_index, "W": W, "b": b}


def reference(x, edge_index, W, b):
    # out = x @ W
    out = jnp.dot(x, W)
    N = x.shape[0]
    # GCNProp: add self-loops, symmetric normalization D^-1/2 (A+I) D^-1/2
    row = edge_index[0]
    col = edge_index[1]
    loop = jnp.arange(N, dtype=row.dtype)
    row = jnp.concatenate([row, loop], axis=0)
    col = jnp.concatenate([col, loop], axis=0)
    edge_weight = jnp.ones((row.shape[0],), dtype=out.dtype)
    deg = jax.ops.segment_sum(edge_weight, row, num_segments=N)
    deg_inv_sqrt = jnp.where(deg > 0, deg ** -0.5, 0.0)
    norm = deg_inv_sqrt[row] * edge_weight * deg_inv_sqrt[col]
    # message from source (col) to destination (row), weighted by norm
    msgs = norm[:, None] * out[col]
    out = jax.ops.segment_sum(msgs, row, num_segments=N)
    out = out + b
    return out


if False:  # reference __main__ guard neutralized (emitter)
    inp = setup_inputs()
    y = reference(**inp)
    print(y.shape, y.dtype)

if __name__ == "__main__":
    import jax
    _d = setup_inputs()
    print(jax.jit(kernel)(*tuple(_d.values())))

</pallas_src>

<mosaic_0001>
#map = affine_map<(d0, d1) -> (0, 0, 0)>
module attributes {stable_mosaic.version = 14 : i64} {
  func.func @_prop_kernel(%arg0: i32, %arg1: i32, %arg2: memref<2x10240x128xf32, #tpu.memory_space<hbm>>, %arg3: memref<16x128x80xi32, #tpu.memory_space<hbm>>, %arg4: memref<2x10240x128xf32, #tpu.memory_space<hbm>>, %arg5: memref<128x80xi32, #tpu.memory_space<vmem>>, %arg6: memref<8x80xi32, #tpu.memory_space<vmem>>, %arg7: memref<8x80xi32, #tpu.memory_space<vmem>>, %arg8: memref<3x80x128xf32, #tpu.memory_space<vmem>>, %arg9: memref<10240x128xf32, #tpu.memory_space<vmem_shared>>, %arg10: memref<3x!tpu.dma_semaphore, #tpu.memory_space<semaphore_mem>>, %arg11: memref<3x!tpu.dma_semaphore, #tpu.memory_space<semaphore_mem>>, %arg12: memref<3x!tpu.dma_semaphore, #tpu.memory_space<semaphore_mem>>) attributes {dimension_semantics = [#tpu.dimension_semantics<core_parallel>, #tpu.dimension_semantics<subcore_parallel>], iteration_bounds = array<i64: 2, 16>, scalar_prefetch = 0 : i64, scratch_operands = 8 : i64, tpu.core_type = #tpu.core_type<sc_vector_subcore>, window_params = [{transform_indices = #map}, {transform_indices = #map}, {transform_indices = #map}]} {
    "tpu.region"() ({
      %run_scoped3A = tpu.sem_alloc : memref<!tpu.dma_semaphore, #tpu.memory_space<semaphore_mem>>
      %dma_start3A_310 = arith.constant 0 : i32
      %dma_start3A_311 = arith.constant 0 : i32
      %dma_start3A_312 = tpu.memref_slice %arg3[%arg1, %dma_start3A_310, %dma_start3A_311] : memref<16x128x80xi32, #tpu.memory_space<hbm>> -> memref<1x128x80xi32, #tpu.memory_space<hbm>>
      %dma_start3A_313 = tpu.memref_squeeze %dma_start3A_312 : memref<1x128x80xi32, #tpu.memory_space<hbm>> -> memref<128x80xi32, #tpu.memory_space<hbm>>
      %dma_start3A_314 = arith.constant 0 : i32
      %dma_start3A_315 = arith.constant 0 : i32
      %dma_start3A_316 = tpu.memref_slice %arg3[%arg1, %dma_start3A_314, %dma_start3A_315] : memref<16x128x80xi32, #tpu.memory_space<hbm>> -> memref<1x128x80xi32, #tpu.memory_space<hbm>>
      %dma_start3A_317 = tpu.memref_squeeze %dma_start3A_316 : memref<1x128x80xi32, #tpu.memory_space<hbm>> -> memref<128x80xi32, #tpu.memory_space<hbm>>
      tpu.enqueue_dma source(%dma_start3A_317 : memref<128x80xi32, #tpu.memory_space<hbm>>) target(%arg5 : memref<128x80xi32, #tpu.memory_space<vmem>>) target_semaphore(%run_scoped3A : memref<!tpu.dma_semaphore, #tpu.memory_space<semaphore_mem>>)
      %dma_wait3A_318 = arith.constant 0 : i32
      %dma_wait3A_319 = arith.constant 0 : i32
      %dma_wait3A_320 = tpu.memref_slice %arg3[%arg1, %dma_wait3A_318, %dma_wait3A_319] : memref<16x128x80xi32, #tpu.memory_space<hbm>> -> memref<1x128x80xi32, #tpu.memory_space<hbm>>
      %dma_wait3A_321 = tpu.memref_squeeze %dma_wait3A_320 : memref<1x128x80xi32, #tpu.memory_space<hbm>> -> memref<128x80xi32, #tpu.memory_space<hbm>>
      %dma_wait3A_322 = arith.constant 0 : i32
      %dma_wait3A_323 = arith.constant 0 : i32
      %dma_wait3A_324 = tpu.memref_slice %arg3[%arg1, %dma_wait3A_322, %dma_wait3A_323] : memref<16x128x80xi32, #tpu.memory_space<hbm>> -> memref<1x128x80xi32, #tpu.memory_space<hbm>>
      %dma_wait3A_325 = tpu.memref_squeeze %dma_wait3A_324 : memref<1x128x80xi32, #tpu.memory_space<hbm>> -> memref<128x80xi32, #tpu.memory_space<hbm>>
      tpu.wait_dma2 semaphore(%run_scoped3A : memref<!tpu.dma_semaphore, #tpu.memory_space<semaphore_mem>>) src(%dma_wait3A_325 : memref<128x80xi32, #tpu.memory_space<hbm>>) dst(%arg5 : memref<128x80xi32, #tpu.memory_space<vmem>>)
      tpu.yield
    }) : () -> ()
    %mul3A = arith.constant 640 : i32
    %mul3A_0 = arith.muli %arg1, %mul3A : i32
    "tpu.region"() ({
      %run_scoped3A = tpu.sem_alloc : memref<!tpu.dma_semaphore, #tpu.memory_space<semaphore_mem>>
      %dma_start3A_310 = arith.constant 0 : i32
      %dma_start3A_311 = tpu.memref_slice %arg9[%mul3A_0, %dma_start3A_310] : memref<10240x128xf32, #tpu.memory_space<vmem_shared>> -> memref<640x128xf32, #tpu.memory_space<vmem_shared>>
      %dma_start3A_312 = arith.constant 0 : i32
      %dma_start3A_313 = tpu.memref_slice %arg2[%arg0, %mul3A_0, %dma_start3A_312] : memref<2x10240x128xf32, #tpu.memory_space<hbm>> -> memref<1x640x128xf32, #tpu.memory_space<hbm>>
      %dma_start3A_314 = tpu.memref_squeeze %dma_start3A_313 : memref<1x640x128xf32, #tpu.memory_space<hbm>> -> memref<640x128xf32, #tpu.memory_space<hbm>>
      tpu.enqueue_dma source(%dma_start3A_314 : memref<640x128xf32, #tpu.memory_space<hbm>>) target(%dma_start3A_311 : memref<640x128xf32, #tpu.memory_space<vmem_shared>>) target_semaphore(%run_scoped3A : memref<!tpu.dma_semaphore, #tpu.memory_space<semaphore_mem>>)
      %dma_wait3A_315 = arith.constant 0 : i32
      %dma_wait3A_316 = tpu.memref_slice %arg9[%mul3A_0, %dma_wait3A_315] : memref<10240x128xf32, #tpu.memory_space<vmem_shared>> -> memref<640x128xf32, #tpu.memory_space<vmem_shared>>
      %dma_wait3A_317 = arith.constant 0 : i32
      %dma_wait3A_318 = tpu.memref_slice %arg2[%arg0, %mul3A_0, %dma_wait3A_317] : memref<2x10240x128xf32, #tpu.memory_space<hbm>> -> memref<1x640x128xf32, #tpu.memory_space<hbm>>
      %dma_wait3A_319 = tpu.memref_squeeze %dma_wait3A_318 : memref<1x640x128xf32, #tpu.memory_space<hbm>> -> memref<640x128xf32, #tpu.memory_space<hbm>>
      tpu.wait_dma2 semaphore(%run_scoped3A : memref<!tpu.dma_semaphore, #tpu.memory_space<semaphore_mem>>) src(%dma_wait3A_319 : memref<640x128xf32, #tpu.memory_space<hbm>>) dst(%dma_wait3A_316 : memref<640x128xf32, #tpu.memory_space<vmem_shared>>)
      tpu.yield
    }) : () -> ()
    %barrier3A = arith.constant 0 : index
    tpu.barrier barrier_id(%barrier3A)
    %rem3A = arith.constant 0 : i32
    %rem3A_1 = arith.constant 8 : i32
    %rem3A_2 = arith.remsi %rem3A, %rem3A_1 : i32
    %get3A = arith.constant 0 : i32
    %get3A_3 = arith.index_cast %get3A : i32 to index
    %get3A_4 = arith.constant 0 : index
    %get3A_5 = tpu.vector_load %arg5[%get3A_3, %get3A_4] {strides = array<i32>} : memref<128x80xi32, #tpu.memory_space<vmem>>, vector<1x16xi32>,
    %get3A_6 = vector.shape_cast %get3A_5 : vector<1x16xi32> to vector<16xi32>
    %shift_right_arithmetic3A = arith.constant 14 : i32
    %shift_right_arithmetic3A_7 = vector.broadcast %shift_right_arithmetic3A : i32 to vector<16xi32>
    %shift_right_arithmetic3A_8 = arith.shrsi %get3A_6, %shift_right_arithmetic3A_7 : vector<16xi32>
    %swap3A = arith.index_cast %rem3A_2 : i32 to index
    %swap3A_9 = arith.constant 0 : index
    %swap3A_10 = tpu.vector_load %arg7[%swap3A, %swap3A_9] {strides = array<i32>} : memref<8x80xi32, #tpu.memory_space<vmem>>, vector<1x16xi32>,
    %swap3A_11 = vector.shape_cast %swap3A_10 : vector<1x16xi32> to vector<16xi32>
    %swap3A_12 = vector.shape_cast %shift_right_arithmetic3A_8 : vector<16xi32> to vector<1x16xi32>
    tpu.vector_store %arg7[%swap3A, %swap3A_9], %swap3A_12 {strides = array<i32>} : memref<8x80xi32, #tpu.memory_space<vmem>>, vector<1x16xi32>,
    %and3A = arith.constant 16383 : i32
    %and3A_13 = vector.broadcast %and3A : i32 to vector<16xi32>
    %and3A_14 = arith.andi %get3A_6, %and3A_13 : vector<16xi32>
    %swap3A_15 = arith.index_cast %rem3A_2 : i32 to index
    %swap3A_16 = arith.constant 0 : index
    %swap3A_17 = tpu.vector_load %arg6[%swap3A_15, %swap3A_16] {strides = array<i32>} : memref<8x80xi32, #tpu.memory_space<vmem>>, vector<1x16xi32>,
    %swap3A_18 = vector.shape_cast %swap3A_17 : vector<1x16xi32> to vector<16xi32>
    %swap3A_19 = vector.shape_cast %and3A_14 : vector<16xi32> to vector<1x16xi32>
    tpu.vector_store %arg6[%swap3A_15, %swap3A_16], %swap3A_19 {strides = array<i32>} : memref<8x80xi32, #tpu.memory_space<vmem>>, vector<1x16xi32>,
    %get3A_20 = arith.constant 0 : i32
    %get3A_21 = arith.index_cast %get3A_20 : i32 to index
    %get3A_22 = arith.constant 16 : index
    %get3A_23 = tpu.vector_load %arg5[%get3A_21, %get3A_22] {strides = array<i32>} : memref<128x80xi32, #tpu.memory_space<vmem>>, vector<1x16xi32>,
    %get3A_24 = vector.shape_cast %get3A_23 : vector<1x16xi32> to vector<16xi32>
    %shift_right_arithmetic3A_25 = arith.constant 14 : i32
    %shift_right_arithmetic3A_26 = vector.broadcast %shift_right_arithmetic3A_25 : i32 to vector<16xi32>
    %shift_right_arithmetic3A_27 = arith.shrsi %get3A_24, %shift_right_arithmetic3A_26 : vector<16xi32>
    %swap3A_28 = arith.index_cast %rem3A_2 : i32 to index
    %swap3A_29 = arith.constant 16 : index
    %swap3A_30 = tpu.vector_load %arg7[%swap3A_28, %swap3A_29] {strides = array<i32>} : memref<8x80xi32, #tpu.memory_space<vmem>>, vector<1x16xi32>,
    %swap3A_31 = vector.shape_cast %swap3A_30 : vector<1x16xi32> to vector<16xi32>
    %swap3A_32 = vector.shape_cast %shift_right_arithmetic3A_27 : vector<16xi32> to vector<1x16xi32>
    tpu.vector_store %arg7[%swap3A_28, %swap3A_29], %swap3A_32 {strides = array<i32>} : memref<8x80xi32, #tpu.memory_space<vmem>>, vector<1x16xi32>,
    %and3A_33 = arith.constant 16383 : i32
    %and3A_34 = vector.broadcast %and3A_33 : i32 to vector<16xi32>
    %and3A_35 = arith.andi %get3A_24, %and3A_34 : vector<16xi32>
    %swap3A_36 = arith.index_cast %rem3A_2 : i32 to index
    %swap3A_37 = arith.constant 16 : index
    %swap3A_38 = tpu.vector_load %arg6[%swap3A_36, %swap3A_37] {strides = array<i32>} : memref<8x80xi32, #tpu.memory_space<vmem>>, vector<1x16xi32>,
    %swap3A_39 = vector.shape_cast %swap3A_38 : vector<1x16xi32> to vector<16xi32>
    %swap3A_40 = vector.shape_cast %and3A_35 : vector<16xi32> to vector<1x16xi32>
    tpu.vector_store %arg6[%swap3A_36, %swap3A_37], %swap3A_40 {strides = array<i32>} : memref<8x80xi32, #tpu.memory_space<vmem>>, vector<1x16xi32>,
    %get3A_41 = arith.constant 0 : i32
    %get3A_42 = arith.index_cast %get3A_41 : i32 to index
    %get3A_43 = arith.constant 32 : index
    %get3A_44 = tpu.vector_load %arg5[%get3A_42, %get3A_43] {strides = array<i32>} : memref<128x80xi32, #tpu.memory_space<vmem>>, vector<1x16xi32>,
    %get3A_45 = vector.shape_cast %get3A_44 : vector<1x16xi32> to vector<16xi32>
    %shift_right_arithmetic3A_46 = arith.constant 14 : i32
    %shift_right_arithmetic3A_47 = vector.broadcast %shift_right_arithmetic3A_46 : i32 to vector<16xi32>
    %shift_right_arithmetic3A_48 = arith.shrsi %get3A_45, %shift_right_arithmetic3A_47 : vector<16xi32>
    %swap3A_49 = arith.index_cast %rem3A_2 : i32 to index
    %swap3A_50 = arith.constant 32 : index
    %swap3A_51 = tpu.vector_load %arg7[%swap3A_49, %swap3A_50] {strides = array<i32>} : memref<8x80xi32, #tpu.memory_space<vmem>>, vector<1x16xi32>,
    %swap3A_52 = vector.shape_cast %swap3A_51 : vector<1x16xi32> to vector<16xi32>
    %swap3A_53 = vector.shape_cast %shift_right_arithmetic3A_48 : vector<16xi32> to vector<1x16xi32>
    tpu.vector_store %arg7[%swap3A_49, %swap3A_50], %swap3A_53 {strides = array<i32>} : memref<8x80xi32, #tpu.memory_space<vmem>>, vector<1x16xi32>,
    %and3A_54 = arith.constant 16383 : i32
    %and3A_55 = vector.broadcast %and3A_54 : i32 to vector<16xi32>
    %and3A_56 = arith.andi %get3A_45, %and3A_55 : vector<16xi32>
    %swap3A_57 = arith.index_cast %rem3A_2 : i32 to index
    %swap3A_58 = arith.constant 32 : index
    %swap3A_59 = tpu.vector_load %arg6[%swap3A_57, %swap3A_58] {strides = array<i32>} : memref<8x80xi32, #tpu.memory_space<vmem>>, vector<1x16xi32>,
    %swap3A_60 = vector.shape_cast %swap3A_59 : vector<1x16xi32> to vector<16xi32>
    %swap3A_61 = vector.shape_cast %and3A_56 : vector<16xi32> to vector<1x16xi32>
    tpu.vector_store %arg6[%swap3A_57, %swap3A_58], %swap3A_61 {strides = array<i32>} : memref<8x80xi32, #tpu.memory_space<vmem>>, vector<1x16xi32>,
    %get3A_62 = arith.constant 0 : i32
    %get3A_63 = arith.index_cast %get3A_62 : i32 to index
    %get3A_64 = arith.constant 48 : index
    %get3A_65 = tpu.vector_load %arg5[%get3A_63, %get3A_64] {strides = array<i32>} : memref<128x80xi32, #tpu.memory_space<vmem>>, vector<1x16xi32>,
    %get3A_66 = vector.shape_cast %get3A_65 : vector<1x16xi32> to vector<16xi32>
    %shift_right_arithmetic3A_67 = arith.constant 14 : i32
    %shift_right_arithmetic3A_68 = vector.broadcast %shift_right_arithmetic3A_67 : i32 to vector<16xi32>
    %shift_right_arithmetic3A_69 = arith.shrsi %get3A_66, %shift_right_arithmetic3A_68 : vector<16xi32>
    %swap3A_70 = arith.index_cast %rem3A_2 : i32 to index
    %swap3A_71 = arith.constant 48 : index
    %swap3A_72 = tpu.vector_load %arg7[%swap3A_70, %swap3A_71] {strides = array<i32>} : memref<8x80xi32, #tpu.memory_space<vmem>>, vector<1x16xi32>,
    %swap3A_73 = vector.shape_cast %swap3A_72 : vector<1x16xi32> to vector<16xi32>
    %swap3A_74 = vector.shape_cast %shift_right_arithmetic3A_69 : vector<16xi32> to vector<1x16xi32>
    tpu.vector_store %arg7[%swap3A_70, %swap3A_71], %swap3A_74 {strides = array<i32>} : memref<8x80xi32, #tpu.memory_space<vmem>>, vector<1x16xi32>,
    %and3A_75 = arith.constant 16383 : i32
    %and3A_76 = vector.broadcast %and3A_75 : i32 to vector<16xi32>
    %and3A_77 = arith.andi %get3A_66, %and3A_76 : vector<16xi32>
    %swap3A_78 = arith.index_cast %rem3A_2 : i32 to index
    %swap3A_79 = arith.constant 48 : index
    %swap3A_80 = tpu.vector_load %arg6[%swap3A_78, %swap3A_79] {strides = array<i32>} : memref<8x80xi32, #tpu.memory_space<vmem>>, vector<1x16xi32>,
    %swap3A_81 = vector.shape_cast %swap3A_80 : vector<1x16xi32> to vector<16xi32>
    %swap3A_82 = vector.shape_cast %and3A_77 : vector<16xi32> to vector<1x16xi32>
    tpu.vector_store %arg6[%swap3A_78, %swap3A_79], %swap3A_82 {strides = array<i32>} : memref<8x80xi32, #tpu.memory_space<vmem>>, vector<1x16xi32>,
    %get3A_83 = arith.constant 0 : i32
    %get3A_84 = arith.index_cast %get3A_83 : i32 to index
    %get3A_85 = arith.constant 64 : index
    %get3A_86 = tpu.vector_load %arg5[%get3A_84, %get3A_85] {strides = array<i32>} : memref<128x80xi32, #tpu.memory_space<vmem>>, vector<1x16xi32>,
    %get3A_87 = vector.shape_cast %get3A_86 : vector<1x16xi32> to vector<16xi32>
    %shift_right_arithmetic3A_88 = arith.constant 14 : i32
    %shift_right_arithmetic3A_89 = vector.broadcast %shift_right_arithmetic3A_88 : i32 to vector<16xi32>
    %shift_right_arithmetic3A_90 = arith.shrsi %get3A_87, %shift_right_arithmetic3A_89 : vector<16xi32>
    %swap3A_91 = arith.index_cast %rem3A_2 : i32 to index
    %swap3A_92 = arith.constant 64 : index
    %swap3A_93 = tpu.vector_load %arg7[%swap3A_91, %swap3A_92] {strides = array<i32>} : memref<8x80xi32, #tpu.memory_space<vmem>>, vector<1x16xi32>,
    %swap3A_94 = vector.shape_cast %swap3A_93 : vector<1x16xi32> to vector<16xi32>
    %swap3A_95 = vector.shape_cast %shift_right_arithmetic3A_90 : vector<16xi32> to vector<1x16xi32>
    tpu.vector_store %arg7[%swap3A_91, %swap3A_92], %swap3A_95 {strides = array<i32>} : memref<8x80xi32, #tpu.memory_space<vmem>>, vector<1x16xi32>,
    %and3A_96 = arith.constant 16383 : i32
    %and3A_97 = vector.broadcast %and3A_96 : i32 to vector<16xi32>
    %and3A_98 = arith.andi %get3A_87, %and3A_97 : vector<16xi32>
    %swap3A_99 = arith.index_cast %rem3A_2 : i32 to index
    %swap3A_100 = arith.constant 64 : index
    %swap3A_101 = tpu.vector_load %arg6[%swap3A_99, %swap3A_100] {strides = array<i32>} : memref<8x80xi32, #tpu.memory_space<vmem>>, vector<1x16xi32>,
    %swap3A_102 = vector.shape_cast %swap3A_101 : vector<1x16xi32> to vector<16xi32>
    %swap3A_103 = vector.shape_cast %and3A_98 : vector<16xi32> to vector<1x16xi32>
    tpu.vector_store %arg6[%swap3A_99, %swap3A_100], %swap3A_103 {strides = array<i32>} : memref<8x80xi32, #tpu.memory_space<vmem>>, vector<1x16xi32>,
    %rem3A_104 = arith.constant 0 : i32
    %rem3A_105 = arith.constant 3 : i32
    %rem3A_106 = arith.remsi %rem3A_104, %rem3A_105 : i32
    %rem3A_107 = arith.constant 0 : i32
    %rem3A_108 = arith.constant 8 : i32
    %rem3A_109 = arith.remsi %rem3A_107, %rem3A_108 : i32
    %dma_start3A = arith.constant 0 : i32
    %dma_start3A_110 = arith.constant 0 : i32
    %dma_start3A_111 = tpu.memref_slice %arg8[%rem3A_106, %dma_start3A, %dma_start3A_110] : memref<3x80x128xf32, #tpu.memory_space<vmem>> -> memref<1x40x128xf32, #tpu.memory_space<vmem>>
    %dma_start3A_112 = tpu.memref_squeeze %dma_start3A_111 : memref<1x40x128xf32, #tpu.memory_space<vmem>> -> memref<40x128xf32, #tpu.memory_space<vmem>>
    %dma_start3A_113 = arith.constant 0 : i32
    %dma_start3A_114 = tpu.memref_slice %arg6[%rem3A_109, %dma_start3A_113] : memref<8x80xi32, #tpu.memory_space<vmem>> -> memref<1x40xi32, #tpu.memory_space<vmem>>
    %dma_start3A_115 = tpu.memref_squeeze %dma_start3A_114 : memref<1x40xi32, #tpu.memory_space<vmem>> -> memref<40xi32, #tpu.memory_space<vmem>>
    %dma_start3A_116 = arith.constant 0 : i32
    %dma_start3A_117 = arith.constant 0 : i32
    %dma_start3A_118 = tpu.memref_slice %arg2[%arg0, %dma_start3A_116, %dma_start3A_117] : memref<2x10240x128xf32, #tpu.memory_space<hbm>> -> memref<1x10240x128xf32, #tpu.memory_space<hbm>>
    %dma_start3A_119 = tpu.memref_squeeze %dma_start3A_118 : memref<1x10240x128xf32, #tpu.memory_space<hbm>> -> memref<10240x128xf32, #tpu.memory_space<hbm>>
    %dma_start3A_120 = arith.constant 0 : i32
    %dma_start3A_121 = arith.constant 0 : i32
    %dma_start3A_122 = tpu.memref_slice %dma_start3A_119[%dma_start3A_120, %dma_start3A_121] : memref<10240x128xf32, #tpu.memory_space<hbm>> -> memref<10240x128xf32, #tpu.memory_space<hbm>>
    %dma_start3A_123 = tpu.memref_slice %arg10[%rem3A_106] : memref<3x!tpu.dma_semaphore, #tpu.memory_space<semaphore_mem>> -> memref<1x!tpu.dma_semaphore, #tpu.memory_space<semaphore_mem>>
    %dma_start3A_124 = tpu.memref_squeeze %dma_start3A_123 : memref<1x!tpu.dma_semaphore, #tpu.memory_space<semaphore_mem>> -> memref<!tpu.dma_semaphore, #tpu.memory_space<semaphore_mem>>
    tpu.enqueue_indirect_dma source(%dma_start3A_122 : memref<10240x128xf32, #tpu.memory_space<hbm>>) target(%dma_start3A_112 : memref<40x128xf32, #tpu.memory_space<vmem>>) offsets(%dma_start3A_115 : memref<40xi32, #tpu.memory_space<vmem>>) semaphore(%dma_start3A_124 : memref<!tpu.dma_semaphore, #tpu.memory_space<semaphore_mem>>)
    %dma_start3A_125 = arith.constant 40 : i32
    %dma_start3A_126 = arith.constant 0 : i32
    %dma_start3A_127 = tpu.memref_slice %arg8[%rem3A_106, %dma_start3A_125, %dma_start3A_126] : memref<3x80x128xf32, #tpu.memory_space<vmem>> -> memref<1x40x128xf32, #tpu.memory_space<vmem>>
    %dma_start3A_128 = tpu.memref_squeeze %dma_start3A_127 : memref<1x40x128xf32, #tpu.memory_space<vmem>> -> memref<40x128xf32, #tpu.memory_space<vmem>>
    %dma_start3A_129 = arith.constant 40 : i32
    %dma_start3A_130 = tpu.memref_slice %arg6[%rem3A_109, %dma_start3A_129] : memref<8x80xi32, #tpu.memory_space<vmem>> -> memref<1x40xi32, #tpu.memory_space<vmem>>
    %dma_start3A_131 = tpu.memref_squeeze %dma_start3A_130 : memref<1x40xi32, #tpu.memory_space<vmem>> -> memref<40xi32, #tpu.memory_space<vmem>>
    %dma_start3A_132 = arith.constant 0 : i32
    %dma_start3A_133 = arith.constant 0 : i32
    %dma_start3A_134 = tpu.memref_slice %arg2[%arg0, %dma_start3A_132, %dma_start3A_133] : memref<2x10240x128xf32, #tpu.memory_space<hbm>> -> memref<1x10240x128xf32, #tpu.memory_space<hbm>>
    %dma_start3A_135 = tpu.memref_squeeze %dma_start3A_134 : memref<1x10240x128xf32, #tpu.memory_space<hbm>> -> memref<10240x128xf32, #tpu.memory_space<hbm>>
    %dma_start3A_136 = arith.constant 0 : i32
    %dma_start3A_137 = arith.constant 0 : i32
    %dma_start3A_138 = tpu.memref_slice %dma_start3A_135[%dma_start3A_136, %dma_start3A_137] : memref<10240x128xf32, #tpu.memory_space<hbm>> -> memref<10240x128xf32, #tpu.memory_space<hbm>>
    %dma_start3A_139 = tpu.memref_slice %arg11[%rem3A_106] : memref<3x!tpu.dma_semaphore, #tpu.memory_space<semaphore_mem>> -> memref<1x!tpu.dma_semaphore, #tpu.memory_space<semaphore_mem>>
    %dma_start3A_140 = tpu.memref_squeeze %dma_start3A_139 : memref<1x!tpu.dma_semaphore, #tpu.memory_space<semaphore_mem>> -> memref<!tpu.dma_semaphore, #tpu.memory_space<semaphore_mem>>
    tpu.enqueue_indirect_dma source(%dma_start3A_138 : memref<10240x128xf32, #tpu.memory_space<hbm>>) target(%dma_start3A_128 : memref<40x128xf32, #tpu.memory_space<vmem>>) offsets(%dma_start3A_131 : memref<40xi32, #tpu.memory_space<vmem>>) semaphore(%dma_start3A_140 : memref<!tpu.dma_semaphore, #tpu.memory_space<semaphore_mem>>)
    %rem3A_141 = arith.constant 1 : i32
    %rem3A_142 = arith.constant 8 : i32
    %rem3A_143 = arith.remsi %rem3A_141, %rem3A_142 : i32
    %get3A_144 = arith.constant 1 : i32
    %get3A_145 = arith.index_cast %get3A_144 : i32 to index
    %get3A_146 = arith.constant 0 : index
    %get3A_147 = tpu.vector_load %arg5[%get3A_145, %get3A_146] {strides = array<i32>} : memref<128x80xi32, #tpu.memory_space<vmem>>, vector<1x16xi32>,
    %get3A_148 = vector.shape_cast %get3A_147 : vector<1x16xi32> to vector<16xi32>
    %shift_right_arithmetic3A_149 = arith.constant 14 : i32
    %shift_right_arithmetic3A_150 = vector.broadcast %shift_right_arithmetic3A_149 : i32 to vector<16xi32>
    %shift_right_arithmetic3A_151 = arith.shrsi %get3A_148, %shift_right_arithmetic3A_150 : vector<16xi32>
    %swap3A_152 = arith.index_cast %rem3A_143 : i32 to index
    %swap3A_153 = arith.constant 0 : index
    %swap3A_154 = tpu.vector_load %arg7[%swap3A_152, %swap3A_153] {strides = array<i32>} : memref<8x80xi32, #tpu.memory_space<vmem>>, vector<1x16xi32>,
    %swap3A_155 = vector.shape_cast %swap3A_154 : vector<1x16xi32> to vector<16xi32>
    %swap3A_156 = vector.shape_cast %shift_right_arithmetic3A_151 : vector<16xi32> to vector<1x16xi32>
    tpu.vector_store %arg7[%swap3A_152, %swap3A_153], %swap3A_156 {strides = array<i32>} : memref<8x80xi32, #tpu.memory_space<vmem>>, vector<1x16xi32>,
    %and3A_157 = arith.constant 16383 : i32
    %and3A_158 = vector.broadcast %and3A_157 : i32 to vector<16xi32>
    %and3A_159 = arith.andi %get3A_148, %and3A_158 : vector<16xi32>
    %swap3A_160 = arith.index_cast %rem3A_143 : i32 to index
    %swap3A_161 = arith.constant 0 : index
    %swap3A_162 = tpu.vector_load %arg6[%swap3A_160, %swap3A_161] {strides = array<i32>} : memref<8x80xi32, #tpu.memory_space<vmem>>, vector<1x16xi32>,
    %swap3A_163 = vector.shape_cast %swap3A_162 : vector<1x16xi32> to vector<16xi32>
    %swap3A_164 = vector.shape_cast %and3A_159 : vector<16xi32> to vector<1x16xi32>
    tpu.vector_store %arg6[%swap3A_160, %swap3A_161], %swap3A_164 {strides = array<i32>} : memref<8x80xi32, #tpu.memory_space<vmem>>, vector<1x16xi32>,
    %get3A_165 = arith.constant 1 : i32
    %get3A_166 = arith.index_cast %get3A_165 : i32 to index
    %get3A_167 = arith.constant 16 : index
    %get3A_168 = tpu.vector_load %arg5[%get3A_166, %get3A_167] {strides = array<i32>} : memref<128x80xi32, #tpu.memory_space<vmem>>, vector<1x16xi32>,
    %get3A_169 = vector.shape_cast %get3A_168 : vector<1x16xi32> to vector<16xi32>
    %shift_right_arithmetic3A_170 = arith.constant 14 : i32
    %shift_right_arithmetic3A_171 = vector.broadcast %shift_right_arithmetic3A_170 : i32 to vector<16xi32>
    %shift_right_arithmetic3A_172 = arith.shrsi %get3A_169, %shift_right_arithmetic3A_171 : vector<16xi32>
    %swap3A_173 = arith.index_cast %rem3A_143 : i32 to index
    %swap3A_174 = arith.constant 16 : index
    %swap3A_175 = tpu.vector_load %arg7[%swap3A_173, %swap3A_174] {strides = array<i32>} : memref<8x80xi32, #tpu.memory_space<vmem>>, vector<1x16xi32>,
    %swap3A_176 = vector.shape_cast %swap3A_175 : vector<1x16xi32> to vector<16xi32>
    %swap3A_177 = vector.shape_cast %shift_right_arithmetic3A_172 : vector<16xi32> to vector<1x16xi32>
    tpu.vector_store %arg7[%swap3A_173, %swap3A_174], %swap3A_177 {strides = array<i32>} : memref<8x80xi32, #tpu.memory_space<vmem>>, vector<1x16xi32>,
    %and3A_178 = arith.constant 16383 : i32
    %and3A_179 = vector.broadcast %and3A_178 : i32 to vector<16xi32>
    %and3A_180 = arith.andi %get3A_169, %and3A_179 : vector<16xi32>
    %swap3A_181 = arith.index_cast %rem3A_143 : i32 to index
    %swap3A_182 = arith.constant 16 : index
    %swap3A_183 = tpu.vector_load %arg6[%swap3A_181, %swap3A_182] {strides = array<i32>} : memref<8x80xi32, #tpu.memory_space<vmem>>, vector<1x16xi32>,
    %swap3A_184 = vector.shape_cast %swap3A_183 : vector<1x16xi32> to vector<16xi32>
    %swap3A_185 = vector.shape_cast %and3A_180 : vector<16xi32> to vector<1x16xi32>
    tpu.vector_store %arg6[%swap3A_181, %swap3A_182], %swap3A_185 {strides = array<i32>} : memref<8x80xi32, #tpu.memory_space<vmem>>, vector<1x16xi32>,
    %get3A_186 = arith.constant 1 : i32
    %get3A_187 = arith.index_cast %get3A_186 : i32 to index
    %get3A_188 = arith.constant 32 : index
    %get3A_189 = tpu.vector_load %arg5[%get3A_187, %get3A_188] {strides = array<i32>} : memref<128x80xi32, #tpu.memory_space<vmem>>, vector<1x16xi32>,
    %get3A_190 = vector.shape_cast %get3A_189 : vector<1x16xi32> to vector<16xi32>
    %shift_right_arithmetic3A_191 = arith.constant 14 : i32
    %shift_right_arithmetic3A_192 = vector.broadcast %shift_right_arithmetic3A_191 : i32 to vector<16xi32>
    %shift_right_arithmetic3A_193 = arith.shrsi %get3A_190, %shift_right_arithmetic3A_192 : vector<16xi32>
    %swap3A_194 = arith.index_cast %rem3A_143 : i32 to index
    %swap3A_195 = arith.constant 32 : index
    %swap3A_196 = tpu.vector_load %arg7[%swap3A_194, %swap3A_195] {strides = array<i32>} : memref<8x80xi32, #tpu.memory_space<vmem>>, vector<1x16xi32>,
    %swap3A_197 = vector.shape_cast %swap3A_196 : vector<1x16xi32> to vector<16xi32>
    %swap3A_198 = vector.shape_cast %shift_right_arithmetic3A_193 : vector<16xi32> to vector<1x16xi32>
    tpu.vector_store %arg7[%swap3A_194, %swap3A_195], %swap3A_198 {strides = array<i32>} : memref<8x80xi32, #tpu.memory_space<vmem>>, vector<1x16xi32>,
    %and3A_199 = arith.constant 16383 : i32
    %and3A_200 = vector.broadcast %and3A_199 : i32 to vector<16xi32>
    %and3A_201 = arith.andi %get3A_190, %and3A_200 : vector<16xi32>
    %swap3A_202 = arith.index_cast %rem3A_143 : i32 to index
    %swap3A_203 = arith.constant 32 : index
    %swap3A_204 = tpu.vector_load %arg6[%swap3A_202, %swap3A_203] {strides = array<i32>} : memref<8x80xi32, #tpu.memory_space<vmem>>, vector<1x16xi32>,
    %swap3A_205 = vector.shape_cast %swap3A_204 : vector<1x16xi32> to vector<16xi32>
    %swap3A_206 = vector.shape_cast %and3A_201 : vector<16xi32> to vector<1x16xi32>
    tpu.vector_store %arg6[%swap3A_202, %swap3A_203], %swap3A_206 {strides = array<i32>} : memref<8x80xi32, #tpu.memory_space<vmem>>, vector<1x16xi32>,
    %get3A_207 = arith.constant 1 : i32
    %get3A_208 = arith.index_cast %get3A_207 : i32 to index
    %get3A_209 = arith.constant 48 : index
    %get3A_210 = tpu.vector_load %arg5[%get3A_208, %get3A_209] {strides = array<i32>} : memref<128x80xi32, #tpu.memory_space<vmem>>, vector<1x16xi32>,
    %get3A_211 = vector.shape_cast %get3A_210 : vector<1x16xi32> to vector<16xi32>
    %shift_right_arithmetic3A_212 = arith.constant 14 : i32
    %shift_right_arithmetic3A_213 = vector.broadcast %shift_right_arithmetic3A_212 : i32 to vector<16xi32>
    %shift_right_arithmetic3A_214 = arith.shrsi %get3A_211, %shift_right_arithmetic3A_213 : vector<16xi32>
    %swap3A_215 = arith.index_cast %rem3A_143 : i32 to index
    %swap3A_216 = arith.constant 48 : index
    %swap3A_217 = tpu.vector_load %arg7[%swap3A_215, %swap3A_216] {strides = array<i32>} : memref<8x80xi32, #tpu.memory_space<vmem>>, vector<1x16xi32>,
    %swap3A_218 = vector.shape_cast %swap3A_217 : vector<1x16xi32> to vector<16xi32>
    %swap3A_219 = vector.shape_cast %shift_right_arithmetic3A_214 : vector<16xi32> to vector<1x16xi32>
    tpu.vector_store %arg7[%swap3A_215, %swap3A_216], %swap3A_219 {strides = array<i32>} : memref<8x80xi32, #tpu.memory_space<vmem>>, vector<1x16xi32>,
    %and3A_220 = arith.constant 16383 : i32
    %and3A_221 = vector.broadcast %and3A_220 : i32 to vector<16xi32>
    %and3A_222 = arith.andi %get3A_211, %and3A_221 : vector<16xi32>
    %swap3A_223 = arith.index_cast %rem3A_143 : i32 to index
    %swap3A_224 = arith.constant 48 : index
    %swap3A_225 = tpu.vector_load %arg6[%swap3A_223, %swap3A_224] {strides = array<i32>} : memref<8x80xi32, #tpu.memory_space<vmem>>, vector<1x16xi32>,
    %swap3A_226 = vector.shape_cast %swap3A_225 : vector<1x16xi32> to vector<16xi32>
    %swap3A_227 = vector.shape_cast %and3A_222 : vector<16xi32> to vector<1x16xi32>
    tpu.vector_store %arg6[%swap3A_223, %swap3A_224], %swap3A_227 {strides = array<i32>} : memref<8x80xi32, #tpu.memory_space<vmem>>, vector<1x16xi32>,
    %get3A_228 = arith.constant 1 : i32
    %get3A_229 = arith.index_cast %get3A_228 : i32 to index
    %get3A_230 = arith.constant 64 : index
    %get3A_231 = tpu.vector_load %arg5[%get3A_229, %get3A_230] {strides = array<i32>} : memref<128x80xi32, #tpu.memory_space<vmem>>, vector<1x16xi32>,
    %get3A_232 = vector.shape_cast %get3A_231 : vector<1x16xi32> to vector<16xi32>
    %shift_right_arithmetic3A_233 = arith.constant 14 : i32
    %shift_right_arithmetic3A_234 = vector.broadcast %shift_right_arithmetic3A_233 : i32 to vector<16xi32>
    %shift_right_arithmetic3A_235 = arith.shrsi %get3A_232, %shift_right_arithmetic3A_234 : vector<16xi32>
    %swap3A_236 = arith.index_cast %rem3A_143 : i32 to index
    %swap3A_237 = arith.constant 64 : index
    %swap3A_238 = tpu.vector_load %arg7[%swap3A_236, %swap3A_237] {strides = array<i32>} : memref<8x80xi32, #tpu.memory_space<vmem>>, vector<1x16xi32>,
    %swap3A_239 = vector.shape_cast %swap3A_238 : vector<1x16xi32> to vector<16xi32>
    %swap3A_240 = vector.shape_cast %shift_right_arithmetic3A_235 : vector<16xi32> to vector<1x16xi32>
    tpu.vector_store %arg7[%swap3A_236, %swap3A_237], %swap3A_240 {strides = array<i32>} : memref<8x80xi32, #tpu.memory_space<vmem>>, vector<1x16xi32>,
    %and3A_241 = arith.constant 16383 : i32
    %and3A_242 = vector.broadcast %and3A_241 : i32 to vector<16xi32>
    %and3A_243 = arith.andi %get3A_232, %and3A_242 : vector<16xi32>
    %swap3A_244 = arith.index_cast %rem3A_143 : i32 to index
    %swap3A_245 = arith.constant 64 : index
    %swap3A_246 = tpu.vector_load %arg6[%swap3A_244, %swap3A_245] {strides = array<i32>} : memref<8x80xi32, #tpu.memory_space<vmem>>, vector<1x16xi32>,
    %swap3A_247 = vector.shape_cast %swap3A_246 : vector<1x16xi32> to vector<16xi32>
    %swap3A_248 = vector.shape_cast %and3A_243 : vector<16xi32> to vector<1x16xi32>
    tpu.vector_store %arg6[%swap3A_244, %swap3A_245], %swap3A_248 {strides = array<i32>} : memref<8x80xi32, #tpu.memory_space<vmem>>, vector<1x16xi32>,
    %rem3A_249 = arith.constant 1 : i32
    %rem3A_250 = arith.constant 3 : i32
    %rem3A_251 = arith.remsi %rem3A_249, %rem3A_250 : i32
    %rem3A_252 = arith.constant 1 : i32
    %rem3A_253 = arith.constant 8 : i32
    %rem3A_254 = arith.remsi %rem3A_252, %rem3A_253 : i32
    %dma_start3A_255 = arith.constant 0 : i32
    %dma_start3A_256 = arith.constant 0 : i32
    %dma_start3A_257 = tpu.memref_slice %arg8[%rem3A_251, %dma_start3A_255, %dma_start3A_256] : memref<3x80x128xf32, #tpu.memory_space<vmem>> -> memref<1x40x128xf32, #tpu.memory_space<vmem>>
    %dma_start3A_258 = tpu.memref_squeeze %dma_start3A_257 : memref<1x40x128xf32, #tpu.memory_space<vmem>> -> memref<40x128xf32, #tpu.memory_space<vmem>>
    %dma_start3A_259 = arith.constant 0 : i32
    %dma_start3A_260 = tpu.memref_slice %arg6[%rem3A_254, %dma_start3A_259] : memref<8x80xi32, #tpu.memory_space<vmem>> -> memref<1x40xi32, #tpu.memory_space<vmem>>
    %dma_start3A_261 = tpu.memref_squeeze %dma_start3A_260 : memref<1x40xi32, #tpu.memory_space<vmem>> -> memref<40xi32, #tpu.memory_space<vmem>>
    %dma_start3A_262 = arith.constant 0 : i32
    %dma_start3A_263 = arith.constant 0 : i32
    %dma_start3A_264 = tpu.memref_slice %arg2[%arg0, %dma_start3A_262, %dma_start3A_263] : memref<2x10240x128xf32, #tpu.memory_space<hbm>> -> memref<1x10240x128xf32, #tpu.memory_space<hbm>>
    %dma_start3A_265 = tpu.memref_squeeze %dma_start3A_264 : memref<1x10240x128xf32, #tpu.memory_space<hbm>> -> memref<10240x128xf32, #tpu.memory_space<hbm>>
    %dma_start3A_266 = arith.constant 0 : i32
    %dma_start3A_267 = arith.constant 0 : i32
    %dma_start3A_268 = tpu.memref_slice %dma_start3A_265[%dma_start3A_266, %dma_start3A_267] : memref<10240x128xf32, #tpu.memory_space<hbm>> -> memref<10240x128xf32, #tpu.memory_space<hbm>>
    %dma_start3A_269 = tpu.memref_slice %arg10[%rem3A_251] : memref<3x!tpu.dma_semaphore, #tpu.memory_space<semaphore_mem>> -> memref<1x!tpu.dma_semaphore, #tpu.memory_space<semaphore_mem>>
    %dma_start3A_270 = tpu.memref_squeeze %dma_start3A_269 : memref<1x!tpu.dma_semaphore, #tpu.memory_space<semaphore_mem>> -> memref<!tpu.dma_semaphore, #tpu.memory_space<semaphore_mem>>
    tpu.enqueue_indirect_dma source(%dma_start3A_268 : memref<10240x128xf32, #tpu.memory_space<hbm>>) target(%dma_start3A_258 : memref<40x128xf32, #tpu.memory_space<vmem>>) offsets(%dma_start3A_261 : memref<40xi32, #tpu.memory_space<vmem>>) semaphore(%dma_start3A_270 : memref<!tpu.dma_semaphore, #tpu.memory_space<semaphore_mem>>)
    %dma_start3A_271 = arith.constant 40 : i32
    %dma_start3A_272 = arith.constant 0 : i32
    %dma_start3A_273 = tpu.memref_slice %arg8[%rem3A_251, %dma_start3A_271, %dma_start3A_272] : memref<3x80x128xf32, #tpu.memory_space<vmem>> -> memref<1x40x128xf32, #tpu.memory_space<vmem>>
    %dma_start3A_274 = tpu.memref_squeeze %dma_start3A_273 : memref<1x40x128xf32, #tpu.memory_space<vmem>> -> memref<40x128xf32, #tpu.memory_space<vmem>>
    %dma_start3A_275 = arith.constant 40 : i32
    %dma_start3A_276 = tpu.memref_slice %arg6[%rem3A_254, %dma_start3A_275] : memref<8x80xi32, #tpu.memory_space<vmem>> -> memref<1x40xi32, #tpu.memory_space<vmem>>
    %dma_start3A_277 = tpu.memref_squeeze %dma_start3A_276 : memref<1x40xi32, #tpu.memory_space<vmem>> -> memref<40xi32, #tpu.memory_space<vmem>>
    %dma_start3A_278 = arith.constant 0 : i32
    %dma_start3A_279 = arith.constant 0 : i32
    %dma_start3A_280 = tpu.memref_slice %arg2[%arg0, %dma_start3A_278, %dma_start3A_279] : memref<2x10240x128xf32, #tpu.memory_space<hbm>> -> memref<1x10240x128xf32, #tpu.memory_space<hbm>>
    %dma_start3A_281 = tpu.memref_squeeze %dma_start3A_280 : memref<1x10240x128xf32, #tpu.memory_space<hbm>> -> memref<10240x128xf32, #tpu.memory_space<hbm>>
    %dma_start3A_282 = arith.constant 0 : i32
    %dma_start3A_283 = arith.constant 0 : i32
    %dma_start3A_284 = tpu.memref_slice %dma_start3A_281[%dma_start3A_282, %dma_start3A_283] : memref<10240x128xf32, #tpu.memory_space<hbm>> -> memref<10240x128xf32, #tpu.memory_space<hbm>>
    %dma_start3A_285 = tpu.memref_slice %arg11[%rem3A_251] : memref<3x!tpu.dma_semaphore, #tpu.memory_space<semaphore_mem>> -> memref<1x!tpu.dma_semaphore, #tpu.memory_space<semaphore_mem>>
    %dma_start3A_286 = tpu.memref_squeeze %dma_start3A_285 : memref<1x!tpu.dma_semaphore, #tpu.memory_space<semaphore_mem>> -> memref<!tpu.dma_semaphore, #tpu.memory_space<semaphore_mem>>
    tpu.enqueue_indirect_dma source(%dma_start3A_284 : memref<10240x128xf32, #tpu.memory_space<hbm>>) target(%dma_start3A_274 : memref<40x128xf32, #tpu.memory_space<vmem>>) offsets(%dma_start3A_277 : memref<40xi32, #tpu.memory_space<vmem>>) semaphore(%dma_start3A_286 : memref<!tpu.dma_semaphore, #tpu.memory_space<semaphore_mem>>)
    %scan3A = arith.constant 0 : i32
    %scan3A_287 = arith.constant 0 : i32
    %scan3A_288 = arith.constant 128 : i32
    %scan3A_289 = arith.addi %scan3A_287, %scan3A_288 : i32
    %scan3A_290 = arith.constant 1 : i32
    scf.for %scan3A_310 = %scan3A_287 to %scan3A_289 step %scan3A_290  : i32 {
      %add3A = arith.constant 2 : i32
      %add3A_311 = arith.addi %scan3A_310, %add3A : i32
      %lt3A = arith.constant 128 : i32
      %lt3A_312 = arith.cmpi slt, %add3A_311, %lt3A : i32
      %convert_element_type3A = arith.extui %lt3A_312 : i1 to i32
      %cond3A = arith.constant 0 : i32
      %cond3A_313 = arith.cmpi ne, %convert_element_type3A, %cond3A : i32
      scf.if %cond3A_313 {
        %add3A_377 = arith.constant 2 : i32
        %add3A_378 = arith.addi %scan3A_310, %add3A_377 : i32
        %rem3A_379 = arith.constant 8 : i32
        %rem3A_380 = arith.remsi %add3A_378, %rem3A_379 : i32
        %get3A_381 = arith.index_cast %add3A_378 : i32 to index
        %get3A_382 = arith.constant 0 : index
        %get3A_383 = tpu.vector_load %arg5[%get3A_381, %get3A_382] {strides = array<i32>} : memref<128x80xi32, #tpu.memory_space<vmem>>, vector<1x16xi32>,
        %get3A_384 = vector.shape_cast %get3A_383 : vector<1x16xi32> to vector<16xi32>
        %shift_right_arithmetic3A_385 = arith.constant 14 : i32
        %shift_right_arithmetic3A_386 = vector.broadcast %shift_right_arithmetic3A_385 : i32 to vector<16xi32>
        %shift_right_arithmetic3A_387 = arith.shrsi %get3A_384, %shift_right_arithmetic3A_386 : vector<16xi32>
        %swap3A_388 = arith.index_cast %rem3A_380 : i32 to index
        %swap3A_389 = arith.constant 0 : index
        %swap3A_390 = tpu.vector_load %arg7[%swap3A_388, %swap3A_389] {strides = array<i32>} : memref<8x80xi32, #tpu.memory_space<vmem>>, vector<1x16xi32>,
        %swap3A_391 = vector.shape_cast %swap3A_390 : vector<1x16xi32> to vector<16xi32>
        %swap3A_392 = vector.shape_cast %shift_right_arithmetic3A_387 : vector<16xi32> to vector<1x16xi32>
        tpu.vector_store %arg7[%swap3A_388, %swap3A_389], %swap3A_392 {strides = array<i32>} : memref<8x80xi32, #tpu.memory_space<vmem>>, vector<1x16xi32>,
        %and3A_393 = arith.constant 16383 : i32
        %and3A_394 = vector.broadcast %and3A_393 : i32 to vector<16xi32>
        %and3A_395 = arith.andi %get3A_384, %and3A_394 : vector<16xi32>
        %swap3A_396 = arith.index_cast %rem3A_380 : i32 to index
        %swap3A_397 = arith.constant 0 : index
        %swap3A_398 = tpu.vector_load %arg6[%swap3A_396, %swap3A_397] {strides = array<i32>} : memref<8x80xi32, #tpu.memory_space<vmem>>, vector<1x16xi32>,
        %swap3A_399 = vector.shape_cast %swap3A_398 : vector<1x16xi32> to vector<16xi32>
        %swap3A_400 = vector.shape_cast %and3A_395 : vector<16xi32> to vector<1x16xi32>
        tpu.vector_store %arg6[%swap3A_396, %swap3A_397], %swap3A_400 {strides = array<i32>} : memref<8x80xi32, #tpu.memory_space<vmem>>, vector<1x16xi32>,
        %get3A_401 = arith.index_cast %add3A_378 : i32 to index
        %get3A_402 = arith.constant 16 : index
        %get3A_403 = tpu.vector_load %arg5[%get3A_401, %get3A_402] {strides = array<i32>} : memref<128x80xi32, #tpu.memory_space<vmem>>, vector<1x16xi32>,
        %get3A_404 = vector.shape_cast %get3A_403 : vector<1x16xi32> to vector<16xi32>
        %shift_right_arithmetic3A_405 = arith.constant 14 : i32
        %shift_right_arithmetic3A_406 = vector.broadcast %shift_right_arithmetic3A_405 : i32 to vector<16xi32>
        %shift_right_arithmetic3A_407 = arith.shrsi %get3A_404, %shift_right_arithmetic3A_406 : vector<16xi32>
        %swap3A_408 = arith.index_cast %rem3A_380 : i32 to index
        %swap3A_409 = arith.constant 16 : index
        %swap3A_410 = tpu.vector_load %arg7[%swap3A_408, %swap3A_409] {strides = array<i32>} : memref<8x80xi32, #tpu.memory_space<vmem>>, vector<1x16xi32>,
        %swap3A_411 = vector.shape_cast %swap3A_410 : vector<1x16xi32> to vector<16xi32>
        %swap3A_412 = vector.shape_cast %shift_right_arithmetic3A_407 : vector<16xi32> to vector<1x16xi32>
        tpu.vector_store %arg7[%swap3A_408, %swap3A_409], %swap3A_412 {strides = array<i32>} : memref<8x80xi32, #tpu.memory_space<vmem>>, vector<1x16xi32>,
        %and3A_413 = arith.constant 16383 : i32
        %and3A_414 = vector.broadcast %and3A_413 : i32 to vector<16xi32>
        %and3A_415 = arith.andi %get3A_404, %and3A_414 : vector<16xi32>
        %swap3A_416 = arith.index_cast %rem3A_380 : i32 to index
        %swap3A_417 = arith.constant 16 : index
        %swap3A_418 = tpu.vector_load %arg6[%swap3A_416, %swap3A_417] {strides = array<i32>} : memref<8x80xi32, #tpu.memory_space<vmem>>, vector<1x16xi32>,
        %swap3A_419 = vector.shape_cast %swap3A_418 : vector<1x16xi32> to vector<16xi32>
        %swap3A_420 = vector.shape_cast %and3A_415 : vector<16xi32> to vector<1x16xi32>
        tpu.vector_store %arg6[%swap3A_416, %swap3A_417], %swap3A_420 {strides = array<i32>} : memref<8x80xi32, #tpu.memory_space<vmem>>, vector<1x16xi32>,
        %get3A_421 = arith.index_cast %add3A_378 : i32 to index
        %get3A_422 = arith.constant 32 : index
        %get3A_423 = tpu.vector_load %arg5[%get3A_421, %get3A_422] {strides = array<i32>} : memref<128x80xi32, #tpu.memory_space<vmem>>, vector<1x16xi32>,
        %get3A_424 = vector.shape_cast %get3A_423 : vector<1x16xi32> to vector<16xi32>
        %shift_right_arithmetic3A_425 = arith.constant 14 : i32
        %shift_right_arithmetic3A_426 = vector.broadcast %shift_right_arithmetic3A_425 : i32 to vector<16xi32>
        %shift_right_arithmetic3A_427 = arith.shrsi %get3A_424, %shift_right_arithmetic3A_426 : vector<16xi32>
        %swap3A_428 = arith.index_cast %rem3A_380 : i32 to index
        %swap3A_429 = arith.constant 32 : index
        %swap3A_430 = tpu.vector_load %arg7[%swap3A_428, %swap3A_429] {strides = array<i32>} : memref<8x80xi32, #tpu.memory_space<vmem>>, vector<1x16xi32>,
        %swap3A_431 = vector.shape_cast %swap3A_430 : vector<1x16xi32> to vector<16xi32>
        %swap3A_432 = vector.shape_cast %shift_right_arithmetic3A_427 : vector<16xi32> to vector<1x16xi32>
        tpu.vector_store %arg7[%swap3A_428, %swap3A_429], %swap3A_432 {strides = array<i32>} : memref<8x80xi32, #tpu.memory_space<vmem>>, vector<1x16xi32>,
        %and3A_433 = arith.constant 16383 : i32
        %and3A_434 = vector.broadcast %and3A_433 : i32 to vector<16xi32>
        %and3A_435 = arith.andi %get3A_424, %and3A_434 : vector<16xi32>
        %swap3A_436 = arith.index_cast %rem3A_380 : i32 to index
        %swap3A_437 = arith.constant 32 : index
        %swap3A_438 = tpu.vector_load %arg6[%swap3A_436, %swap3A_437] {strides = array<i32>} : memref<8x80xi32, #tpu.memory_space<vmem>>, vector<1x16xi32>,
        %swap3A_439 = vector.shape_cast %swap3A_438 : vector<1x16xi32> to vector<16xi32>
        %swap3A_440 = vector.shape_cast %and3A_435 : vector<16xi32> to vector<1x16xi32>
        tpu.vector_store %arg6[%swap3A_436, %swap3A_437], %swap3A_440 {strides = array<i32>} : memref<8x80xi32, #tpu.memory_space<vmem>>, vector<1x16xi32>,
        %get3A_441 = arith.index_cast %add3A_378 : i32 to index
        %get3A_442 = arith.constant 48 : index
        %get3A_443 = tpu.vector_load %arg5[%get3A_441, %get3A_442] {strides = array<i32>} : memref<128x80xi32, #tpu.memory_space<vmem>>, vector<1x16xi32>,
        %get3A_444 = vector.shape_cast %get3A_443 : vector<1x16xi32> to vector<16xi32>
        %shift_right_arithmetic3A_445 = arith.constant 14 : i32
        %shift_right_arithmetic3A_446 = vector.broadcast %shift_right_arithmetic3A_445 : i32 to vector<16xi32>
        %shift_right_arithmetic3A_447 = arith.shrsi %get3A_444, %shift_right_arithmetic3A_446 : vector<16xi32>
        %swap3A_448 = arith.index_cast %rem3A_380 : i32 to index
        %swap3A_449 = arith.constant 48 : index
        %swap3A_450 = tpu.vector_load %arg7[%swap3A_448, %swap3A_449] {strides = array<i32>} : memref<8x80xi32, #tpu.memory_space<vmem>>, vector<1x16xi32>,
        %swap3A_451 = vector.shape_cast %swap3A_450 : vector<1x16xi32> to vector<16xi32>
        %swap3A_452 = vector.shape_cast %shift_right_arithmetic3A_447 : vector<16xi32> to vector<1x16xi32>
        tpu.vector_store %arg7[%swap3A_448, %swap3A_449], %swap3A_452 {strides = array<i32>} : memref<8x80xi32, #tpu.memory_space<vmem>>, vector<1x16xi32>,
        %and3A_453 = arith.constant 16383 : i32
        %and3A_454 = vector.broadcast %and3A_453 : i32 to vector<16xi32>
        %and3A_455 = arith.andi %get3A_444, %and3A_454 : vector<16xi32>
        %swap3A_456 = arith.index_cast %rem3A_380 : i32 to index
        %swap3A_457 = arith.constant 48 : index
        %swap3A_458 = tpu.vector_load %arg6[%swap3A_456, %swap3A_457] {strides = array<i32>} : memref<8x80xi32, #tpu.memory_space<vmem>>, vector<1x16xi32>,
        %swap3A_459 = vector.shape_cast %swap3A_458 : vector<1x16xi32> to vector<16xi32>
        %swap3A_460 = vector.shape_cast %and3A_455 : vector<16xi32> to vector<1x16xi32>
        tpu.vector_store %arg6[%swap3A_456, %swap3A_457], %swap3A_460 {strides = array<i32>} : memref<8x80xi32, #tpu.memory_space<vmem>>, vector<1x16xi32>,
        %get3A_461 = arith.index_cast %add3A_378 : i32 to index
        %get3A_462 = arith.constant 64 : index
        %get3A_463 = tpu.vector_load %arg5[%get3A_461, %get3A_462] {strides = array<i32>} : memref<128x80xi32, #tpu.memory_space<vmem>>, vector<1x16xi32>,
        %get3A_464 = vector.shape_cast %get3A_463 : vector<1x16xi32> to vector<16xi32>
        %shift_right_arithmetic3A_465 = arith.constant 14 : i32
        %shift_right_arithmetic3A_466 = vector.broadcast %shift_right_arithmetic3A_465 : i32 to vector<16xi32>
        %shift_right_arithmetic3A_467 = arith.shrsi %get3A_464, %shift_right_arithmetic3A_466 : vector<16xi32>
        %swap3A_468 = arith.index_cast %rem3A_380 : i32 to index
        %swap3A_469 = arith.constant 64 : index
        %swap3A_470 = tpu.vector_load %arg7[%swap3A_468, %swap3A_469] {strides = array<i32>} : memref<8x80xi32, #tpu.memory_space<vmem>>, vector<1x16xi32>,
        %swap3A_471 = vector.shape_cast %swap3A_470 : vector<1x16xi32> to vector<16xi32>
        %swap3A_472 = vector.shape_cast %shift_right_arithmetic3A_467 : vector<16xi32> to vector<1x16xi32>
        tpu.vector_store %arg7[%swap3A_468, %swap3A_469], %swap3A_472 {strides = array<i32>} : memref<8x80xi32, #tpu.memory_space<vmem>>, vector<1x16xi32>,
        %and3A_473 = arith.constant 16383 : i32
        %and3A_474 = vector.broadcast %and3A_473 : i32 to vector<16xi32>
        %and3A_475 = arith.andi %get3A_464, %and3A_474 : vector<16xi32>
        %swap3A_476 = arith.index_cast %rem3A_380 : i32 to index
        %swap3A_477 = arith.constant 64 : index
        %swap3A_478 = tpu.vector_load %arg6[%swap3A_476, %swap3A_477] {strides = array<i32>} : memref<8x80xi32, #tpu.memory_space<vmem>>, vector<1x16xi32>,
        %swap3A_479 = vector.shape_cast %swap3A_478 : vector<1x16xi32> to vector<16xi32>
        %swap3A_480 = vector.shape_cast %and3A_475 : vector<16xi32> to vector<1x16xi32>
        tpu.vector_store %arg6[%swap3A_476, %swap3A_477], %swap3A_480 {strides = array<i32>} : memref<8x80xi32, #tpu.memory_space<vmem>>, vector<1x16xi32>,
      } else {
      }
      %rem3A_314 = arith.constant 3 : i32
      %rem3A_315 = arith.remsi %scan3A_310, %rem3A_314 : i32
      %rem3A_316 = arith.constant 8 : i32
      %rem3A_317 = arith.remsi %scan3A_310, %rem3A_316 : i32
      %dma_wait3A_318 = arith.constant 0 : i32
      %dma_wait3A_319 = arith.constant 0 : i32
      %dma_wait3A_320 = tpu.memref_slice %arg8[%rem3A_315, %dma_wait3A_318, %dma_wait3A_319] : memref<3x80x128xf32, #tpu.memory_space<vmem>> -> memref<1x40x128xf32, #tpu.memory_space<vmem>>
      %dma_wait3A_321 = tpu.memref_squeeze %dma_wait3A_320 : memref<1x40x128xf32, #tpu.memory_space<vmem>> -> memref<40x128xf32, #tpu.memory_space<vmem>>
      %dma_wait3A_322 = arith.constant 0 : i32
      %dma_wait3A_323 = tpu.memref_slice %arg6[%rem3A_317, %dma_wait3A_322] : memref<8x80xi32, #tpu.memory_space<vmem>> -> memref<1x40xi32, #tpu.memory_space<vmem>>
      %dma_wait3A_324 = tpu.memref_squeeze %dma_wait3A_323 : memref<1x40xi32, #tpu.memory_space<vmem>> -> memref<40xi32, #tpu.memory_space<vmem>>
      %dma_wait3A_325 = arith.constant 0 : i32
      %dma_wait3A_326 = arith.constant 0 : i32
      %dma_wait3A_327 = tpu.memref_slice %arg2[%arg0, %dma_wait3A_325, %dma_wait3A_326] : memref<2x10240x128xf32, #tpu.memory_space<hbm>> -> memref<1x10240x128xf32, #tpu.memory_space<hbm>>
      %dma_wait3A_328 = tpu.memref_squeeze %dma_wait3A_327 : memref<1x10240x128xf32, #tpu.memory_space<hbm>> -> memref<10240x128xf32, #tpu.memory_space<hbm>>
      %dma_wait3A_329 = arith.constant 0 : i32
      %dma_wait3A_330 = arith.constant 0 : i32
      %dma_wait3A_331 = tpu.memref_slice %dma_wait3A_328[%dma_wait3A_329, %dma_wait3A_330] : memref<10240x128xf32, #tpu.memory_space<hbm>> -> memref<10240x128xf32, #tpu.memory_space<hbm>>
      %dma_wait3A_332 = tpu.memref_slice %arg10[%rem3A_315] : memref<3x!tpu.dma_semaphore, #tpu.memory_space<semaphore_mem>> -> memref<1x!tpu.dma_semaphore, #tpu.memory_space<semaphore_mem>>
      %dma_wait3A_333 = tpu.memref_squeeze %dma_wait3A_332 : memref<1x!tpu.dma_semaphore, #tpu.memory_space<semaphore_mem>> -> memref<!tpu.dma_semaphore, #tpu.memory_space<semaphore_mem>>
      tpu.wait_indirect_dma semaphore(%dma_wait3A_333 : memref<!tpu.dma_semaphore, #tpu.memory_space<semaphore_mem>>) src(%dma_wait3A_331 : memref<10240x128xf32, #tpu.memory_space<hbm>>) dst(%dma_wait3A_321 : memref<40x128xf32, #tpu.memory_space<vmem>>)
      %dma_wait3A_334 = arith.constant 40 : i32
      %dma_wait3A_335 = arith.constant 0 : i32
      %dma_wait3A_336 = tpu.memref_slice %arg8[%rem3A_315, %dma_wait3A_334, %dma_wait3A_335] : memref<3x80x128xf32, #tpu.memory_space<vmem>> -> memref<1x40x128xf32, #tpu.memory_space<vmem>>
      %dma_wait3A_337 = tpu.memref_squeeze %dma_wait3A_336 : memref<1x40x128xf32, #tpu.memory_space<vmem>> -> memref<40x128xf32, #tpu.memory_space<vmem>>
      %dma_wait3A_338 = arith.constant 40 : i32
      %dma_wait3A_339 = tpu.memref_slice %arg6[%rem3A_317, %dma_wait3A_338] : memref<8x80xi32, #tpu.memory_space<vmem>> -> memref<1x40xi32, #tpu.memory_space<vmem>>
      %dma_wait3A_340 = tpu.memref_squeeze %dma_wait3A_339 : memref<1x40xi32, #tpu.memory_space<vmem>> -> memref<40xi32, #tpu.memory_space<vmem>>
      %dma_wait3A_341 = arith.constant 0 : i32
      %dma_wait3A_342 = arith.constant 0 : i32
      %dma_wait3A_343 = tpu.memref_slice %arg2[%arg0, %dma_wait3A_341, %dma_wait3A_342] : memref<2x10240x128xf32, #tpu.memory_space<hbm>> -> memref<1x10240x128xf32, #tpu.memory_space<hbm>>
      %dma_wait3A_344 = tpu.memref_squeeze %dma_wait3A_343 : memref<1x10240x128xf32, #tpu.memory_space<hbm>> -> memref<10240x128xf32, #tpu.memory_space<hbm>>
      %dma_wait3A_345 = arith.constant 0 : i32
      %dma_wait3A_346 = arith.constant 0 : i32
      %dma_wait3A_347 = tpu.memref_slice %dma_wait3A_344[%dma_wait3A_345, %dma_wait3A_346] : memref<10240x128xf32, #tpu.memory_space<hbm>> -> memref<10240x128xf32, #tpu.memory_space<hbm>>
      %dma_wait3A_348 = tpu.memref_slice %arg11[%rem3A_315] : memref<3x!tpu.dma_semaphore, #tpu.memory_space<semaphore_mem>> -> memref<1x!tpu.dma_semaphore, #tpu.memory_space<semaphore_mem>>
      %dma_wait3A_349 = tpu.memref_squeeze %dma_wait3A_348 : memref<1x!tpu.dma_semaphore, #tpu.memory_space<semaphore_mem>> -> memref<!tpu.dma_semaphore, #tpu.memory_space<semaphore_mem>>
      tpu.wait_indirect_dma semaphore(%dma_wait3A_349 : memref<!tpu.dma_semaphore, #tpu.memory_space<semaphore_mem>>) src(%dma_wait3A_347 : memref<10240x128xf32, #tpu.memory_space<hbm>>) dst(%dma_wait3A_337 : memref<40x128xf32, #tpu.memory_space<vmem>>)
      %rem3A_350 = arith.constant 3 : i32
      %rem3A_351 = arith.remsi %scan3A_310, %rem3A_350 : i32
      %rem3A_352 = arith.constant 8 : i32
      %rem3A_353 = arith.remsi %scan3A_310, %rem3A_352 : i32
      %dma_start3A_354 = arith.constant 0 : i32
      %dma_start3A_355 = arith.constant 0 : i32
      %dma_start3A_356 = tpu.memref_slice %arg8[%rem3A_351, %dma_start3A_354, %dma_start3A_355] : memref<3x80x128xf32, #tpu.memory_space<vmem>> -> memref<1x80x128xf32, #tpu.memory_space<vmem>>
      %dma_start3A_357 = tpu.memref_squeeze %dma_start3A_356 : memref<1x80x128xf32, #tpu.memory_space<vmem>> -> memref<80x128xf32, #tpu.memory_space<vmem>>
      %dma_start3A_358 = arith.constant 0 : i32
      %dma_start3A_359 = tpu.memref_slice %arg7[%rem3A_353, %dma_start3A_358] : memref<8x80xi32, #tpu.memory_space<vmem>> -> memref<1x80xi32, #tpu.memory_space<vmem>>
      %dma_start3A_360 = tpu.memref_squeeze %dma_start3A_359 : memref<1x80xi32, #tpu.memory_space<vmem>> -> memref<80xi32, #tpu.memory_space<vmem>>
      %dma_start3A_361 = arith.constant 0 : i32
      %dma_start3A_362 = arith.constant 0 : i32
      %dma_start3A_363 = tpu.memref_slice %arg9[%dma_start3A_361, %dma_start3A_362] : memref<10240x128xf32, #tpu.memory_space<vmem_shared>> -> memref<10240x128xf32, #tpu.memory_space<vmem_shared>>
      %dma_start3A_364 = tpu.memref_slice %arg12[%rem3A_351] : memref<3x!tpu.dma_semaphore, #tpu.memory_space<semaphore_mem>> -> memref<1x!tpu.dma_semaphore, #tpu.memory_space<semaphore_mem>>
      %dma_start3A_365 = tpu.memref_squeeze %dma_start3A_364 : memref<1x!tpu.dma_semaphore, #tpu.memory_space<semaphore_mem>> -> memref<!tpu.dma_semaphore, #tpu.memory_space<semaphore_mem>>
      tpu.enqueue_indirect_dma source(%dma_start3A_357 : memref<80x128xf32, #tpu.memory_space<vmem>>) target(%dma_start3A_363 : memref<10240x128xf32, #tpu.memory_space<vmem_shared>>) offsets(%dma_start3A_360 : memref<80xi32, #tpu.memory_space<vmem>>) semaphore(%dma_start3A_365 : memref<!tpu.dma_semaphore, #tpu.memory_space<semaphore_mem>>) {add = true}
      %ge3A = arith.constant 1 : i32
      %ge3A_366 = arith.cmpi sge, %scan3A_310, %ge3A : i32
      %convert_element_type3A_367 = arith.extui %ge3A_366 : i1 to i32
      %cond3A_368 = arith.constant 0 : i32
      %cond3A_369 = arith.cmpi ne, %convert_element_type3A_367, %cond3A_368 : i32
      scf.if %cond3A_369 {
        %sub3A = arith.constant 1 : i32
        %sub3A_377 = arith.subi %scan3A_310, %sub3A : i32
        %rem3A_378 = arith.constant 3 : i32
        %rem3A_379 = arith.remsi %sub3A_377, %rem3A_378 : i32
        %rem3A_380 = arith.constant 8 : i32
        %rem3A_381 = arith.remsi %sub3A_377, %rem3A_380 : i32
        %dma_wait3A_382 = arith.constant 0 : i32
        %dma_wait3A_383 = arith.constant 0 : i32
        %dma_wait3A_384 = tpu.memref_slice %arg8[%rem3A_379, %dma_wait3A_382, %dma_wait3A_383] : memref<3x80x128xf32, #tpu.memory_space<vmem>> -> memref<1x80x128xf32, #tpu.memory_space<vmem>>
        %dma_wait3A_385 = tpu.memref_squeeze %dma_wait3A_384 : memref<1x80x128xf32, #tpu.memory_space<vmem>> -> memref<80x128xf32, #tpu.memory_space<vmem>>
        %dma_wait3A_386 = arith.constant 0 : i32
        %dma_wait3A_387 = tpu.memref_slice %arg7[%rem3A_381, %dma_wait3A_386] : memref<8x80xi32, #tpu.memory_space<vmem>> -> memref<1x80xi32, #tpu.memory_space<vmem>>
        %dma_wait3A_388 = tpu.memref_squeeze %dma_wait3A_387 : memref<1x80xi32, #tpu.memory_space<vmem>> -> memref<80xi32, #tpu.memory_space<vmem>>
        %dma_wait3A_389 = arith.constant 0 : i32
        %dma_wait3A_390 = arith.constant 0 : i32
        %dma_wait3A_391 = tpu.memref_slice %arg9[%dma_wait3A_389, %dma_wait3A_390] : memref<10240x128xf32, #tpu.memory_space<vmem_shared>> -> memref<10240x128xf32, #tpu.memory_space<vmem_shared>>
        %dma_wait3A_392 = tpu.memref_slice %arg12[%rem3A_379] : memref<3x!tpu.dma_semaphore, #tpu.memory_space<semaphore_mem>> -> memref<1x!tpu.dma_semaphore, #tpu.memory_space<semaphore_mem>>
        %dma_wait3A_393 = tpu.memref_squeeze %dma_wait3A_392 : memref<1x!tpu.dma_semaphore, #tpu.memory_space<semaphore_mem>> -> memref<!tpu.dma_semaphore, #tpu.memory_space<semaphore_mem>>
        tpu.wait_indirect_dma semaphore(%dma_wait3A_393 : memref<!tpu.dma_semaphore, #tpu.memory_space<semaphore_mem>>) src(%dma_wait3A_385 : memref<80x128xf32, #tpu.memory_space<vmem>>) dst(%dma_wait3A_391 : memref<10240x128xf32, #tpu.memory_space<vmem_shared>>)
      } else {
      }
      %add3A_370 = arith.constant 2 : i32
      %add3A_371 = arith.addi %scan3A_310, %add3A_370 : i32
      %lt3A_372 = arith.constant 128 : i32
      %lt3A_373 = arith.cmpi slt, %add3A_371, %lt3A_372 : i32
      %convert_element_type3A_374 = arith.extui %lt3A_373 : i1 to i32
      %cond3A_375 = arith.constant 0 : i32
      %cond3A_376 = arith.cmpi ne, %convert_element_type3A_374, %cond3A_375 : i32
      scf.if %cond3A_376 {
        %add3A_377 = arith.constant 2 : i32
        %add3A_378 = arith.addi %scan3A_310, %add3A_377 : i32
        %rem3A_379 = arith.constant 3 : i32
        %rem3A_380 = arith.remsi %add3A_378, %rem3A_379 : i32
        %rem3A_381 = arith.constant 8 : i32
        %rem3A_382 = arith.remsi %add3A_378, %rem3A_381 : i32
        %dma_start3A_383 = arith.constant 0 : i32
        %dma_start3A_384 = arith.constant 0 : i32
        %dma_start3A_385 = tpu.memref_slice %arg8[%rem3A_380, %dma_start3A_383, %dma_start3A_384] : memref<3x80x128xf32, #tpu.memory_space<vmem>> -> memref<1x40x128xf32, #tpu.memory_space<vmem>>
        %dma_start3A_386 = tpu.memref_squeeze %dma_start3A_385 : memref<1x40x128xf32, #tpu.memory_space<vmem>> -> memref<40x128xf32, #tpu.memory_space<vmem>>
        %dma_start3A_387 = arith.constant 0 : i32
        %dma_start3A_388 = tpu.memref_slice %arg6[%rem3A_382, %dma_start3A_387] : memref<8x80xi32, #tpu.memory_space<vmem>> -> memref<1x40xi32, #tpu.memory_space<vmem>>
        %dma_start3A_389 = tpu.memref_squeeze %dma_start3A_388 : memref<1x40xi32, #tpu.memory_space<vmem>> -> memref<40xi32, #tpu.memory_space<vmem>>
        %dma_start3A_390 = arith.constant 0 : i32
        %dma_start3A_391 = arith.constant 0 : i32
        %dma_start3A_392 = tpu.memref_slice %arg2[%arg0, %dma_start3A_390, %dma_start3A_391] : memref<2x10240x128xf32, #tpu.memory_space<hbm>> -> memref<1x10240x128xf32, #tpu.memory_space<hbm>>
        %dma_start3A_393 = tpu.memref_squeeze %dma_start3A_392 : memref<1x10240x128xf32, #tpu.memory_space<hbm>> -> memref<10240x128xf32, #tpu.memory_space<hbm>>
        %dma_start3A_394 = arith.constant 0 : i32
        %dma_start3A_395 = arith.constant 0 : i32
        %dma_start3A_396 = tpu.memref_slice %dma_start3A_393[%dma_start3A_394, %dma_start3A_395] : memref<10240x128xf32, #tpu.memory_space<hbm>> -> memref<10240x128xf32, #tpu.memory_space<hbm>>
        %dma_start3A_397 = tpu.memref_slice %arg10[%rem3A_380] : memref<3x!tpu.dma_semaphore, #tpu.memory_space<semaphore_mem>> -> memref<1x!tpu.dma_semaphore, #tpu.memory_space<semaphore_mem>>
        %dma_start3A_398 = tpu.memref_squeeze %dma_start3A_397 : memref<1x!tpu.dma_semaphore, #tpu.memory_space<semaphore_mem>> -> memref<!tpu.dma_semaphore, #tpu.memory_space<semaphore_mem>>
        tpu.enqueue_indirect_dma source(%dma_start3A_396 : memref<10240x128xf32, #tpu.memory_space<hbm>>) target(%dma_start3A_386 : memref<40x128xf32, #tpu.memory_space<vmem>>) offsets(%dma_start3A_389 : memref<40xi32, #tpu.memory_space<vmem>>) semaphore(%dma_start3A_398 : memref<!tpu.dma_semaphore, #tpu.memory_space<semaphore_mem>>)
        %dma_start3A_399 = arith.constant 40 : i32
        %dma_start3A_400 = arith.constant 0 : i32
        %dma_start3A_401 = tpu.memref_slice %arg8[%rem3A_380, %dma_start3A_399, %dma_start3A_400] : memref<3x80x128xf32, #tpu.memory_space<vmem>> -> memref<1x40x128xf32, #tpu.memory_space<vmem>>
        %dma_start3A_402 = tpu.memref_squeeze %dma_start3A_401 : memref<1x40x128xf32, #tpu.memory_space<vmem>> -> memref<40x128xf32, #tpu.memory_space<vmem>>
        %dma_start3A_403 = arith.constant 40 : i32
        %dma_start3A_404 = tpu.memref_slice %arg6[%rem3A_382, %dma_start3A_403] : memref<8x80xi32, #tpu.memory_space<vmem>> -> memref<1x40xi32, #tpu.memory_space<vmem>>
        %dma_start3A_405 = tpu.memref_squeeze %dma_start3A_404 : memref<1x40xi32, #tpu.memory_space<vmem>> -> memref<40xi32, #tpu.memory_space<vmem>>
        %dma_start3A_406 = arith.constant 0 : i32
        %dma_start3A_407 = arith.constant 0 : i32
        %dma_start3A_408 = tpu.memref_slice %arg2[%arg0, %dma_start3A_406, %dma_start3A_407] : memref<2x10240x128xf32, #tpu.memory_space<hbm>> -> memref<1x10240x128xf32, #tpu.memory_space<hbm>>
        %dma_start3A_409 = tpu.memref_squeeze %dma_start3A_408 : memref<1x10240x128xf32, #tpu.memory_space<hbm>> -> memref<10240x128xf32, #tpu.memory_space<hbm>>
        %dma_start3A_410 = arith.constant 0 : i32
        %dma_start3A_411 = arith.constant 0 : i32
        %dma_start3A_412 = tpu.memref_slice %dma_start3A_409[%dma_start3A_410, %dma_start3A_411] : memref<10240x128xf32, #tpu.memory_space<hbm>> -> memref<10240x128xf32, #tpu.memory_space<hbm>>
        %dma_start3A_413 = tpu.memref_slice %arg11[%rem3A_380] : memref<3x!tpu.dma_semaphore, #tpu.memory_space<semaphore_mem>> -> memref<1x!tpu.dma_semaphore, #tpu.memory_space<semaphore_mem>>
        %dma_start3A_414 = tpu.memref_squeeze %dma_start3A_413 : memref<1x!tpu.dma_semaphore, #tpu.memory_space<semaphore_mem>> -> memref<!tpu.dma_semaphore, #tpu.memory_space<semaphore_mem>>
        tpu.enqueue_indirect_dma source(%dma_start3A_412 : memref<10240x128xf32, #tpu.memory_space<hbm>>) target(%dma_start3A_402 : memref<40x128xf32, #tpu.memory_space<vmem>>) offsets(%dma_start3A_405 : memref<40xi32, #tpu.memory_space<vmem>>) semaphore(%dma_start3A_414 : memref<!tpu.dma_semaphore, #tpu.memory_space<semaphore_mem>>)
      } else {
      }
    }
    %scan3A_291 = arith.constant 128 : i32
    %rem3A_292 = arith.constant 127 : i32
    %rem3A_293 = arith.constant 3 : i32
    %rem3A_294 = arith.remsi %rem3A_292, %rem3A_293 : i32
    %rem3A_295 = arith.constant 127 : i32
    %rem3A_296 = arith.constant 8 : i32
    %rem3A_297 = arith.remsi %rem3A_295, %rem3A_296 : i32
    %dma_wait3A = arith.constant 0 : i32
    %dma_wait3A_298 = arith.constant 0 : i32
    %dma_wait3A_299 = tpu.memref_slice %arg8[%rem3A_294, %dma_wait3A, %dma_wait3A_298] : memref<3x80x128xf32, #tpu.memory_space<vmem>> -> memref<1x80x128xf32, #tpu.memory_space<vmem>>
    %dma_wait3A_300 = tpu.memref_squeeze %dma_wait3A_299 : memref<1x80x128xf32, #tpu.memory_space<vmem>> -> memref<80x128xf32, #tpu.memory_space<vmem>>
    %dma_wait3A_301 = arith.constant 0 : i32
    %dma_wait3A_302 = tpu.memref_slice %arg7[%rem3A_297, %dma_wait3A_301] : memref<8x80xi32, #tpu.memory_space<vmem>> -> memref<1x80xi32, #tpu.memory_space<vmem>>
    %dma_wait3A_303 = tpu.memref_squeeze %dma_wait3A_302 : memref<1x80xi32, #tpu.memory_space<vmem>> -> memref<80xi32, #tpu.memory_space<vmem>>
    %dma_wait3A_304 = arith.constant 0 : i32
    %dma_wait3A_305 = arith.constant 0 : i32
    %dma_wait3A_306 = tpu.memref_slice %arg9[%dma_wait3A_304, %dma_wait3A_305] : memref<10240x128xf32, #tpu.memory_space<vmem_shared>> -> memref<10240x128xf32, #tpu.memory_space<vmem_shared>>
    %dma_wait3A_307 = tpu.memref_slice %arg12[%rem3A_294] : memref<3x!tpu.dma_semaphore, #tpu.memory_space<semaphore_mem>> -> memref<1x!tpu.dma_semaphore, #tpu.memory_space<semaphore_mem>>
    %dma_wait3A_308 = tpu.memref_squeeze %dma_wait3A_307 : memref<1x!tpu.dma_semaphore, #tpu.memory_space<semaphore_mem>> -> memref<!tpu.dma_semaphore, #tpu.memory_space<semaphore_mem>>
    tpu.wait_indirect_dma semaphore(%dma_wait3A_308 : memref<!tpu.dma_semaphore, #tpu.memory_space<semaphore_mem>>) src(%dma_wait3A_300 : memref<80x128xf32, #tpu.memory_space<vmem>>) dst(%dma_wait3A_306 : memref<10240x128xf32, #tpu.memory_space<vmem_shared>>)
    %barrier3A_309 = arith.constant 0 : index
    tpu.barrier barrier_id(%barrier3A_309)
    "tpu.region"() ({
      %run_scoped3A = tpu.sem_alloc : memref<!tpu.dma_semaphore, #tpu.memory_space<semaphore_mem>>
      %dma_start3A_310 = arith.constant 0 : i32
      %dma_start3A_311 = tpu.memref_slice %arg4[%arg0, %mul3A_0, %dma_start3A_310] : memref<2x10240x128xf32, #tpu.memory_space<hbm>> -> memref<1x640x128xf32, #tpu.memory_space<hbm>>
      %dma_start3A_312 = tpu.memref_squeeze %dma_start3A_311 : memref<1x640x128xf32, #tpu.memory_space<hbm>> -> memref<640x128xf32, #tpu.memory_space<hbm>>
      %dma_start3A_313 = arith.constant 0 : i32
      %dma_start3A_314 = tpu.memref_slice %arg9[%mul3A_0, %dma_start3A_313] : memref<10240x128xf32, #tpu.memory_space<vmem_shared>> -> memref<640x128xf32, #tpu.memory_space<vmem_shared>>
      tpu.enqueue_dma source(%dma_start3A_314 : memref<640x128xf32, #tpu.memory_space<vmem_shared>>) target(%dma_start3A_312 : memref<640x128xf32, #tpu.memory_space<hbm>>) target_semaphore(%run_scoped3A : memref<!tpu.dma_semaphore, #tpu.memory_space<semaphore_mem>>)
      %dma_wait3A_315 = arith.constant 0 : i32
      %dma_wait3A_316 = tpu.memref_slice %arg4[%arg0, %mul3A_0, %dma_wait3A_315] : memref<2x10240x128xf32, #tpu.memory_space<hbm>> -> memref<1x640x128xf32, #tpu.memory_space<hbm>>
      %dma_wait3A_317 = tpu.memref_squeeze %dma_wait3A_316 : memref<1x640x128xf32, #tpu.memory_space<hbm>> -> memref<640x128xf32, #tpu.memory_space<hbm>>
      %dma_wait3A_318 = arith.constant 0 : i32
      %dma_wait3A_319 = tpu.memref_slice %arg9[%mul3A_0, %dma_wait3A_318] : memref<10240x128xf32, #tpu.memory_space<vmem_shared>> -> memref<640x128xf32, #tpu.memory_space<vmem_shared>>
      tpu.wait_dma2 semaphore(%run_scoped3A : memref<!tpu.dma_semaphore, #tpu.memory_space<semaphore_mem>>) src(%dma_wait3A_319 : memref<640x128xf32, #tpu.memory_space<vmem_shared>>) dst(%dma_wait3A_317 : memref<640x128xf32, #tpu.memory_space<hbm>>)
      tpu.yield
    }) : () -> ()
    return
  }
}

#map = affine_map<(d0, d1) -> (0, 0)>
module attributes {stable_mosaic.version = 14 : i64} {
  func.func @_deg_kernel(%arg0: i32, %arg1: i32, %arg2: memref<32x5120xi32, #tpu.memory_space<hbm>>, %arg3: memref<2x10240xf32, #tpu.memory_space<hbm>>, %arg4: memref<5120xi32, #tpu.memory_space<vmem>>, %arg5: memref<10240xf32, #tpu.memory_space<vmem>>, %arg6: memref<16x640xf32, #tpu.memory_space<vmem>>, %arg7: memref<640xf32, #tpu.memory_space<vmem>>, %arg8: memref<16x10240xf32, #tpu.memory_space<vmem_shared>>) attributes {dimension_semantics = [#tpu.dimension_semantics<core_parallel>, #tpu.dimension_semantics<subcore_parallel>], iteration_bounds = array<i64: 2, 16>, scalar_prefetch = 0 : i64, scratch_operands = 5 : i64, tpu.core_type = #tpu.core_type<sc_vector_subcore>, window_params = [{transform_indices = #map}, {transform_indices = #map}]} {
    %mul3A = arith.constant 16 : i32
    %mul3A_0 = arith.muli %arg0, %mul3A : i32
    %add3A = arith.addi %mul3A_0, %arg1 : i32
    %mul3A_1 = arith.constant 640 : i32
    %mul3A_2 = arith.muli %arg1, %mul3A_1 : i32
    "tpu.region"() ({
      %run_scoped3A_54 = tpu.sem_alloc : memref<!tpu.dma_semaphore, #tpu.memory_space<semaphore_mem>>
      %dma_start3A = arith.constant 0 : i32
      %dma_start3A_55 = tpu.memref_slice %arg2[%add3A, %dma_start3A] : memref<32x5120xi32, #tpu.memory_space<hbm>> -> memref<1x5120xi32, #tpu.memory_space<hbm>>
      %dma_start3A_56 = tpu.memref_squeeze %dma_start3A_55 : memref<1x5120xi32, #tpu.memory_space<hbm>> -> memref<5120xi32, #tpu.memory_space<hbm>>
      %dma_start3A_57 = arith.constant 0 : i32
      %dma_start3A_58 = tpu.memref_slice %arg2[%add3A, %dma_start3A_57] : memref<32x5120xi32, #tpu.memory_space<hbm>> -> memref<1x5120xi32, #tpu.memory_space<hbm>>
      %dma_start3A_59 = tpu.memref_squeeze %dma_start3A_58 : memref<1x5120xi32, #tpu.memory_space<hbm>> -> memref<5120xi32, #tpu.memory_space<hbm>>
      tpu.enqueue_dma source(%dma_start3A_59 : memref<5120xi32, #tpu.memory_space<hbm>>) target(%arg4 : memref<5120xi32, #tpu.memory_space<vmem>>) target_semaphore(%run_scoped3A_54 : memref<!tpu.dma_semaphore, #tpu.memory_space<semaphore_mem>>)
      %dma_wait3A = arith.constant 0 : i32
      %dma_wait3A_60 = tpu.memref_slice %arg2[%add3A, %dma_wait3A] : memref<32x5120xi32, #tpu.memory_space<hbm>> -> memref<1x5120xi32, #tpu.memory_space<hbm>>
      %dma_wait3A_61 = tpu.memref_squeeze %dma_wait3A_60 : memref<1x5120xi32, #tpu.memory_space<hbm>> -> memref<5120xi32, #tpu.memory_space<hbm>>
      %dma_wait3A_62 = arith.constant 0 : i32
      %dma_wait3A_63 = tpu.memref_slice %arg2[%add3A, %dma_wait3A_62] : memref<32x5120xi32, #tpu.memory_space<hbm>> -> memref<1x5120xi32, #tpu.memory_space<hbm>>
      %dma_wait3A_64 = tpu.memref_squeeze %dma_wait3A_63 : memref<1x5120xi32, #tpu.memory_space<hbm>> -> memref<5120xi32, #tpu.memory_space<hbm>>
      tpu.wait_dma2 semaphore(%run_scoped3A_54 : memref<!tpu.dma_semaphore, #tpu.memory_space<semaphore_mem>>) src(%dma_wait3A_64 : memref<5120xi32, #tpu.memory_space<hbm>>) dst(%arg4 : memref<5120xi32, #tpu.memory_space<vmem>>)
      tpu.yield
    }) : () -> ()
    %broadcast_in_dim3A = arith.constant 0.000000e+00 : f32
    %broadcast_in_dim3A_3 = vector.broadcast %broadcast_in_dim3A : f32 to vector<16xf32>
    %scan3A = arith.constant 0 : i32
    %scan3A_4 = arith.constant 0 : i32
    %scan3A_5 = arith.constant 640 : i32
    %scan3A_6 = arith.addi %scan3A_4, %scan3A_5 : i32
    %scan3A_7 = arith.constant 1 : i32
    scf.for %scan3A_54 = %scan3A_4 to %scan3A_6 step %scan3A_7  : i32 {
      %mul3A_55 = arith.constant 16 : i32
      %mul3A_56 = arith.muli %scan3A_54, %mul3A_55 : i32
      %swap3A = arith.index_cast %mul3A_56 : i32 to index
      %swap3A_57 = tpu.vector_load %arg5[%swap3A] {strides = array<i32>} : memref<10240xf32, #tpu.memory_space<vmem>>, vector<16xf32>,
      tpu.vector_store %arg5[%swap3A], %broadcast_in_dim3A_3 {strides = array<i32>} : memref<10240xf32, #tpu.memory_space<vmem>>, vector<16xf32>,
    }
    %scan3A_8 = arith.constant 640 : i32
    %broadcast_in_dim3A_9 = arith.constant 1.000000e+00 : f32
    %broadcast_in_dim3A_10 = vector.broadcast %broadcast_in_dim3A_9 : f32 to vector<16xf32>
    %scan3A_11 = arith.constant 0 : i32
    %scan3A_12 = arith.constant 0 : i32
    %scan3A_13 = arith.constant 320 : i32
    %scan3A_14 = arith.addi %scan3A_12, %scan3A_13 : i32
    %scan3A_15 = arith.constant 1 : i32
    scf.for %scan3A_54 = %scan3A_12 to %scan3A_14 step %scan3A_15  : i32 {
      %mul3A_55 = arith.constant 16 : i32
      %mul3A_56 = arith.muli %scan3A_54, %mul3A_55 : i32
      %get3A = arith.index_cast %mul3A_56 : i32 to index
      %get3A_57 = tpu.vector_load %arg4[%get3A] {strides = array<i32>} : memref<5120xi32, #tpu.memory_space<vmem>>, vector<16xi32>,
      tpu.vector_store_idx %arg5[%get3A_57], %broadcast_in_dim3A_10 {add = true} : memref<10240xf32, #tpu.memory_space<vmem>>[vector<16xi32>], vector<16xf32>,
    }
    %scan3A_16 = arith.constant 320 : i32
    "tpu.region"() ({
      %run_scoped3A_54 = tpu.sem_alloc : memref<!tpu.dma_semaphore, #tpu.memory_space<semaphore_mem>>
      %dma_start3A = arith.constant 0 : i32
      %dma_start3A_55 = tpu.memref_slice %arg8[%arg1, %dma_start3A] : memref<16x10240xf32, #tpu.memory_space<vmem_shared>> -> memref<1x10240xf32, #tpu.memory_space<vmem_shared>>
      %dma_start3A_56 = tpu.memref_squeeze %dma_start3A_55 : memref<1x10240xf32, #tpu.memory_space<vmem_shared>> -> memref<10240xf32, #tpu.memory_space<vmem_shared>>
      %dma_start3A_57 = arith.constant 0 : i32
      %dma_start3A_58 = tpu.memref_slice %arg8[%arg1, %dma_start3A_57] : memref<16x10240xf32, #tpu.memory_space<vmem_shared>> -> memref<1x10240xf32, #tpu.memory_space<vmem_shared>>
      %dma_start3A_59 = tpu.memref_squeeze %dma_start3A_58 : memref<1x10240xf32, #tpu.memory_space<vmem_shared>> -> memref<10240xf32, #tpu.memory_space<vmem_shared>>
      tpu.enqueue_dma source(%arg5 : memref<10240xf32, #tpu.memory_space<vmem>>) target(%dma_start3A_59 : memref<10240xf32, #tpu.memory_space<vmem_shared>>) target_semaphore(%run_scoped3A_54 : memref<!tpu.dma_semaphore, #tpu.memory_space<semaphore_mem>>)
      %dma_wait3A = arith.constant 0 : i32
      %dma_wait3A_60 = tpu.memref_slice %arg8[%arg1, %dma_wait3A] : memref<16x10240xf32, #tpu.memory_space<vmem_shared>> -> memref<1x10240xf32, #tpu.memory_space<vmem_shared>>
      %dma_wait3A_61 = tpu.memref_squeeze %dma_wait3A_60 : memref<1x10240xf32, #tpu.memory_space<vmem_shared>> -> memref<10240xf32, #tpu.memory_space<vmem_shared>>
      %dma_wait3A_62 = arith.constant 0 : i32
      %dma_wait3A_63 = tpu.memref_slice %arg8[%arg1, %dma_wait3A_62] : memref<16x10240xf32, #tpu.memory_space<vmem_shared>> -> memref<1x10240xf32, #tpu.memory_space<vmem_shared>>
      %dma_wait3A_64 = tpu.memref_squeeze %dma_wait3A_63 : memref<1x10240xf32, #tpu.memory_space<vmem_shared>> -> memref<10240xf32, #tpu.memory_space<vmem_shared>>
      tpu.wait_dma2 semaphore(%run_scoped3A_54 : memref<!tpu.dma_semaphore, #tpu.memory_space<semaphore_mem>>) src(%arg5 : memref<10240xf32, #tpu.memory_space<vmem>>) dst(%dma_wait3A_64 : memref<10240xf32, #tpu.memory_space<vmem_shared>>)
      tpu.yield
    }) : () -> ()
    %barrier3A = arith.constant 0 : index
    tpu.barrier barrier_id(%barrier3A)
    %run_scoped3A = arith.constant 0 : i32
    %run_scoped3A_17 = arith.constant 0 : i32
    "tpu.region"() ({
      %run_scoped3A_54 = tpu.sem_alloc : memref<!tpu.dma_semaphore, #tpu.memory_space<semaphore_mem>>
      %dma_start3A = arith.constant 0 : i32
      %dma_start3A_55 = tpu.memref_slice %arg6[%run_scoped3A_17, %dma_start3A] : memref<16x640xf32, #tpu.memory_space<vmem>> -> memref<1x640xf32, #tpu.memory_space<vmem>>
      %dma_start3A_56 = tpu.memref_squeeze %dma_start3A_55 : memref<1x640xf32, #tpu.memory_space<vmem>> -> memref<640xf32, #tpu.memory_space<vmem>>
      %dma_start3A_57 = tpu.memref_slice %arg8[%run_scoped3A, %mul3A_2] : memref<16x10240xf32, #tpu.memory_space<vmem_shared>> -> memref<1x640xf32, #tpu.memory_space<vmem_shared>>
      %dma_start3A_58 = tpu.memref_squeeze %dma_start3A_57 : memref<1x640xf32, #tpu.memory_space<vmem_shared>> -> memref<640xf32, #tpu.memory_space<vmem_shared>>
      %dma_start3A_59 = arith.constant 0 : i32
      %dma_start3A_60 = tpu.memref_slice %arg6[%run_scoped3A_17, %dma_start3A_59] : memref<16x640xf32, #tpu.memory_space<vmem>> -> memref<1x640xf32, #tpu.memory_space<vmem>>
      %dma_start3A_61 = tpu.memref_squeeze %dma_start3A_60 : memref<1x640xf32, #tpu.memory_space<vmem>> -> memref<640xf32, #tpu.memory_space<vmem>>
      %dma_start3A_62 = tpu.memref_slice %arg8[%run_scoped3A, %mul3A_2] : memref<16x10240xf32, #tpu.memory_space<vmem_shared>> -> memref<1x640xf32, #tpu.memory_space<vmem_shared>>
      %dma_start3A_63 = tpu.memref_squeeze %dma_start3A_62 : memref<1x640xf32, #tpu.memory_space<vmem_shared>> -> memref<640xf32, #tpu.memory_space<vmem_shared>>
      tpu.enqueue_dma source(%dma_start3A_63 : memref<640xf32, #tpu.memory_space<vmem_shared>>) target(%dma_start3A_61 : memref<640xf32, #tpu.memory_space<vmem>>) target_semaphore(%run_scoped3A_54 : memref<!tpu.dma_semaphore, #tpu.memory_space<semaphore_mem>>)
      %dma_wait3A = arith.constant 0 : i32
      %dma_wait3A_64 = tpu.memref_slice %arg6[%run_scoped3A_17, %dma_wait3A] : memref<16x640xf32, #tpu.memory_space<vmem>> -> memref<1x640xf32, #tpu.memory_space<vmem>>
      %dma_wait3A_65 = tpu.memref_squeeze %dma_wait3A_64 : memref<1x640xf32, #tpu.memory_space<vmem>> -> memref<640xf32, #tpu.memory_space<vmem>>
      %dma_wait3A_66 = tpu.memref_slice %arg8[%run_scoped3A, %mul3A_2] : memref<16x10240xf32, #tpu.memory_space<vmem_shared>> -> memref<1x640xf32, #tpu.memory_space<vmem_shared>>
      %dma_wait3A_67 = tpu.memref_squeeze %dma_wait3A_66 : memref<1x640xf32, #tpu.memory_space<vmem_shared>> -> memref<640xf32, #tpu.memory_space<vmem_shared>>
      %dma_wait3A_68 = arith.constant 0 : i32
      %dma_wait3A_69 = tpu.memref_slice %arg6[%run_scoped3A_17, %dma_wait3A_68] : memref<16x640xf32, #tpu.memory_space<vmem>> -> memref<1x640xf32, #tpu.memory_space<vmem>>
      %dma_wait3A_70 = tpu.memref_squeeze %dma_wait3A_69 : memref<1x640xf32, #tpu.memory_space<vmem>> -> memref<640xf32, #tpu.memory_space<vmem>>
      %dma_wait3A_71 = tpu.memref_slice %arg8[%run_scoped3A, %mul3A_2] : memref<16x10240xf32, #tpu.memory_space<vmem_shared>> -> memref<1x640xf32, #tpu.memory_space<vmem_shared>>
      %dma_wait3A_72 = tpu.memref_squeeze %dma_wait3A_71 : memref<1x640xf32, #tpu.memory_space<vmem_shared>> -> memref<640xf32, #tpu.memory_space<vmem_shared>>
      tpu.wait_dma2 semaphore(%run_scoped3A_54 : memref<!tpu.dma_semaphore, #tpu.memory_space<semaphore_mem>>) src(%dma_wait3A_72 : memref<640xf32, #tpu.memory_space<vmem_shared>>) dst(%dma_wait3A_70 : memref<640xf32, #tpu.memory_space<vmem>>)
      tpu.yield
    }) : () -> ()
    %run_scoped3A_18 = arith.constant 1 : i32
    %run_scoped3A_19 = arith.constant 1 : i32
    "tpu.region"() ({
      %run_scoped3A_54 = tpu.sem_alloc : memref<!tpu.dma_semaphore, #tpu.memory_space<semaphore_mem>>
      %dma_start3A = arith.constant 0 : i32
      %dma_start3A_55 = tpu.memref_slice %arg6[%run_scoped3A_19, %dma_start3A] : memref<16x640xf32, #tpu.memory_space<vmem>> -> memref<1x640xf32, #tpu.memory_space<vmem>>
      %dma_start3A_56 = tpu.memref_squeeze %dma_start3A_55 : memref<1x640xf32, #tpu.memory_space<vmem>> -> memref<640xf32, #tpu.memory_space<vmem>>
      %dma_start3A_57 = tpu.memref_slice %arg8[%run_scoped3A_18, %mul3A_2] : memref<16x10240xf32, #tpu.memory_space<vmem_shared>> -> memref<1x640xf32, #tpu.memory_space<vmem_shared>>
      %dma_start3A_58 = tpu.memref_squeeze %dma_start3A_57 : memref<1x640xf32, #tpu.memory_space<vmem_shared>> -> memref<640xf32, #tpu.memory_space<vmem_shared>>
      %dma_start3A_59 = arith.constant 0 : i32
      %dma_start3A_60 = tpu.memref_slice %arg6[%run_scoped3A_19, %dma_start3A_59] : memref<16x640xf32, #tpu.memory_space<vmem>> -> memref<1x640xf32, #tpu.memory_space<vmem>>
      %dma_start3A_61 = tpu.memref_squeeze %dma_start3A_60 : memref<1x640xf32, #tpu.memory_space<vmem>> -> memref<640xf32, #tpu.memory_space<vmem>>
      %dma_start3A_62 = tpu.memref_slice %arg8[%run_scoped3A_18, %mul3A_2] : memref<16x10240xf32, #tpu.memory_space<vmem_shared>> -> memref<1x640xf32, #tpu.memory_space<vmem_shared>>
      %dma_start3A_63 = tpu.memref_squeeze %dma_start3A_62 : memref<1x640xf32, #tpu.memory_space<vmem_shared>> -> memref<640xf32, #tpu.memory_space<vmem_shared>>
      tpu.enqueue_dma source(%dma_start3A_63 : memref<640xf32, #tpu.memory_space<vmem_shared>>) target(%dma_start3A_61 : memref<640xf32, #tpu.memory_space<vmem>>) target_semaphore(%run_scoped3A_54 : memref<!tpu.dma_semaphore, #tpu.memory_space<semaphore_mem>>)
      %dma_wait3A = arith.constant 0 : i32
      %dma_wait3A_64 = tpu.memref_slice %arg6[%run_scoped3A_19, %dma_wait3A] : memref<16x640xf32, #tpu.memory_space<vmem>> -> memref<1x640xf32, #tpu.memory_space<vmem>>
      %dma_wait3A_65 = tpu.memref_squeeze %dma_wait3A_64 : memref<1x640xf32, #tpu.memory_space<vmem>> -> memref<640xf32, #tpu.memory_space<vmem>>
      %dma_wait3A_66 = tpu.memref_slice %arg8[%run_scoped3A_18, %mul3A_2] : memref<16x10240xf32, #tpu.memory_space<vmem_shared>> -> memref<1x640xf32, #tpu.memory_space<vmem_shared>>
      %dma_wait3A_67 = tpu.memref_squeeze %dma_wait3A_66 : memref<1x640xf32, #tpu.memory_space<vmem_shared>> -> memref<640xf32, #tpu.memory_space<vmem_shared>>
      %dma_wait3A_68 = arith.constant 0 : i32
      %dma_wait3A_69 = tpu.memref_slice %arg6[%run_scoped3A_19, %dma_wait3A_68] : memref<16x640xf32, #tpu.memory_space<vmem>> -> memref<1x640xf32, #tpu.memory_space<vmem>>
      %dma_wait3A_70 = tpu.memref_squeeze %dma_wait3A_69 : memref<1x640xf32, #tpu.memory_space<vmem>> -> memref<640xf32, #tpu.memory_space<vmem>>
      %dma_wait3A_71 = tpu.memref_slice %arg8[%run_scoped3A_18, %mul3A_2] : memref<16x10240xf32, #tpu.memory_space<vmem_shared>> -> memref<1x640xf32, #tpu.memory_space<vmem_shared>>
      %dma_wait3A_72 = tpu.memref_squeeze %dma_wait3A_71 : memref<1x640xf32, #tpu.memory_space<vmem_shared>> -> memref<640xf32, #tpu.memory_space<vmem_shared>>
      tpu.wait_dma2 semaphore(%run_scoped3A_54 : memref<!tpu.dma_semaphore, #tpu.memory_space<semaphore_mem>>) src(%dma_wait3A_72 : memref<640xf32, #tpu.memory_space<vmem_shared>>) dst(%dma_wait3A_70 : memref<640xf32, #tpu.memory_space<vmem>>)
      tpu.yield
    }) : () -> ()
    %run_scoped3A_20 = arith.constant 2 : i32
    %run_scoped3A_21 = arith.constant 2 : i32
    "tpu.region"() ({
      %run_scoped3A_54 = tpu.sem_alloc : memref<!tpu.dma_semaphore, #tpu.memory_space<semaphore_mem>>
      %dma_start3A = arith.constant 0 : i32
      %dma_start3A_55 = tpu.memref_slice %arg6[%run_scoped3A_21, %dma_start3A] : memref<16x640xf32, #tpu.memory_space<vmem>> -> memref<1x640xf32, #tpu.memory_space<vmem>>
      %dma_start3A_56 = tpu.memref_squeeze %dma_start3A_55 : memref<1x640xf32, #tpu.memory_space<vmem>> -> memref<640xf32, #tpu.memory_space<vmem>>
      %dma_start3A_57 = tpu.memref_slice %arg8[%run_scoped3A_20, %mul3A_2] : memref<16x10240xf32, #tpu.memory_space<vmem_shared>> -> memref<1x640xf32, #tpu.memory_space<vmem_shared>>
      %dma_start3A_58 = tpu.memref_squeeze %dma_start3A_57 : memref<1x640xf32, #tpu.memory_space<vmem_shared>> -> memref<640xf32, #tpu.memory_space<vmem_shared>>
      %dma_start3A_59 = arith.constant 0 : i32
      %dma_start3A_60 = tpu.memref_slice %arg6[%run_scoped3A_21, %dma_start3A_59] : memref<16x640xf32, #tpu.memory_space<vmem>> -> memref<1x640xf32, #tpu.memory_space<vmem>>
      %dma_start3A_61 = tpu.memref_squeeze %dma_start3A_60 : memref<1x640xf32, #tpu.memory_space<vmem>> -> memref<640xf32, #tpu.memory_space<vmem>>
      %dma_start3A_62 = tpu.memref_slice %arg8[%run_scoped3A_20, %mul3A_2] : memref<16x10240xf32, #tpu.memory_space<vmem_shared>> -> memref<1x640xf32, #tpu.memory_space<vmem_shared>>
      %dma_start3A_63 = tpu.memref_squeeze %dma_start3A_62 : memref<1x640xf32, #tpu.memory_space<vmem_shared>> -> memref<640xf32, #tpu.memory_space<vmem_shared>>
      tpu.enqueue_dma source(%dma_start3A_63 : memref<640xf32, #tpu.memory_space<vmem_shared>>) target(%dma_start3A_61 : memref<640xf32, #tpu.memory_space<vmem>>) target_semaphore(%run_scoped3A_54 : memref<!tpu.dma_semaphore, #tpu.memory_space<semaphore_mem>>)
      %dma_wait3A = arith.constant 0 : i32
      %dma_wait3A_64 = tpu.memref_slice %arg6[%run_scoped3A_21, %dma_wait3A] : memref<16x640xf32, #tpu.memory_space<vmem>> -> memref<1x640xf32, #tpu.memory_space<vmem>>
      %dma_wait3A_65 = tpu.memref_squeeze %dma_wait3A_64 : memref<1x640xf32, #tpu.memory_space<vmem>> -> memref<640xf32, #tpu.memory_space<vmem>>
      %dma_wait3A_66 = tpu.memref_slice %arg8[%run_scoped3A_20, %mul3A_2] : memref<16x10240xf32, #tpu.memory_space<vmem_shared>> -> memref<1x640xf32, #tpu.memory_space<vmem_shared>>
      %dma_wait3A_67 = tpu.memref_squeeze %dma_wait3A_66 : memref<1x640xf32, #tpu.memory_space<vmem_shared>> -> memref<640xf32, #tpu.memory_space<vmem_shared>>
      %dma_wait3A_68 = arith.constant 0 : i32
      %dma_wait3A_69 = tpu.memref_slice %arg6[%run_scoped3A_21, %dma_wait3A_68] : memref<16x640xf32, #tpu.memory_space<vmem>> -> memref<1x640xf32, #tpu.memory_space<vmem>>
      %dma_wait3A_70 = tpu.memref_squeeze %dma_wait3A_69 : memref<1x640xf32, #tpu.memory_space<vmem>> -> memref<640xf32, #tpu.memory_space<vmem>>
      %dma_wait3A_71 = tpu.memref_slice %arg8[%run_scoped3A_20, %mul3A_2] : memref<16x10240xf32, #tpu.memory_space<vmem_shared>> -> memref<1x640xf32, #tpu.memory_space<vmem_shared>>
      %dma_wait3A_72 = tpu.memref_squeeze %dma_wait3A_71 : memref<1x640xf32, #tpu.memory_space<vmem_shared>> -> memref<640xf32, #tpu.memory_space<vmem_shared>>
      tpu.wait_dma2 semaphore(%run_scoped3A_54 : memref<!tpu.dma_semaphore, #tpu.memory_space<semaphore_mem>>) src(%dma_wait3A_72 : memref<640xf32, #tpu.memory_space<vmem_shared>>) dst(%dma_wait3A_70 : memref<640xf32, #tpu.memory_space<vmem>>)
      tpu.yield
    }) : () -> ()
    %run_scoped3A_22 = arith.constant 3 : i32
    %run_scoped3A_23 = arith.constant 3 : i32
    "tpu.region"() ({
      %run_scoped3A_54 = tpu.sem_alloc : memref<!tpu.dma_semaphore, #tpu.memory_space<semaphore_mem>>
      %dma_start3A = arith.constant 0 : i32
      %dma_start3A_55 = tpu.memref_slice %arg6[%run_scoped3A_23, %dma_start3A] : memref<16x640xf32, #tpu.memory_space<vmem>> -> memref<1x640xf32, #tpu.memory_space<vmem>>
      %dma_start3A_56 = tpu.memref_squeeze %dma_start3A_55 : memref<1x640xf32, #tpu.memory_space<vmem>> -> memref<640xf32, #tpu.memory_space<vmem>>
      %dma_start3A_57 = tpu.memref_slice %arg8[%run_scoped3A_22, %mul3A_2] : memref<16x10240xf32, #tpu.memory_space<vmem_shared>> -> memref<1x640xf32, #tpu.memory_space<vmem_shared>>
      %dma_start3A_58 = tpu.memref_squeeze %dma_start3A_57 : memref<1x640xf32, #tpu.memory_space<vmem_shared>> -> memref<640xf32, #tpu.memory_space<vmem_shared>>
      %dma_start3A_59 = arith.constant 0 : i32
      %dma_start3A_60 = tpu.memref_slice %arg6[%run_scoped3A_23, %dma_start3A_59] : memref<16x640xf32, #tpu.memory_space<vmem>> -> memref<1x640xf32, #tpu.memory_space<vmem>>
      %dma_start3A_61 = tpu.memref_squeeze %dma_start3A_60 : memref<1x640xf32, #tpu.memory_space<vmem>> -> memref<640xf32, #tpu.memory_space<vmem>>
      %dma_start3A_62 = tpu.memref_slice %arg8[%run_scoped3A_22, %mul3A_2] : memref<16x10240xf32, #tpu.memory_space<vmem_shared>> -> memref<1x640xf32, #tpu.memory_space<vmem_shared>>
      %dma_start3A_63 = tpu.memref_squeeze %dma_start3A_62 : memref<1x640xf32, #tpu.memory_space<vmem_shared>> -> memref<640xf32, #tpu.memory_space<vmem_shared>>
      tpu.enqueue_dma source(%dma_start3A_63 : memref<640xf32, #tpu.memory_space<vmem_shared>>) target(%dma_start3A_61 : memref<640xf32, #tpu.memory_space<vmem>>) target_semaphore(%run_scoped3A_54 : memref<!tpu.dma_semaphore, #tpu.memory_space<semaphore_mem>>)
      %dma_wait3A = arith.constant 0 : i32
      %dma_wait3A_64 = tpu.memref_slice %arg6[%run_scoped3A_23, %dma_wait3A] : memref<16x640xf32, #tpu.memory_space<vmem>> -> memref<1x640xf32, #tpu.memory_space<vmem>>
      %dma_wait3A_65 = tpu.memref_squeeze %dma_wait3A_64 : memref<1x640xf32, #tpu.memory_space<vmem>> -> memref<640xf32, #tpu.memory_space<vmem>>
      %dma_wait3A_66 = tpu.memref_slice %arg8[%run_scoped3A_22, %mul3A_2] : memref<16x10240xf32, #tpu.memory_space<vmem_shared>> -> memref<1x640xf32, #tpu.memory_space<vmem_shared>>
      %dma_wait3A_67 = tpu.memref_squeeze %dma_wait3A_66 : memref<1x640xf32, #tpu.memory_space<vmem_shared>> -> memref<640xf32, #tpu.memory_space<vmem_shared>>
      %dma_wait3A_68 = arith.constant 0 : i32
      %dma_wait3A_69 = tpu.memref_slice %arg6[%run_scoped3A_23, %dma_wait3A_68] : memref<16x640xf32, #tpu.memory_space<vmem>> -> memref<1x640xf32, #tpu.memory_space<vmem>>
      %dma_wait3A_70 = tpu.memref_squeeze %dma_wait3A_69 : memref<1x640xf32, #tpu.memory_space<vmem>> -> memref<640xf32, #tpu.memory_space<vmem>>
      %dma_wait3A_71 = tpu.memref_slice %arg8[%run_scoped3A_22, %mul3A_2] : memref<16x10240xf32, #tpu.memory_space<vmem_shared>> -> memref<1x640xf32, #tpu.memory_space<vmem_shared>>
      %dma_wait3A_72 = tpu.memref_squeeze %dma_wait3A_71 : memref<1x640xf32, #tpu.memory_space<vmem_shared>> -> memref<640xf32, #tpu.memory_space<vmem_shared>>
      tpu.wait_dma2 semaphore(%run_scoped3A_54 : memref<!tpu.dma_semaphore, #tpu.memory_space<semaphore_mem>>) src(%dma_wait3A_72 : memref<640xf32, #tpu.memory_space<vmem_shared>>) dst(%dma_wait3A_70 : memref<640xf32, #tpu.memory_space<vmem>>)
      tpu.yield
    }) : () -> ()
    %run_scoped3A_24 = arith.constant 4 : i32
    %run_scoped3A_25 = arith.constant 4 : i32
    "tpu.region"() ({
      %run_scoped3A_54 = tpu.sem_alloc : memref<!tpu.dma_semaphore, #tpu.memory_space<semaphore_mem>>
      %dma_start3A = arith.constant 0 : i32
      %dma_start3A_55 = tpu.memref_slice %arg6[%run_scoped3A_25, %dma_start3A] : memref<16x640xf32, #tpu.memory_space<vmem>> -> memref<1x640xf32, #tpu.memory_space<vmem>>
      %dma_start3A_56 = tpu.memref_squeeze %dma_start3A_55 : memref<1x640xf32, #tpu.memory_space<vmem>> -> memref<640xf32, #tpu.memory_space<vmem>>
      %dma_start3A_57 = tpu.memref_slice %arg8[%run_scoped3A_24, %mul3A_2] : memref<16x10240xf32, #tpu.memory_space<vmem_shared>> -> memref<1x640xf32, #tpu.memory_space<vmem_shared>>
      %dma_start3A_58 = tpu.memref_squeeze %dma_start3A_57 : memref<1x640xf32, #tpu.memory_space<vmem_shared>> -> memref<640xf32, #tpu.memory_space<vmem_shared>>
      %dma_start3A_59 = arith.constant 0 : i32
      %dma_start3A_60 = tpu.memref_slice %arg6[%run_scoped3A_25, %dma_start3A_59] : memref<16x640xf32, #tpu.memory_space<vmem>> -> memref<1x640xf32, #tpu.memory_space<vmem>>
      %dma_start3A_61 = tpu.memref_squeeze %dma_start3A_60 : memref<1x640xf32, #tpu.memory_space<vmem>> -> memref<640xf32, #tpu.memory_space<vmem>>
      %dma_start3A_62 = tpu.memref_slice %arg8[%run_scoped3A_24, %mul3A_2] : memref<16x10240xf32, #tpu.memory_space<vmem_shared>> -> memref<1x640xf32, #tpu.memory_space<vmem_shared>>
      %dma_start3A_63 = tpu.memref_squeeze %dma_start3A_62 : memref<1x640xf32, #tpu.memory_space<vmem_shared>> -> memref<640xf32, #tpu.memory_space<vmem_shared>>
      tpu.enqueue_dma source(%dma_start3A_63 : memref<640xf32, #tpu.memory_space<vmem_shared>>) target(%dma_start3A_61 : memref<640xf32, #tpu.memory_space<vmem>>) target_semaphore(%run_scoped3A_54 : memref<!tpu.dma_semaphore, #tpu.memory_space<semaphore_mem>>)
      %dma_wait3A = arith.constant 0 : i32
      %dma_wait3A_64 = tpu.memref_slice %arg6[%run_scoped3A_25, %dma_wait3A] : memref<16x640xf32, #tpu.memory_space<vmem>> -> memref<1x640xf32, #tpu.memory_space<vmem>>
      %dma_wait3A_65 = tpu.memref_squeeze %dma_wait3A_64 : memref<1x640xf32, #tpu.memory_space<vmem>> -> memref<640xf32, #tpu.memory_space<vmem>>
      %dma_wait3A_66 = tpu.memref_slice %arg8[%run_scoped3A_24, %mul3A_2] : memref<16x10240xf32, #tpu.memory_space<vmem_shared>> -> memref<1x640xf32, #tpu.memory_space<vmem_shared>>
      %dma_wait3A_67 = tpu.memref_squeeze %dma_wait3A_66 : memref<1x640xf32, #tpu.memory_space<vmem_shared>> -> memref<640xf32, #tpu.memory_space<vmem_shared>>
      %dma_wait3A_68 = arith.constant 0 : i32
      %dma_wait3A_69 = tpu.memref_slice %arg6[%run_scoped3A_25, %dma_wait3A_68] : memref<16x640xf32, #tpu.memory_space<vmem>> -> memref<1x640xf32, #tpu.memory_space<vmem>>
      %dma_wait3A_70 = tpu.memref_squeeze %dma_wait3A_69 : memref<1x640xf32, #tpu.memory_space<vmem>> -> memref<640xf32, #tpu.memory_space<vmem>>
      %dma_wait3A_71 = tpu.memref_slice %arg8[%run_scoped3A_24, %mul3A_2] : memref<16x10240xf32, #tpu.memory_space<vmem_shared>> -> memref<1x640xf32, #tpu.memory_space<vmem_shared>>
      %dma_wait3A_72 = tpu.memref_squeeze %dma_wait3A_71 : memref<1x640xf32, #tpu.memory_space<vmem_shared>> -> memref<640xf32, #tpu.memory_space<vmem_shared>>
      tpu.wait_dma2 semaphore(%run_scoped3A_54 : memref<!tpu.dma_semaphore, #tpu.memory_space<semaphore_mem>>) src(%dma_wait3A_72 : memref<640xf32, #tpu.memory_space<vmem_shared>>) dst(%dma_wait3A_70 : memref<640xf32, #tpu.memory_space<vmem>>)
      tpu.yield
    }) : () -> ()
    %run_scoped3A_26 = arith.constant 5 : i32
    %run_scoped3A_27 = arith.constant 5 : i32
    "tpu.region"() ({
      %run_scoped3A_54 = tpu.sem_alloc : memref<!tpu.dma_semaphore, #tpu.memory_space<semaphore_mem>>
      %dma_start3A = arith.constant 0 : i32
      %dma_start3A_55 = tpu.memref_slice %arg6[%run_scoped3A_27, %dma_start3A] : memref<16x640xf32, #tpu.memory_space<vmem>> -> memref<1x640xf32, #tpu.memory_space<vmem>>
      %dma_start3A_56 = tpu.memref_squeeze %dma_start3A_55 : memref<1x640xf32, #tpu.memory_space<vmem>> -> memref<640xf32, #tpu.memory_space<vmem>>
      %dma_start3A_57 = tpu.memref_slice %arg8[%run_scoped3A_26, %mul3A_2] : memref<16x10240xf32, #tpu.memory_space<vmem_shared>> -> memref<1x640xf32, #tpu.memory_space<vmem_shared>>
      %dma_start3A_58 = tpu.memref_squeeze %dma_start3A_57 : memref<1x640xf32, #tpu.memory_space<vmem_shared>> -> memref<640xf32, #tpu.memory_space<vmem_shared>>
      %dma_start3A_59 = arith.constant 0 : i32
      %dma_start3A_60 = tpu.memref_slice %arg6[%run_scoped3A_27, %dma_start3A_59] : memref<16x640xf32, #tpu.memory_space<vmem>> -> memref<1x640xf32, #tpu.memory_space<vmem>>
      %dma_start3A_61 = tpu.memref_squeeze %dma_start3A_60 : memref<1x640xf32, #tpu.memory_space<vmem>> -> memref<640xf32, #tpu.memory_space<vmem>>
      %dma_start3A_62 = tpu.memref_slice %arg8[%run_scoped3A_26, %mul3A_2] : memref<16x10240xf32, #tpu.memory_space<vmem_shared>> -> memref<1x640xf32, #tpu.memory_space<vmem_shared>>
      %dma_start3A_63 = tpu.memref_squeeze %dma_start3A_62 : memref<1x640xf32, #tpu.memory_space<vmem_shared>> -> memref<640xf32, #tpu.memory_space<vmem_shared>>
      tpu.enqueue_dma source(%dma_start3A_63 : memref<640xf32, #tpu.memory_space<vmem_shared>>) target(%dma_start3A_61 : memref<640xf32, #tpu.memory_space<vmem>>) target_semaphore(%run_scoped3A_54 : memref<!tpu.dma_semaphore, #tpu.memory_space<semaphore_mem>>)
      %dma_wait3A = arith.constant 0 : i32
      %dma_wait3A_64 = tpu.memref_slice %arg6[%run_scoped3A_27, %dma_wait3A] : memref<16x640xf32, #tpu.memory_space<vmem>> -> memref<1x640xf32, #tpu.memory_space<vmem>>
      %dma_wait3A_65 = tpu.memref_squeeze %dma_wait3A_64 : memref<1x640xf32, #tpu.memory_space<vmem>> -> memref<640xf32, #tpu.memory_space<vmem>>
      %dma_wait3A_66 = tpu.memref_slice %arg8[%run_scoped3A_26, %mul3A_2] : memref<16x10240xf32, #tpu.memory_space<vmem_shared>> -> memref<1x640xf32, #tpu.memory_space<vmem_shared>>
      %dma_wait3A_67 = tpu.memref_squeeze %dma_wait3A_66 : memref<1x640xf32, #tpu.memory_space<vmem_shared>> -> memref<640xf32, #tpu.memory_space<vmem_shared>>
      %dma_wait3A_68 = arith.constant 0 : i32
      %dma_wait3A_69 = tpu.memref_slice %arg6[%run_scoped3A_27, %dma_wait3A_68] : memref<16x640xf32, #tpu.memory_space<vmem>> -> memref<1x640xf32, #tpu.memory_space<vmem>>
      %dma_wait3A_70 = tpu.memref_squeeze %dma_wait3A_69 : memref<1x640xf32, #tpu.memory_space<vmem>> -> memref<640xf32, #tpu.memory_space<vmem>>
      %dma_wait3A_71 = tpu.memref_slice %arg8[%run_scoped3A_26, %mul3A_2] : memref<16x10240xf32, #tpu.memory_space<vmem_shared>> -> memref<1x640xf32, #tpu.memory_space<vmem_shared>>
      %dma_wait3A_72 = tpu.memref_squeeze %dma_wait3A_71 : memref<1x640xf32, #tpu.memory_space<vmem_shared>> -> memref<640xf32, #tpu.memory_space<vmem_shared>>
      tpu.wait_dma2 semaphore(%run_scoped3A_54 : memref<!tpu.dma_semaphore, #tpu.memory_space<semaphore_mem>>) src(%dma_wait3A_72 : memref<640xf32, #tpu.memory_space<vmem_shared>>) dst(%dma_wait3A_70 : memref<640xf32, #tpu.memory_space<vmem>>)
      tpu.yield
    }) : () -> ()
    %run_scoped3A_28 = arith.constant 6 : i32
    %run_scoped3A_29 = arith.constant 6 : i32
    "tpu.region"() ({
      %run_scoped3A_54 = tpu.sem_alloc : memref<!tpu.dma_semaphore, #tpu.memory_space<semaphore_mem>>
      %dma_start3A = arith.constant 0 : i32
      %dma_start3A_55 = tpu.memref_slice %arg6[%run_scoped3A_29, %dma_start3A] : memref<16x640xf32, #tpu.memory_space<vmem>> -> memref<1x640xf32, #tpu.memory_space<vmem>>
      %dma_start3A_56 = tpu.memref_squeeze %dma_start3A_55 : memref<1x640xf32, #tpu.memory_space<vmem>> -> memref<640xf32, #tpu.memory_space<vmem>>
      %dma_start3A_57 = tpu.memref_slice %arg8[%run_scoped3A_28, %mul3A_2] : memref<16x10240xf32, #tpu.memory_space<vmem_shared>> -> memref<1x640xf32, #tpu.memory_space<vmem_shared>>
      %dma_start3A_58 = tpu.memref_squeeze %dma_start3A_57 : memref<1x640xf32, #tpu.memory_space<vmem_shared>> -> memref<640xf32, #tpu.memory_space<vmem_shared>>
      %dma_start3A_59 = arith.constant 0 : i32
      %dma_start3A_60 = tpu.memref_slice %arg6[%run_scoped3A_29, %dma_start3A_59] : memref<16x640xf32, #tpu.memory_space<vmem>> -> memref<1x640xf32, #tpu.memory_space<vmem>>
      %dma_start3A_61 = tpu.memref_squeeze %dma_start3A_60 : memref<1x640xf32, #tpu.memory_space<vmem>> -> memref<640xf32, #tpu.memory_space<vmem>>
      %dma_start3A_62 = tpu.memref_slice %arg8[%run_scoped3A_28, %mul3A_2] : memref<16x10240xf32, #tpu.memory_space<vmem_shared>> -> memref<1x640xf32, #tpu.memory_space<vmem_shared>>
      %dma_start3A_63 = tpu.memref_squeeze %dma_start3A_62 : memref<1x640xf32, #tpu.memory_space<vmem_shared>> -> memref<640xf32, #tpu.memory_space<vmem_shared>>
      tpu.enqueue_dma source(%dma_start3A_63 : memref<640xf32, #tpu.memory_space<vmem_shared>>) target(%dma_start3A_61 : memref<640xf32, #tpu.memory_space<vmem>>) target_semaphore(%run_scoped3A_54 : memref<!tpu.dma_semaphore, #tpu.memory_space<semaphore_mem>>)
      %dma_wait3A = arith.constant 0 : i32
      %dma_wait3A_64 = tpu.memref_slice %arg6[%run_scoped3A_29, %dma_wait3A] : memref<16x640xf32, #tpu.memory_space<vmem>> -> memref<1x640xf32, #tpu.memory_space<vmem>>
      %dma_wait3A_65 = tpu.memref_squeeze %dma_wait3A_64 : memref<1x640xf32, #tpu.memory_space<vmem>> -> memref<640xf32, #tpu.memory_space<vmem>>
      %dma_wait3A_66 = tpu.memref_slice %arg8[%run_scoped3A_28, %mul3A_2] : memref<16x10240xf32, #tpu.memory_space<vmem_shared>> -> memref<1x640xf32, #tpu.memory_space<vmem_shared>>
      %dma_wait3A_67 = tpu.memref_squeeze %dma_wait3A_66 : memref<1x640xf32, #tpu.memory_space<vmem_shared>> -> memref<640xf32, #tpu.memory_space<vmem_shared>>
      %dma_wait3A_68 = arith.constant 0 : i32
      %dma_wait3A_69 = tpu.memref_slice %arg6[%run_scoped3A_29, %dma_wait3A_68] : memref<16x640xf32, #tpu.memory_space<vmem>> -> memref<1x640xf32, #tpu.memory_space<vmem>>
      %dma_wait3A_70 = tpu.memref_squeeze %dma_wait3A_69 : memref<1x640xf32, #tpu.memory_space<vmem>> -> memref<640xf32, #tpu.memory_space<vmem>>
      %dma_wait3A_71 = tpu.memref_slice %arg8[%run_scoped3A_28, %mul3A_2] : memref<16x10240xf32, #tpu.memory_space<vmem_shared>> -> memref<1x640xf32, #tpu.memory_space<vmem_shared>>
      %dma_wait3A_72 = tpu.memref_squeeze %dma_wait3A_71 : memref<1x640xf32, #tpu.memory_space<vmem_shared>> -> memref<640xf32, #tpu.memory_space<vmem_shared>>
      tpu.wait_dma2 semaphore(%run_scoped3A_54 : memref<!tpu.dma_semaphore, #tpu.memory_space<semaphore_mem>>) src(%dma_wait3A_72 : memref<640xf32, #tpu.memory_space<vmem_shared>>) dst(%dma_wait3A_70 : memref<640xf32, #tpu.memory_space<vmem>>)
      tpu.yield
    }) : () -> ()
    %run_scoped3A_30 = arith.constant 7 : i32
    %run_scoped3A_31 = arith.constant 7 : i32
    "tpu.region"() ({
      %run_scoped3A_54 = tpu.sem_alloc : memref<!tpu.dma_semaphore, #tpu.memory_space<semaphore_mem>>
      %dma_start3A = arith.constant 0 : i32
      %dma_start3A_55 = tpu.memref_slice %arg6[%run_scoped3A_31, %dma_start3A] : memref<16x640xf32, #tpu.memory_space<vmem>> -> memref<1x640xf32, #tpu.memory_space<vmem>>
      %dma_start3A_56 = tpu.memref_squeeze %dma_start3A_55 : memref<1x640xf32, #tpu.memory_space<vmem>> -> memref<640xf32, #tpu.memory_space<vmem>>
      %dma_start3A_57 = tpu.memref_slice %arg8[%run_scoped3A_30, %mul3A_2] : memref<16x10240xf32, #tpu.memory_space<vmem_shared>> -> memref<1x640xf32, #tpu.memory_space<vmem_shared>>
      %dma_start3A_58 = tpu.memref_squeeze %dma_start3A_57 : memref<1x640xf32, #tpu.memory_space<vmem_shared>> -> memref<640xf32, #tpu.memory_space<vmem_shared>>
      %dma_start3A_59 = arith.constant 0 : i32
      %dma_start3A_60 = tpu.memref_slice %arg6[%run_scoped3A_31, %dma_start3A_59] : memref<16x640xf32, #tpu.memory_space<vmem>> -> memref<1x640xf32, #tpu.memory_space<vmem>>
      %dma_start3A_61 = tpu.memref_squeeze %dma_start3A_60 : memref<1x640xf32, #tpu.memory_space<vmem>> -> memref<640xf32, #tpu.memory_space<vmem>>
      %dma_start3A_62 = tpu.memref_slice %arg8[%run_scoped3A_30, %mul3A_2] : memref<16x10240xf32, #tpu.memory_space<vmem_shared>> -> memref<1x640xf32, #tpu.memory_space<vmem_shared>>
      %dma_start3A_63 = tpu.memref_squeeze %dma_start3A_62 : memref<1x640xf32, #tpu.memory_space<vmem_shared>> -> memref<640xf32, #tpu.memory_space<vmem_shared>>
      tpu.enqueue_dma source(%dma_start3A_63 : memref<640xf32, #tpu.memory_space<vmem_shared>>) target(%dma_start3A_61 : memref<640xf32, #tpu.memory_space<vmem>>) target_semaphore(%run_scoped3A_54 : memref<!tpu.dma_semaphore, #tpu.memory_space<semaphore_mem>>)
      %dma_wait3A = arith.constant 0 : i32
      %dma_wait3A_64 = tpu.memref_slice %arg6[%run_scoped3A_31, %dma_wait3A] : memref<16x640xf32, #tpu.memory_space<vmem>> -> memref<1x640xf32, #tpu.memory_space<vmem>>
      %dma_wait3A_65 = tpu.memref_squeeze %dma_wait3A_64 : memref<1x640xf32, #tpu.memory_space<vmem>> -> memref<640xf32, #tpu.memory_space<vmem>>
      %dma_wait3A_66 = tpu.memref_slice %arg8[%run_scoped3A_30, %mul3A_2] : memref<16x10240xf32, #tpu.memory_space<vmem_shared>> -> memref<1x640xf32, #tpu.memory_space<vmem_shared>>
      %dma_wait3A_67 = tpu.memref_squeeze %dma_wait3A_66 : memref<1x640xf32, #tpu.memory_space<vmem_shared>> -> memref<640xf32, #tpu.memory_space<vmem_shared>>
      %dma_wait3A_68 = arith.constant 0 : i32
      %dma_wait3A_69 = tpu.memref_slice %arg6[%run_scoped3A_31, %dma_wait3A_68] : memref<16x640xf32, #tpu.memory_space<vmem>> -> memref<1x640xf32, #tpu.memory_space<vmem>>
      %dma_wait3A_70 = tpu.memref_squeeze %dma_wait3A_69 : memref<1x640xf32, #tpu.memory_space<vmem>> -> memref<640xf32, #tpu.memory_space<vmem>>
      %dma_wait3A_71 = tpu.memref_slice %arg8[%run_scoped3A_30, %mul3A_2] : memref<16x10240xf32, #tpu.memory_space<vmem_shared>> -> memref<1x640xf32, #tpu.memory_space<vmem_shared>>
      %dma_wait3A_72 = tpu.memref_squeeze %dma_wait3A_71 : memref<1x640xf32, #tpu.memory_space<vmem_shared>> -> memref<640xf32, #tpu.memory_space<vmem_shared>>
      tpu.wait_dma2 semaphore(%run_scoped3A_54 : memref<!tpu.dma_semaphore, #tpu.memory_space<semaphore_mem>>) src(%dma_wait3A_72 : memref<640xf32, #tpu.memory_space<vmem_shared>>) dst(%dma_wait3A_70 : memref<640xf32, #tpu.memory_space<vmem>>)
      tpu.yield
    }) : () -> ()
    %run_scoped3A_32 = arith.constant 8 : i32
    %run_scoped3A_33 = arith.constant 8 : i32
    "tpu.region"() ({
      %run_scoped3A_54 = tpu.sem_alloc : memref<!tpu.dma_semaphore, #tpu.memory_space<semaphore_mem>>
      %dma_start3A = arith.constant 0 : i32
      %dma_start3A_55 = tpu.memref_slice %arg6[%run_scoped3A_33, %dma_start3A] : memref<16x640xf32, #tpu.memory_space<vmem>> -> memref<1x640xf32, #tpu.memory_space<vmem>>
      %dma_start3A_56 = tpu.memref_squeeze %dma_start3A_55 : memref<1x640xf32, #tpu.memory_space<vmem>> -> memref<640xf32, #tpu.memory_space<vmem>>
      %dma_start3A_57 = tpu.memref_slice %arg8[%run_scoped3A_32, %mul3A_2] : memref<16x10240xf32, #tpu.memory_space<vmem_shared>> -> memref<1x640xf32, #tpu.memory_space<vmem_shared>>
      %dma_start3A_58 = tpu.memref_squeeze %dma_start3A_57 : memref<1x640xf32, #tpu.memory_space<vmem_shared>> -> memref<640xf32, #tpu.memory_space<vmem_shared>>
      %dma_start3A_59 = arith.constant 0 : i32
      %dma_start3A_60 = tpu.memref_slice %arg6[%run_scoped3A_33, %dma_start3A_59] : memref<16x640xf32, #tpu.memory_space<vmem>> -> memref<1x640xf32, #tpu.memory_space<vmem>>
      %dma_start3A_61 = tpu.memref_squeeze %dma_start3A_60 : memref<1x640xf32, #tpu.memory_space<vmem>> -> memref<640xf32, #tpu.memory_space<vmem>>
      %dma_start3A_62 = tpu.memref_slice %arg8[%run_scoped3A_32, %mul3A_2] : memref<16x10240xf32, #tpu.memory_space<vmem_shared>> -> memref<1x640xf32, #tpu.memory_space<vmem_shared>>
      %dma_start3A_63 = tpu.memref_squeeze %dma_start3A_62 : memref<1x640xf32, #tpu.memory_space<vmem_shared>> -> memref<640xf32, #tpu.memory_space<vmem_shared>>
      tpu.enqueue_dma source(%dma_start3A_63 : memref<640xf32, #tpu.memory_space<vmem_shared>>) target(%dma_start3A_61 : memref<640xf32, #tpu.memory_space<vmem>>) target_semaphore(%run_scoped3A_54 : memref<!tpu.dma_semaphore, #tpu.memory_space<semaphore_mem>>)
      %dma_wait3A = arith.constant 0 : i32
      %dma_wait3A_64 = tpu.memref_slice %arg6[%run_scoped3A_33, %dma_wait3A] : memref<16x640xf32, #tpu.memory_space<vmem>> -> memref<1x640xf32, #tpu.memory_space<vmem>>
      %dma_wait3A_65 = tpu.memref_squeeze %dma_wait3A_64 : memref<1x640xf32, #tpu.memory_space<vmem>> -> memref<640xf32, #tpu.memory_space<vmem>>
      %dma_wait3A_66 = tpu.memref_slice %arg8[%run_scoped3A_32, %mul3A_2] : memref<16x10240xf32, #tpu.memory_space<vmem_shared>> -> memref<1x640xf32, #tpu.memory_space<vmem_shared>>
      %dma_wait3A_67 = tpu.memref_squeeze %dma_wait3A_66 : memref<1x640xf32, #tpu.memory_space<vmem_shared>> -> memref<640xf32, #tpu.memory_space<vmem_shared>>
      %dma_wait3A_68 = arith.constant 0 : i32
      %dma_wait3A_69 = tpu.memref_slice %arg6[%run_scoped3A_33, %dma_wait3A_68] : memref<16x640xf32, #tpu.memory_space<vmem>> -> memref<1x640xf32, #tpu.memory_space<vmem>>
      %dma_wait3A_70 = tpu.memref_squeeze %dma_wait3A_69 : memref<1x640xf32, #tpu.memory_space<vmem>> -> memref<640xf32, #tpu.memory_space<vmem>>
      %dma_wait3A_71 = tpu.memref_slice %arg8[%run_scoped3A_32, %mul3A_2] : memref<16x10240xf32, #tpu.memory_space<vmem_shared>> -> memref<1x640xf32, #tpu.memory_space<vmem_shared>>
      %dma_wait3A_72 = tpu.memref_squeeze %dma_wait3A_71 : memref<1x640xf32, #tpu.memory_space<vmem_shared>> -> memref<640xf32, #tpu.memory_space<vmem_shared>>
      tpu.wait_dma2 semaphore(%run_scoped3A_54 : memref<!tpu.dma_semaphore, #tpu.memory_space<semaphore_mem>>) src(%dma_wait3A_72 : memref<640xf32, #tpu.memory_space<vmem_shared>>) dst(%dma_wait3A_70 : memref<640xf32, #tpu.memory_space<vmem>>)
      tpu.yield
    }) : () -> ()
    %run_scoped3A_34 = arith.constant 9 : i32
    %run_scoped3A_35 = arith.constant 9 : i32
    "tpu.region"() ({
      %run_scoped3A_54 = tpu.sem_alloc : memref<!tpu.dma_semaphore, #tpu.memory_space<semaphore_mem>>
      %dma_start3A = arith.constant 0 : i32
      %dma_start3A_55 = tpu.memref_slice %arg6[%run_scoped3A_35, %dma_start3A] : memref<16x640xf32, #tpu.memory_space<vmem>> -> memref<1x640xf32, #tpu.memory_space<vmem>>
      %dma_start3A_56 = tpu.memref_squeeze %dma_start3A_55 : memref<1x640xf32, #tpu.memory_space<vmem>> -> memref<640xf32, #tpu.memory_space<vmem>>
      %dma_start3A_57 = tpu.memref_slice %arg8[%run_scoped3A_34, %mul3A_2] : memref<16x10240xf32, #tpu.memory_space<vmem_shared>> -> memref<1x640xf32, #tpu.memory_space<vmem_shared>>
      %dma_start3A_58 = tpu.memref_squeeze %dma_start3A_57 : memref<1x640xf32, #tpu.memory_space<vmem_shared>> -> memref<640xf32, #tpu.memory_space<vmem_shared>>
      %dma_start3A_59 = arith.constant 0 : i32
      %dma_start3A_60 = tpu.memref_slice %arg6[%run_scoped3A_35, %dma_start3A_59] : memref<16x640xf32, #tpu.memory_space<vmem>> -> memref<1x640xf32, #tpu.memory_space<vmem>>
      %dma_start3A_61 = tpu.memref_squeeze %dma_start3A_60 : memref<1x640xf32, #tpu.memory_space<vmem>> -> memref<640xf32, #tpu.memory_space<vmem>>
      %dma_start3A_62 = tpu.memref_slice %arg8[%run_scoped3A_34, %mul3A_2] : memref<16x10240xf32, #tpu.memory_space<vmem_shared>> -> memref<1x640xf32, #tpu.memory_space<vmem_shared>>
      %dma_start3A_63 = tpu.memref_squeeze %dma_start3A_62 : memref<1x640xf32, #tpu.memory_space<vmem_shared>> -> memref<640xf32, #tpu.memory_space<vmem_shared>>
      tpu.enqueue_dma source(%dma_start3A_63 : memref<640xf32, #tpu.memory_space<vmem_shared>>) target(%dma_start3A_61 : memref<640xf32, #tpu.memory_space<vmem>>) target_semaphore(%run_scoped3A_54 : memref<!tpu.dma_semaphore, #tpu.memory_space<semaphore_mem>>)
      %dma_wait3A = arith.constant 0 : i32
      %dma_wait3A_64 = tpu.memref_slice %arg6[%run_scoped3A_35, %dma_wait3A] : memref<16x640xf32, #tpu.memory_space<vmem>> -> memref<1x640xf32, #tpu.memory_space<vmem>>
      %dma_wait3A_65 = tpu.memref_squeeze %dma_wait3A_64 : memref<1x640xf32, #tpu.memory_space<vmem>> -> memref<640xf32, #tpu.memory_space<vmem>>
      %dma_wait3A_66 = tpu.memref_slice %arg8[%run_scoped3A_34, %mul3A_2] : memref<16x10240xf32, #tpu.memory_space<vmem_shared>> -> memref<1x640xf32, #tpu.memory_space<vmem_shared>>
      %dma_wait3A_67 = tpu.memref_squeeze %dma_wait3A_66 : memref<1x640xf32, #tpu.memory_space<vmem_shared>> -> memref<640xf32, #tpu.memory_space<vmem_shared>>
      %dma_wait3A_68 = arith.constant 0 : i32
      %dma_wait3A_69 = tpu.memref_slice %arg6[%run_scoped3A_35, %dma_wait3A_68] : memref<16x640xf32, #tpu.memory_space<vmem>> -> memref<1x640xf32, #tpu.memory_space<vmem>>
      %dma_wait3A_70 = tpu.memref_squeeze %dma_wait3A_69 : memref<1x640xf32, #tpu.memory_space<vmem>> -> memref<640xf32, #tpu.memory_space<vmem>>
      %dma_wait3A_71 = tpu.memref_slice %arg8[%run_scoped3A_34, %mul3A_2] : memref<16x10240xf32, #tpu.memory_space<vmem_shared>> -> memref<1x640xf32, #tpu.memory_space<vmem_shared>>
      %dma_wait3A_72 = tpu.memref_squeeze %dma_wait3A_71 : memref<1x640xf32, #tpu.memory_space<vmem_shared>> -> memref<640xf32, #tpu.memory_space<vmem_shared>>
      tpu.wait_dma2 semaphore(%run_scoped3A_54 : memref<!tpu.dma_semaphore, #tpu.memory_space<semaphore_mem>>) src(%dma_wait3A_72 : memref<640xf32, #tpu.memory_space<vmem_shared>>) dst(%dma_wait3A_70 : memref<640xf32, #tpu.memory_space<vmem>>)
      tpu.yield
    }) : () -> ()
    %run_scoped3A_36 = arith.constant 10 : i32
    %run_scoped3A_37 = arith.constant 10 : i32
    "tpu.region"() ({
      %run_scoped3A_54 = tpu.sem_alloc : memref<!tpu.dma_semaphore, #tpu.memory_space<semaphore_mem>>
      %dma_start3A = arith.constant 0 : i32
      %dma_start3A_55 = tpu.memref_slice %arg6[%run_scoped3A_37, %dma_start3A] : memref<16x640xf32, #tpu.memory_space<vmem>> -> memref<1x640xf32, #tpu.memory_space<vmem>>
      %dma_start3A_56 = tpu.memref_squeeze %dma_start3A_55 : memref<1x640xf32, #tpu.memory_space<vmem>> -> memref<640xf32, #tpu.memory_space<vmem>>
      %dma_start3A_57 = tpu.memref_slice %arg8[%run_scoped3A_36, %mul3A_2] : memref<16x10240xf32, #tpu.memory_space<vmem_shared>> -> memref<1x640xf32, #tpu.memory_space<vmem_shared>>
      %dma_start3A_58 = tpu.memref_squeeze %dma_start3A_57 : memref<1x640xf32, #tpu.memory_space<vmem_shared>> -> memref<640xf32, #tpu.memory_space<vmem_shared>>
      %dma_start3A_59 = arith.constant 0 : i32
      %dma_start3A_60 = tpu.memref_slice %arg6[%run_scoped3A_37, %dma_start3A_59] : memref<16x640xf32, #tpu.memory_space<vmem>> -> memref<1x640xf32, #tpu.memory_space<vmem>>
      %dma_start3A_61 = tpu.memref_squeeze %dma_start3A_60 : memref<1x640xf32, #tpu.memory_space<vmem>> -> memref<640xf32, #tpu.memory_space<vmem>>
      %dma_start3A_62 = tpu.memref_slice %arg8[%run_scoped3A_36, %mul3A_2] : memref<16x10240xf32, #tpu.memory_space<vmem_shared>> -> memref<1x640xf32, #tpu.memory_space<vmem_shared>>
      %dma_start3A_63 = tpu.memref_squeeze %dma_start3A_62 : memref<1x640xf32, #tpu.memory_space<vmem_shared>> -> memref<640xf32, #tpu.memory_space<vmem_shared>>
      tpu.enqueue_dma source(%dma_start3A_63 : memref<640xf32, #tpu.memory_space<vmem_shared>>) target(%dma_start3A_61 : memref<640xf32, #tpu.memory_space<vmem>>) target_semaphore(%run_scoped3A_54 : memref<!tpu.dma_semaphore, #tpu.memory_space<semaphore_mem>>)
      %dma_wait3A = arith.constant 0 : i32
      %dma_wait3A_64 = tpu.memref_slice %arg6[%run_scoped3A_37, %dma_wait3A] : memref<16x640xf32, #tpu.memory_space<vmem>> -> memref<1x640xf32, #tpu.memory_space<vmem>>
      %dma_wait3A_65 = tpu.memref_squeeze %dma_wait3A_64 : memref<1x640xf32, #tpu.memory_space<vmem>> -> memref<640xf32, #tpu.memory_space<vmem>>
      %dma_wait3A_66 = tpu.memref_slice %arg8[%run_scoped3A_36, %mul3A_2] : memref<16x10240xf32, #tpu.memory_space<vmem_shared>> -> memref<1x640xf32, #tpu.memory_space<vmem_shared>>
      %dma_wait3A_67 = tpu.memref_squeeze %dma_wait3A_66 : memref<1x640xf32, #tpu.memory_space<vmem_shared>> -> memref<640xf32, #tpu.memory_space<vmem_shared>>
      %dma_wait3A_68 = arith.constant 0 : i32
      %dma_wait3A_69 = tpu.memref_slice %arg6[%run_scoped3A_37, %dma_wait3A_68] : memref<16x640xf32, #tpu.memory_space<vmem>> -> memref<1x640xf32, #tpu.memory_space<vmem>>
      %dma_wait3A_70 = tpu.memref_squeeze %dma_wait3A_69 : memref<1x640xf32, #tpu.memory_space<vmem>> -> memref<640xf32, #tpu.memory_space<vmem>>
      %dma_wait3A_71 = tpu.memref_slice %arg8[%run_scoped3A_36, %mul3A_2] : memref<16x10240xf32, #tpu.memory_space<vmem_shared>> -> memref<1x640xf32, #tpu.memory_space<vmem_shared>>
      %dma_wait3A_72 = tpu.memref_squeeze %dma_wait3A_71 : memref<1x640xf32, #tpu.memory_space<vmem_shared>> -> memref<640xf32, #tpu.memory_space<vmem_shared>>
      tpu.wait_dma2 semaphore(%run_scoped3A_54 : memref<!tpu.dma_semaphore, #tpu.memory_space<semaphore_mem>>) src(%dma_wait3A_72 : memref<640xf32, #tpu.memory_space<vmem_shared>>) dst(%dma_wait3A_70 : memref<640xf32, #tpu.memory_space<vmem>>)
      tpu.yield
    }) : () -> ()
    %run_scoped3A_38 = arith.constant 11 : i32
    %run_scoped3A_39 = arith.constant 11 : i32
    "tpu.region"() ({
      %run_scoped3A_54 = tpu.sem_alloc : memref<!tpu.dma_semaphore, #tpu.memory_space<semaphore_mem>>
      %dma_start3A = arith.constant 0 : i32
      %dma_start3A_55 = tpu.memref_slice %arg6[%run_scoped3A_39, %dma_start3A] : memref<16x640xf32, #tpu.memory_space<vmem>> -> memref<1x640xf32, #tpu.memory_space<vmem>>
      %dma_start3A_56 = tpu.memref_squeeze %dma_start3A_55 : memref<1x640xf32, #tpu.memory_space<vmem>> -> memref<640xf32, #tpu.memory_space<vmem>>
      %dma_start3A_57 = tpu.memref_slice %arg8[%run_scoped3A_38, %mul3A_2] : memref<16x10240xf32, #tpu.memory_space<vmem_shared>> -> memref<1x640xf32, #tpu.memory_space<vmem_shared>>
      %dma_start3A_58 = tpu.memref_squeeze %dma_start3A_57 : memref<1x640xf32, #tpu.memory_space<vmem_shared>> -> memref<640xf32, #tpu.memory_space<vmem_shared>>
      %dma_start3A_59 = arith.constant 0 : i32
      %dma_start3A_60 = tpu.memref_slice %arg6[%run_scoped3A_39, %dma_start3A_59] : memref<16x640xf32, #tpu.memory_space<vmem>> -> memref<1x640xf32, #tpu.memory_space<vmem>>
      %dma_start3A_61 = tpu.memref_squeeze %dma_start3A_60 : memref<1x640xf32, #tpu.memory_space<vmem>> -> memref<640xf32, #tpu.memory_space<vmem>>
      %dma_start3A_62 = tpu.memref_slice %arg8[%run_scoped3A_38, %mul3A_2] : memref<16x10240xf32, #tpu.memory_space<vmem_shared>> -> memref<1x640xf32, #tpu.memory_space<vmem_shared>>
      %dma_start3A_63 = tpu.memref_squeeze %dma_start3A_62 : memref<1x640xf32, #tpu.memory_space<vmem_shared>> -> memref<640xf32, #tpu.memory_space<vmem_shared>>
      tpu.enqueue_dma source(%dma_start3A_63 : memref<640xf32, #tpu.memory_space<vmem_shared>>) target(%dma_start3A_61 : memref<640xf32, #tpu.memory_space<vmem>>) target_semaphore(%run_scoped3A_54 : memref<!tpu.dma_semaphore, #tpu.memory_space<semaphore_mem>>)
      %dma_wait3A = arith.constant 0 : i32
      %dma_wait3A_64 = tpu.memref_slice %arg6[%run_scoped3A_39, %dma_wait3A] : memref<16x640xf32, #tpu.memory_space<vmem>> -> memref<1x640xf32, #tpu.memory_space<vmem>>
      %dma_wait3A_65 = tpu.memref_squeeze %dma_wait3A_64 : memref<1x640xf32, #tpu.memory_space<vmem>> -> memref<640xf32, #tpu.memory_space<vmem>>
      %dma_wait3A_66 = tpu.memref_slice %arg8[%run_scoped3A_38, %mul3A_2] : memref<16x10240xf32, #tpu.memory_space<vmem_shared>> -> memref<1x640xf32, #tpu.memory_space<vmem_shared>>
      %dma_wait3A_67 = tpu.memref_squeeze %dma_wait3A_66 : memref<1x640xf32, #tpu.memory_space<vmem_shared>> -> memref<640xf32, #tpu.memory_space<vmem_shared>>
      %dma_wait3A_68 = arith.constant 0 : i32
      %dma_wait3A_69 = tpu.memref_slice %arg6[%run_scoped3A_39, %dma_wait3A_68] : memref<16x640xf32, #tpu.memory_space<vmem>> -> memref<1x640xf32, #tpu.memory_space<vmem>>
      %dma_wait3A_70 = tpu.memref_squeeze %dma_wait3A_69 : memref<1x640xf32, #tpu.memory_space<vmem>> -> memref<640xf32, #tpu.memory_space<vmem>>
      %dma_wait3A_71 = tpu.memref_slice %arg8[%run_scoped3A_38, %mul3A_2] : memref<16x10240xf32, #tpu.memory_space<vmem_shared>> -> memref<1x640xf32, #tpu.memory_space<vmem_shared>>
      %dma_wait3A_72 = tpu.memref_squeeze %dma_wait3A_71 : memref<1x640xf32, #tpu.memory_space<vmem_shared>> -> memref<640xf32, #tpu.memory_space<vmem_shared>>
      tpu.wait_dma2 semaphore(%run_scoped3A_54 : memref<!tpu.dma_semaphore, #tpu.memory_space<semaphore_mem>>) src(%dma_wait3A_72 : memref<640xf32, #tpu.memory_space<vmem_shared>>) dst(%dma_wait3A_70 : memref<640xf32, #tpu.memory_space<vmem>>)
      tpu.yield
    }) : () -> ()
    %run_scoped3A_40 = arith.constant 12 : i32
    %run_scoped3A_41 = arith.constant 12 : i32
    "tpu.region"() ({
      %run_scoped3A_54 = tpu.sem_alloc : memref<!tpu.dma_semaphore, #tpu.memory_space<semaphore_mem>>
      %dma_start3A = arith.constant 0 : i32
      %dma_start3A_55 = tpu.memref_slice %arg6[%run_scoped3A_41, %dma_start3A] : memref<16x640xf32, #tpu.memory_space<vmem>> -> memref<1x640xf32, #tpu.memory_space<vmem>>
      %dma_start3A_56 = tpu.memref_squeeze %dma_start3A_55 : memref<1x640xf32, #tpu.memory_space<vmem>> -> memref<640xf32, #tpu.memory_space<vmem>>
      %dma_start3A_57 = tpu.memref_slice %arg8[%run_scoped3A_40, %mul3A_2] : memref<16x10240xf32, #tpu.memory_space<vmem_shared>> -> memref<1x640xf32, #tpu.memory_space<vmem_shared>>
      %dma_start3A_58 = tpu.memref_squeeze %dma_start3A_57 : memref<1x640xf32, #tpu.memory_space<vmem_shared>> -> memref<640xf32, #tpu.memory_space<vmem_shared>>
      %dma_start3A_59 = arith.constant 0 : i32
      %dma_start3A_60 = tpu.memref_slice %arg6[%run_scoped3A_41, %dma_start3A_59] : memref<16x640xf32, #tpu.memory_space<vmem>> -> memref<1x640xf32, #tpu.memory_space<vmem>>
      %dma_start3A_61 = tpu.memref_squeeze %dma_start3A_60 : memref<1x640xf32, #tpu.memory_space<vmem>> -> memref<640xf32, #tpu.memory_space<vmem>>
      %dma_start3A_62 = tpu.memref_slice %arg8[%run_scoped3A_40, %mul3A_2] : memref<16x10240xf32, #tpu.memory_space<vmem_shared>> -> memref<1x640xf32, #tpu.memory_space<vmem_shared>>
      %dma_start3A_63 = tpu.memref_squeeze %dma_start3A_62 : memref<1x640xf32, #tpu.memory_space<vmem_shared>> -> memref<640xf32, #tpu.memory_space<vmem_shared>>
      tpu.enqueue_dma source(%dma_start3A_63 : memref<640xf32, #tpu.memory_space<vmem_shared>>) target(%dma_start3A_61 : memref<640xf32, #tpu.memory_space<vmem>>) target_semaphore(%run_scoped3A_54 : memref<!tpu.dma_semaphore, #tpu.memory_space<semaphore_mem>>)
      %dma_wait3A = arith.constant 0 : i32
      %dma_wait3A_64 = tpu.memref_slice %arg6[%run_scoped3A_41, %dma_wait3A] : memref<16x640xf32, #tpu.memory_space<vmem>> -> memref<1x640xf32, #tpu.memory_space<vmem>>
      %dma_wait3A_65 = tpu.memref_squeeze %dma_wait3A_64 : memref<1x640xf32, #tpu.memory_space<vmem>> -> memref<640xf32, #tpu.memory_space<vmem>>
      %dma_wait3A_66 = tpu.memref_slice %arg8[%run_scoped3A_40, %mul3A_2] : memref<16x10240xf32, #tpu.memory_space<vmem_shared>> -> memref<1x640xf32, #tpu.memory_space<vmem_shared>>
      %dma_wait3A_67 = tpu.memref_squeeze %dma_wait3A_66 : memref<1x640xf32, #tpu.memory_space<vmem_shared>> -> memref<640xf32, #tpu.memory_space<vmem_shared>>
      %dma_wait3A_68 = arith.constant 0 : i32
      %dma_wait3A_69 = tpu.memref_slice %arg6[%run_scoped3A_41, %dma_wait3A_68] : memref<16x640xf32, #tpu.memory_space<vmem>> -> memref<1x640xf32, #tpu.memory_space<vmem>>
      %dma_wait3A_70 = tpu.memref_squeeze %dma_wait3A_69 : memref<1x640xf32, #tpu.memory_space<vmem>> -> memref<640xf32, #tpu.memory_space<vmem>>
      %dma_wait3A_71 = tpu.memref_slice %arg8[%run_scoped3A_40, %mul3A_2] : memref<16x10240xf32, #tpu.memory_space<vmem_shared>> -> memref<1x640xf32, #tpu.memory_space<vmem_shared>>
      %dma_wait3A_72 = tpu.memref_squeeze %dma_wait3A_71 : memref<1x640xf32, #tpu.memory_space<vmem_shared>> -> memref<640xf32, #tpu.memory_space<vmem_shared>>
      tpu.wait_dma2 semaphore(%run_scoped3A_54 : memref<!tpu.dma_semaphore, #tpu.memory_space<semaphore_mem>>) src(%dma_wait3A_72 : memref<640xf32, #tpu.memory_space<vmem_shared>>) dst(%dma_wait3A_70 : memref<640xf32, #tpu.memory_space<vmem>>)
      tpu.yield
    }) : () -> ()
    %run_scoped3A_42 = arith.constant 13 : i32
    %run_scoped3A_43 = arith.constant 13 : i32
    "tpu.region"() ({
      %run_scoped3A_54 = tpu.sem_alloc : memref<!tpu.dma_semaphore, #tpu.memory_space<semaphore_mem>>
      %dma_start3A = arith.constant 0 : i32
      %dma_start3A_55 = tpu.memref_slice %arg6[%run_scoped3A_43, %dma_start3A] : memref<16x640xf32, #tpu.memory_space<vmem>> -> memref<1x640xf32, #tpu.memory_space<vmem>>
      %dma_start3A_56 = tpu.memref_squeeze %dma_start3A_55 : memref<1x640xf32, #tpu.memory_space<vmem>> -> memref<640xf32, #tpu.memory_space<vmem>>
      %dma_start3A_57 = tpu.memref_slice %arg8[%run_scoped3A_42, %mul3A_2] : memref<16x10240xf32, #tpu.memory_space<vmem_shared>> -> memref<1x640xf32, #tpu.memory_space<vmem_shared>>
      %dma_start3A_58 = tpu.memref_squeeze %dma_start3A_57 : memref<1x640xf32, #tpu.memory_space<vmem_shared>> -> memref<640xf32, #tpu.memory_space<vmem_shared>>
      %dma_start3A_59 = arith.constant 0 : i32
      %dma_start3A_60 = tpu.memref_slice %arg6[%run_scoped3A_43, %dma_start3A_59] : memref<16x640xf32, #tpu.memory_space<vmem>> -> memref<1x640xf32, #tpu.memory_space<vmem>>
      %dma_start3A_61 = tpu.memref_squeeze %dma_start3A_60 : memref<1x640xf32, #tpu.memory_space<vmem>> -> memref<640xf32, #tpu.memory_space<vmem>>
      %dma_start3A_62 = tpu.memref_slice %arg8[%run_scoped3A_42, %mul3A_2] : memref<16x10240xf32, #tpu.memory_space<vmem_shared>> -> memref<1x640xf32, #tpu.memory_space<vmem_shared>>
      %dma_start3A_63 = tpu.memref_squeeze %dma_start3A_62 : memref<1x640xf32, #tpu.memory_space<vmem_shared>> -> memref<640xf32, #tpu.memory_space<vmem_shared>>
      tpu.enqueue_dma source(%dma_start3A_63 : memref<640xf32, #tpu.memory_space<vmem_shared>>) target(%dma_start3A_61 : memref<640xf32, #tpu.memory_space<vmem>>) target_semaphore(%run_scoped3A_54 : memref<!tpu.dma_semaphore, #tpu.memory_space<semaphore_mem>>)
      %dma_wait3A = arith.constant 0 : i32
      %dma_wait3A_64 = tpu.memref_slice %arg6[%run_scoped3A_43, %dma_wait3A] : memref<16x640xf32, #tpu.memory_space<vmem>> -> memref<1x640xf32, #tpu.memory_space<vmem>>
      %dma_wait3A_65 = tpu.memref_squeeze %dma_wait3A_64 : memref<1x640xf32, #tpu.memory_space<vmem>> -> memref<640xf32, #tpu.memory_space<vmem>>
      %dma_wait3A_66 = tpu.memref_slice %arg8[%run_scoped3A_42, %mul3A_2] : memref<16x10240xf32, #tpu.memory_space<vmem_shared>> -> memref<1x640xf32, #tpu.memory_space<vmem_shared>>
      %dma_wait3A_67 = tpu.memref_squeeze %dma_wait3A_66 : memref<1x640xf32, #tpu.memory_space<vmem_shared>> -> memref<640xf32, #tpu.memory_space<vmem_shared>>
      %dma_wait3A_68 = arith.constant 0 : i32
      %dma_wait3A_69 = tpu.memref_slice %arg6[%run_scoped3A_43, %dma_wait3A_68] : memref<16x640xf32, #tpu.memory_space<vmem>> -> memref<1x640xf32, #tpu.memory_space<vmem>>
      %dma_wait3A_70 = tpu.memref_squeeze %dma_wait3A_69 : memref<1x640xf32, #tpu.memory_space<vmem>> -> memref<640xf32, #tpu.memory_space<vmem>>
      %dma_wait3A_71 = tpu.memref_slice %arg8[%run_scoped3A_42, %mul3A_2] : memref<16x10240xf32, #tpu.memory_space<vmem_shared>> -> memref<1x640xf32, #tpu.memory_space<vmem_shared>>
      %dma_wait3A_72 = tpu.memref_squeeze %dma_wait3A_71 : memref<1x640xf32, #tpu.memory_space<vmem_shared>> -> memref<640xf32, #tpu.memory_space<vmem_shared>>
      tpu.wait_dma2 semaphore(%run_scoped3A_54 : memref<!tpu.dma_semaphore, #tpu.memory_space<semaphore_mem>>) src(%dma_wait3A_72 : memref<640xf32, #tpu.memory_space<vmem_shared>>) dst(%dma_wait3A_70 : memref<640xf32, #tpu.memory_space<vmem>>)
      tpu.yield
    }) : () -> ()
    %run_scoped3A_44 = arith.constant 14 : i32
    %run_scoped3A_45 = arith.constant 14 : i32
    "tpu.region"() ({
      %run_scoped3A_54 = tpu.sem_alloc : memref<!tpu.dma_semaphore, #tpu.memory_space<semaphore_mem>>
      %dma_start3A = arith.constant 0 : i32
      %dma_start3A_55 = tpu.memref_slice %arg6[%run_scoped3A_45, %dma_start3A] : memref<16x640xf32, #tpu.memory_space<vmem>> -> memref<1x640xf32, #tpu.memory_space<vmem>>
      %dma_start3A_56 = tpu.memref_squeeze %dma_start3A_55 : memref<1x640xf32, #tpu.memory_space<vmem>> -> memref<640xf32, #tpu.memory_space<vmem>>
      %dma_start3A_57 = tpu.memref_slice %arg8[%run_scoped3A_44, %mul3A_2] : memref<16x10240xf32, #tpu.memory_space<vmem_shared>> -> memref<1x640xf32, #tpu.memory_space<vmem_shared>>
      %dma_start3A_58 = tpu.memref_squeeze %dma_start3A_57 : memref<1x640xf32, #tpu.memory_space<vmem_shared>> -> memref<640xf32, #tpu.memory_space<vmem_shared>>
      %dma_start3A_59 = arith.constant 0 : i32
      %dma_start3A_60 = tpu.memref_slice %arg6[%run_scoped3A_45, %dma_start3A_59] : memref<16x640xf32, #tpu.memory_space<vmem>> -> memref<1x640xf32, #tpu.memory_space<vmem>>
      %dma_start3A_61 = tpu.memref_squeeze %dma_start3A_60 : memref<1x640xf32, #tpu.memory_space<vmem>> -> memref<640xf32, #tpu.memory_space<vmem>>
      %dma_start3A_62 = tpu.memref_slice %arg8[%run_scoped3A_44, %mul3A_2] : memref<16x10240xf32, #tpu.memory_space<vmem_shared>> -> memref<1x640xf32, #tpu.memory_space<vmem_shared>>
      %dma_start3A_63 = tpu.memref_squeeze %dma_start3A_62 : memref<1x640xf32, #tpu.memory_space<vmem_shared>> -> memref<640xf32, #tpu.memory_space<vmem_shared>>
      tpu.enqueue_dma source(%dma_start3A_63 : memref<640xf32, #tpu.memory_space<vmem_shared>>) target(%dma_start3A_61 : memref<640xf32, #tpu.memory_space<vmem>>) target_semaphore(%run_scoped3A_54 : memref<!tpu.dma_semaphore, #tpu.memory_space<semaphore_mem>>)
      %dma_wait3A = arith.constant 0 : i32
      %dma_wait3A_64 = tpu.memref_slice %arg6[%run_scoped3A_45, %dma_wait3A] : memref<16x640xf32, #tpu.memory_space<vmem>> -> memref<1x640xf32, #tpu.memory_space<vmem>>
      %dma_wait3A_65 = tpu.memref_squeeze %dma_wait3A_64 : memref<1x640xf32, #tpu.memory_space<vmem>> -> memref<640xf32, #tpu.memory_space<vmem>>
      %dma_wait3A_66 = tpu.memref_slice %arg8[%run_scoped3A_44, %mul3A_2] : memref<16x10240xf32, #tpu.memory_space<vmem_shared>> -> memref<1x640xf32, #tpu.memory_space<vmem_shared>>
      %dma_wait3A_67 = tpu.memref_squeeze %dma_wait3A_66 : memref<1x640xf32, #tpu.memory_space<vmem_shared>> -> memref<640xf32, #tpu.memory_space<vmem_shared>>
      %dma_wait3A_68 = arith.constant 0 : i32
      %dma_wait3A_69 = tpu.memref_slice %arg6[%run_scoped3A_45, %dma_wait3A_68] : memref<16x640xf32, #tpu.memory_space<vmem>> -> memref<1x640xf32, #tpu.memory_space<vmem>>
      %dma_wait3A_70 = tpu.memref_squeeze %dma_wait3A_69 : memref<1x640xf32, #tpu.memory_space<vmem>> -> memref<640xf32, #tpu.memory_space<vmem>>
      %dma_wait3A_71 = tpu.memref_slice %arg8[%run_scoped3A_44, %mul3A_2] : memref<16x10240xf32, #tpu.memory_space<vmem_shared>> -> memref<1x640xf32, #tpu.memory_space<vmem_shared>>
      %dma_wait3A_72 = tpu.memref_squeeze %dma_wait3A_71 : memref<1x640xf32, #tpu.memory_space<vmem_shared>> -> memref<640xf32, #tpu.memory_space<vmem_shared>>
      tpu.wait_dma2 semaphore(%run_scoped3A_54 : memref<!tpu.dma_semaphore, #tpu.memory_space<semaphore_mem>>) src(%dma_wait3A_72 : memref<640xf32, #tpu.memory_space<vmem_shared>>) dst(%dma_wait3A_70 : memref<640xf32, #tpu.memory_space<vmem>>)
      tpu.yield
    }) : () -> ()
    %run_scoped3A_46 = arith.constant 15 : i32
    %run_scoped3A_47 = arith.constant 15 : i32
    "tpu.region"() ({
      %run_scoped3A_54 = tpu.sem_alloc : memref<!tpu.dma_semaphore, #tpu.memory_space<semaphore_mem>>
      %dma_start3A = arith.constant 0 : i32
      %dma_start3A_55 = tpu.memref_slice %arg6[%run_scoped3A_47, %dma_start3A] : memref<16x640xf32, #tpu.memory_space<vmem>> -> memref<1x640xf32, #tpu.memory_space<vmem>>
      %dma_start3A_56 = tpu.memref_squeeze %dma_start3A_55 : memref<1x640xf32, #tpu.memory_space<vmem>> -> memref<640xf32, #tpu.memory_space<vmem>>
      %dma_start3A_57 = tpu.memref_slice %arg8[%run_scoped3A_46, %mul3A_2] : memref<16x10240xf32, #tpu.memory_space<vmem_shared>> -> memref<1x640xf32, #tpu.memory_space<vmem_shared>>
      %dma_start3A_58 = tpu.memref_squeeze %dma_start3A_57 : memref<1x640xf32, #tpu.memory_space<vmem_shared>> -> memref<640xf32, #tpu.memory_space<vmem_shared>>
      %dma_start3A_59 = arith.constant 0 : i32
      %dma_start3A_60 = tpu.memref_slice %arg6[%run_scoped3A_47, %dma_start3A_59] : memref<16x640xf32, #tpu.memory_space<vmem>> -> memref<1x640xf32, #tpu.memory_space<vmem>>
      %dma_start3A_61 = tpu.memref_squeeze %dma_start3A_60 : memref<1x640xf32, #tpu.memory_space<vmem>> -> memref<640xf32, #tpu.memory_space<vmem>>
      %dma_start3A_62 = tpu.memref_slice %arg8[%run_scoped3A_46, %mul3A_2] : memref<16x10240xf32, #tpu.memory_space<vmem_shared>> -> memref<1x640xf32, #tpu.memory_space<vmem_shared>>
      %dma_start3A_63 = tpu.memref_squeeze %dma_start3A_62 : memref<1x640xf32, #tpu.memory_space<vmem_shared>> -> memref<640xf32, #tpu.memory_space<vmem_shared>>
      tpu.enqueue_dma source(%dma_start3A_63 : memref<640xf32, #tpu.memory_space<vmem_shared>>) target(%dma_start3A_61 : memref<640xf32, #tpu.memory_space<vmem>>) target_semaphore(%run_scoped3A_54 : memref<!tpu.dma_semaphore, #tpu.memory_space<semaphore_mem>>)
      %dma_wait3A = arith.constant 0 : i32
      %dma_wait3A_64 = tpu.memref_slice %arg6[%run_scoped3A_47, %dma_wait3A] : memref<16x640xf32, #tpu.memory_space<vmem>> -> memref<1x640xf32, #tpu.memory_space<vmem>>
      %dma_wait3A_65 = tpu.memref_squeeze %dma_wait3A_64 : memref<1x640xf32, #tpu.memory_space<vmem>> -> memref<640xf32, #tpu.memory_space<vmem>>
      %dma_wait3A_66 = tpu.memref_slice %arg8[%run_scoped3A_46, %mul3A_2] : memref<16x10240xf32, #tpu.memory_space<vmem_shared>> -> memref<1x640xf32, #tpu.memory_space<vmem_shared>>
      %dma_wait3A_67 = tpu.memref_squeeze %dma_wait3A_66 : memref<1x640xf32, #tpu.memory_space<vmem_shared>> -> memref<640xf32, #tpu.memory_space<vmem_shared>>
      %dma_wait3A_68 = arith.constant 0 : i32
      %dma_wait3A_69 = tpu.memref_slice %arg6[%run_scoped3A_47, %dma_wait3A_68] : memref<16x640xf32, #tpu.memory_space<vmem>> -> memref<1x640xf32, #tpu.memory_space<vmem>>
      %dma_wait3A_70 = tpu.memref_squeeze %dma_wait3A_69 : memref<1x640xf32, #tpu.memory_space<vmem>> -> memref<640xf32, #tpu.memory_space<vmem>>
      %dma_wait3A_71 = tpu.memref_slice %arg8[%run_scoped3A_46, %mul3A_2] : memref<16x10240xf32, #tpu.memory_space<vmem_shared>> -> memref<1x640xf32, #tpu.memory_space<vmem_shared>>
      %dma_wait3A_72 = tpu.memref_squeeze %dma_wait3A_71 : memref<1x640xf32, #tpu.memory_space<vmem_shared>> -> memref<640xf32, #tpu.memory_space<vmem_shared>>
      tpu.wait_dma2 semaphore(%run_scoped3A_54 : memref<!tpu.dma_semaphore, #tpu.memory_space<semaphore_mem>>) src(%dma_wait3A_72 : memref<640xf32, #tpu.memory_space<vmem_shared>>) dst(%dma_wait3A_70 : memref<640xf32, #tpu.memory_space<vmem>>)
      tpu.yield
    }) : () -> ()
    %scan3A_48 = arith.constant 0 : i32
    %scan3A_49 = arith.constant 0 : i32
    %scan3A_50 = arith.constant 40 : i32
    %scan3A_51 = arith.addi %scan3A_49, %scan3A_50 : i32
    %scan3A_52 = arith.constant 1 : i32
    scf.for %scan3A_54 = %scan3A_49 to %scan3A_51 step %scan3A_52  : i32 {
      %mul3A_55 = arith.constant 16 : i32
      %mul3A_56 = arith.muli %scan3A_54, %mul3A_55 : i32
      %get3A = arith.constant 0 : i32
      %get3A_57 = arith.index_cast %get3A : i32 to index
      %get3A_58 = arith.index_cast %mul3A_56 : i32 to index
      %get3A_59 = tpu.vector_load %arg6[%get3A_57, %get3A_58] {strides = array<i32>} : memref<16x640xf32, #tpu.memory_space<vmem>>, vector<16xf32>,
      %mul3A_60 = arith.constant 16 : i32
      %mul3A_61 = arith.muli %scan3A_54, %mul3A_60 : i32
      %get3A_62 = arith.constant 1 : i32
      %get3A_63 = arith.index_cast %get3A_62 : i32 to index
      %get3A_64 = arith.index_cast %mul3A_61 : i32 to index
      %get3A_65 = tpu.vector_load %arg6[%get3A_63, %get3A_64] {strides = array<i32>} : memref<16x640xf32, #tpu.memory_space<vmem>>, vector<16xf32>,
      %add3A_66 = arith.addf %get3A_59, %get3A_65 : vector<16xf32>
      %mul3A_67 = arith.constant 16 : i32
      %mul3A_68 = arith.muli %scan3A_54, %mul3A_67 : i32
      %get3A_69 = arith.constant 2 : i32
      %get3A_70 = arith.index_cast %get3A_69 : i32 to index
      %get3A_71 = arith.index_cast %mul3A_68 : i32 to index
      %get3A_72 = tpu.vector_load %arg6[%get3A_70, %get3A_71] {strides = array<i32>} : memref<16x640xf32, #tpu.memory_space<vmem>>, vector<16xf32>,
      %add3A_73 = arith.addf %add3A_66, %get3A_72 : vector<16xf32>
      %mul3A_74 = arith.constant 16 : i32
      %mul3A_75 = arith.muli %scan3A_54, %mul3A_74 : i32
      %get3A_76 = arith.constant 3 : i32
      %get3A_77 = arith.index_cast %get3A_76 : i32 to index
      %get3A_78 = arith.index_cast %mul3A_75 : i32 to index
      %get3A_79 = tpu.vector_load %arg6[%get3A_77, %get3A_78] {strides = array<i32>} : memref<16x640xf32, #tpu.memory_space<vmem>>, vector<16xf32>,
      %add3A_80 = arith.addf %add3A_73, %get3A_79 : vector<16xf32>
      %mul3A_81 = arith.constant 16 : i32
      %mul3A_82 = arith.muli %scan3A_54, %mul3A_81 : i32
      %get3A_83 = arith.constant 4 : i32
      %get3A_84 = arith.index_cast %get3A_83 : i32 to index
      %get3A_85 = arith.index_cast %mul3A_82 : i32 to index
      %get3A_86 = tpu.vector_load %arg6[%get3A_84, %get3A_85] {strides = array<i32>} : memref<16x640xf32, #tpu.memory_space<vmem>>, vector<16xf32>,
      %add3A_87 = arith.addf %add3A_80, %get3A_86 : vector<16xf32>
      %mul3A_88 = arith.constant 16 : i32
      %mul3A_89 = arith.muli %scan3A_54, %mul3A_88 : i32
      %get3A_90 = arith.constant 5 : i32
      %get3A_91 = arith.index_cast %get3A_90 : i32 to index
      %get3A_92 = arith.index_cast %mul3A_89 : i32 to index
      %get3A_93 = tpu.vector_load %arg6[%get3A_91, %get3A_92] {strides = array<i32>} : memref<16x640xf32, #tpu.memory_space<vmem>>, vector<16xf32>,
      %add3A_94 = arith.addf %add3A_87, %get3A_93 : vector<16xf32>
      %mul3A_95 = arith.constant 16 : i32
      %mul3A_96 = arith.muli %scan3A_54, %mul3A_95 : i32
      %get3A_97 = arith.constant 6 : i32
      %get3A_98 = arith.index_cast %get3A_97 : i32 to index
      %get3A_99 = arith.index_cast %mul3A_96 : i32 to index
      %get3A_100 = tpu.vector_load %arg6[%get3A_98, %get3A_99] {strides = array<i32>} : memref<16x640xf32, #tpu.memory_space<vmem>>, vector<16xf32>,
      %add3A_101 = arith.addf %add3A_94, %get3A_100 : vector<16xf32>
      %mul3A_102 = arith.constant 16 : i32
      %mul3A_103 = arith.muli %scan3A_54, %mul3A_102 : i32
      %get3A_104 = arith.constant 7 : i32
      %get3A_105 = arith.index_cast %get3A_104 : i32 to index
      %get3A_106 = arith.index_cast %mul3A_103 : i32 to index
      %get3A_107 = tpu.vector_load %arg6[%get3A_105, %get3A_106] {strides = array<i32>} : memref<16x640xf32, #tpu.memory_space<vmem>>, vector<16xf32>,
      %add3A_108 = arith.addf %add3A_101, %get3A_107 : vector<16xf32>
      %mul3A_109 = arith.constant 16 : i32
      %mul3A_110 = arith.muli %scan3A_54, %mul3A_109 : i32
      %get3A_111 = arith.constant 8 : i32
      %get3A_112 = arith.index_cast %get3A_111 : i32 to index
      %get3A_113 = arith.index_cast %mul3A_110 : i32 to index
      %get3A_114 = tpu.vector_load %arg6[%get3A_112, %get3A_113] {strides = array<i32>} : memref<16x640xf32, #tpu.memory_space<vmem>>, vector<16xf32>,
      %add3A_115 = arith.addf %add3A_108, %get3A_114 : vector<16xf32>
      %mul3A_116 = arith.constant 16 : i32
      %mul3A_117 = arith.muli %scan3A_54, %mul3A_116 : i32
      %get3A_118 = arith.constant 9 : i32
      %get3A_119 = arith.index_cast %get3A_118 : i32 to index
      %get3A_120 = arith.index_cast %mul3A_117 : i32 to index
      %get3A_121 = tpu.vector_load %arg6[%get3A_119, %get3A_120] {strides = array<i32>} : memref<16x640xf32, #tpu.memory_space<vmem>>, vector<16xf32>,
      %add3A_122 = arith.addf %add3A_115, %get3A_121 : vector<16xf32>
      %mul3A_123 = arith.constant 16 : i32
      %mul3A_124 = arith.muli %scan3A_54, %mul3A_123 : i32
      %get3A_125 = arith.constant 10 : i32
      %get3A_126 = arith.index_cast %get3A_125 : i32 to index
      %get3A_127 = arith.index_cast %mul3A_124 : i32 to index
      %get3A_128 = tpu.vector_load %arg6[%get3A_126, %get3A_127] {strides = array<i32>} : memref<16x640xf32, #tpu.memory_space<vmem>>, vector<16xf32>,
      %add3A_129 = arith.addf %add3A_122, %get3A_128 : vector<16xf32>
      %mul3A_130 = arith.constant 16 : i32
      %mul3A_131 = arith.muli %scan3A_54, %mul3A_130 : i32
      %get3A_132 = arith.constant 11 : i32
      %get3A_133 = arith.index_cast %get3A_132 : i32 to index
      %get3A_134 = arith.index_cast %mul3A_131 : i32 to index
      %get3A_135 = tpu.vector_load %arg6[%get3A_133, %get3A_134] {strides = array<i32>} : memref<16x640xf32, #tpu.memory_space<vmem>>, vector<16xf32>,
      %add3A_136 = arith.addf %add3A_129, %get3A_135 : vector<16xf32>
      %mul3A_137 = arith.constant 16 : i32
      %mul3A_138 = arith.muli %scan3A_54, %mul3A_137 : i32
      %get3A_139 = arith.constant 12 : i32
      %get3A_140 = arith.index_cast %get3A_139 : i32 to index
      %get3A_141 = arith.index_cast %mul3A_138 : i32 to index
      %get3A_142 = tpu.vector_load %arg6[%get3A_140, %get3A_141] {strides = array<i32>} : memref<16x640xf32, #tpu.memory_space<vmem>>, vector<16xf32>,
      %add3A_143 = arith.addf %add3A_136, %get3A_142 : vector<16xf32>
      %mul3A_144 = arith.constant 16 : i32
      %mul3A_145 = arith.muli %scan3A_54, %mul3A_144 : i32
      %get3A_146 = arith.constant 13 : i32
      %get3A_147 = arith.index_cast %get3A_146 : i32 to index
      %get3A_148 = arith.index_cast %mul3A_145 : i32 to index
      %get3A_149 = tpu.vector_load %arg6[%get3A_147, %get3A_148] {strides = array<i32>} : memref<16x640xf32, #tpu.memory_space<vmem>>, vector<16xf32>,
      %add3A_150 = arith.addf %add3A_143, %get3A_149 : vector<16xf32>
      %mul3A_151 = arith.constant 16 : i32
      %mul3A_152 = arith.muli %scan3A_54, %mul3A_151 : i32
      %get3A_153 = arith.constant 14 : i32
      %get3A_154 = arith.index_cast %get3A_153 : i32 to index
      %get3A_155 = arith.index_cast %mul3A_152 : i32 to index
      %get3A_156 = tpu.vector_load %arg6[%get3A_154, %get3A_155] {strides = array<i32>} : memref<16x640xf32, #tpu.memory_space<vmem>>, vector<16xf32>,
      %add3A_157 = arith.addf %add3A_150, %get3A_156 : vector<16xf32>
      %mul3A_158 = arith.constant 16 : i32
      %mul3A_159 = arith.muli %scan3A_54, %mul3A_158 : i32
      %get3A_160 = arith.constant 15 : i32
      %get3A_161 = arith.index_cast %get3A_160 : i32 to index
      %get3A_162 = arith.index_cast %mul3A_159 : i32 to index
      %get3A_163 = tpu.vector_load %arg6[%get3A_161, %get3A_162] {strides = array<i32>} : memref<16x640xf32, #tpu.memory_space<vmem>>, vector<16xf32>,
      %add3A_164 = arith.addf %add3A_157, %get3A_163 : vector<16xf32>
      %mul3A_165 = arith.constant 16 : i32
      %mul3A_166 = arith.muli %scan3A_54, %mul3A_165 : i32
      %swap3A = arith.index_cast %mul3A_166 : i32 to index
      %swap3A_167 = tpu.vector_load %arg7[%swap3A] {strides = array<i32>} : memref<640xf32, #tpu.memory_space<vmem>>, vector<16xf32>,
      tpu.vector_store %arg7[%swap3A], %add3A_164 {strides = array<i32>} : memref<640xf32, #tpu.memory_space<vmem>>, vector<16xf32>,
    }
    %scan3A_53 = arith.constant 40 : i32
    "tpu.region"() ({
      %run_scoped3A_54 = tpu.sem_alloc : memref<!tpu.dma_semaphore, #tpu.memory_space<semaphore_mem>>
      %dma_start3A = tpu.memref_slice %arg3[%arg0, %mul3A_2] : memref<2x10240xf32, #tpu.memory_space<hbm>> -> memref<1x640xf32, #tpu.memory_space<hbm>>
      %dma_start3A_55 = tpu.memref_squeeze %dma_start3A : memref<1x640xf32, #tpu.memory_space<hbm>> -> memref<640xf32, #tpu.memory_space<hbm>>
      %dma_start3A_56 = tpu.memref_slice %arg3[%arg0, %mul3A_2] : memref<2x10240xf32, #tpu.memory_space<hbm>> -> memref<1x640xf32, #tpu.memory_space<hbm>>
      %dma_start3A_57 = tpu.memref_squeeze %dma_start3A_56 : memref<1x640xf32, #tpu.memory_space<hbm>> -> memref<640xf32, #tpu.memory_space<hbm>>
      tpu.enqueue_dma source(%arg7 : memref<640xf32, #tpu.memory_space<vmem>>) target(%dma_start3A_57 : memref<640xf32, #tpu.memory_space<hbm>>) target_semaphore(%run_scoped3A_54 : memref<!tpu.dma_semaphore, #tpu.memory_space<semaphore_mem>>)
      %dma_wait3A = tpu.memref_slice %arg3[%arg0, %mul3A_2] : memref<2x10240xf32, #tpu.memory_space<hbm>> -> memref<1x640xf32, #tpu.memory_space<hbm>>
      %dma_wait3A_58 = tpu.memref_squeeze %dma_wait3A : memref<1x640xf32, #tpu.memory_space<hbm>> -> memref<640xf32, #tpu.memory_space<hbm>>
      %dma_wait3A_59 = tpu.memref_slice %arg3[%arg0, %mul3A_2] : memref<2x10240xf32, #tpu.memory_space<hbm>> -> memref<1x640xf32, #tpu.memory_space<hbm>>
      %dma_wait3A_60 = tpu.memref_squeeze %dma_wait3A_59 : memref<1x640xf32, #tpu.memory_space<hbm>> -> memref<640xf32, #tpu.memory_space<hbm>>
      tpu.wait_dma2 semaphore(%run_scoped3A_54 : memref<!tpu.dma_semaphore, #tpu.memory_space<semaphore_mem>>) src(%arg7 : memref<640xf32, #tpu.memory_space<vmem>>) dst(%dma_wait3A_60 : memref<640xf32, #tpu.memory_space<hbm>>)
      tpu.yield
    }) : () -> ()
    return
  }
}

module attributes {stable_mosaic.version = 14 : i64} {
  func.func @_mm_body(%arg0: i32, %arg1: i32, %arg2: memref<256x256xf32, #tpu.memory_space<vmem>>, %arg3: memref<256x128xf32, #tpu.memory_space<vmem>>, %arg4: memref<2x256x1xf32, #tpu.memory_space<vmem>>, %arg5: memref<1x256x128xf32, #tpu.memory_space<vmem>>) attributes {dimension_semantics = [#tpu.dimension_semantics<arbitrary>, #tpu.dimension_semantics<arbitrary>], iteration_bounds = array<i64: 40, 2>, scalar_prefetch = 0 : i64, scratch_operands = 0 : i64, tpu.core_type = #tpu.core_type<tc>, window_params = [{transform_indices = @transform_0, window_bounds = array<i64: 256, 256>}, {transform_indices = @transform_1, window_bounds = array<i64: 256, 128>}, {transform_indices = @transform_2, window_bounds = array<i64: 2, 256, 1>}, {transform_indices = @transform_3, window_bounds = array<i64: 1, 256, 128>}]} {
    %get3A = arith.constant 0 : index
    %get3A_0 = arith.constant 0 : index
    %get3A_1 = arith.constant 0 : index
    %get3A_2 = vector.load %arg4[%get3A, %get3A_0, %get3A_1] : memref<2x256x1xf32, #tpu.memory_space<vmem>>, vector<1x256x1xf32>
    %get3A_3 = vector.shape_cast %get3A_2 : vector<1x256x1xf32> to vector<256x1xf32>
    %get3A_4 = arith.constant 1 : index
    %get3A_5 = arith.constant 0 : index
    %get3A_6 = arith.constant 0 : index
    %get3A_7 = vector.load %arg4[%get3A_4, %get3A_5, %get3A_6] : memref<2x256x1xf32, #tpu.memory_space<vmem>>, vector<1x256x1xf32>
    %get3A_8 = vector.shape_cast %get3A_7 : vector<1x256x1xf32> to vector<256x1xf32>
    %add3A = arith.addf %get3A_3, %get3A_8 : vector<256x1xf32>
    %add3A_9 = arith.constant 1.000000e+00 : f32
    %add3A_10 = vector.broadcast %add3A_9 : f32 to vector<256x1xf32>
    %add3A_11 = arith.addf %add3A, %add3A_10 : vector<256x1xf32>
    %sqrt3A = math.sqrt %add3A_11 : vector<256x1xf32>
    %div3A = arith.constant 1.000000e+00 : f32
    %div3A_12 = vector.broadcast %div3A : f32 to vector<256x1xf32>
    %div3A_13 = arith.divf %div3A_12, %sqrt3A : vector<256x1xf32>
    %get3A_14 = arith.constant 0 : index
    %get3A_15 = arith.constant 0 : index
    %get3A_16 = vector.load %arg2[%get3A_14, %get3A_15] : memref<256x256xf32, #tpu.memory_space<vmem>>, vector<256x256xf32>
    %get3A_17 = arith.constant 0 : index
    %get3A_18 = arith.constant 0 : index
    %get3A_19 = vector.load %arg3[%get3A_17, %get3A_18] : memref<256x128xf32, #tpu.memory_space<vmem>>, vector<256x128xf32>
    %dot_general3A = arith.constant dense<0.000000e+00> : vector<256x128xf32>
    %dot_general3A_20 = tpu.matmul %get3A_16, %get3A_19, %dot_general3A {dimension_numbers = #tpu.dot_dimension_numbers<[1], [0], [0], [1], [0, 0, 1, 1], [], []>, transpose_lhs_hint = false} : vector<256x256xf32>, vector<256x128xf32>, vector<256x128xf32> -> vector<256x128xf32>
    %mul3A = vector.broadcast %div3A_13 : vector<256x1xf32> to vector<256x128xf32>
    %mul3A_21 = arith.mulf %dot_general3A_20, %mul3A : vector<256x128xf32>
    %swap3A = arith.constant 0 : index
    %swap3A_22 = arith.constant 0 : index
    %swap3A_23 = arith.constant 0 : index
    %swap3A_24 = vector.load %arg5[%swap3A, %swap3A_22, %swap3A_23] : memref<1x256x128xf32, #tpu.memory_space<vmem>>, vector<1x256x128xf32>
    %swap3A_25 = vector.shape_cast %swap3A_24 : vector<1x256x128xf32> to vector<256x128xf32>
    %swap3A_26 = vector.shape_cast %mul3A_21 : vector<256x128xf32> to vector<1x256x128xf32>
    tpu.vector_store %arg5[%swap3A, %swap3A_22, %swap3A_23], %swap3A_26 {strides = array<i32>} : memref<1x256x128xf32, #tpu.memory_space<vmem>>, vector<1x256x128xf32>,
    return
  }
  func.func @transform_0(%arg0: i32, %arg1: i32) -> (i32, i32) {
    %c0_i32 = arith.constant 0 : i32
    %c0_i32_0 = arith.constant 0 : i32
    return %arg0, %c0_i32 : i32, i32
  }
  func.func @transform_1(%arg0: i32, %arg1: i32) -> (i32, i32) {
    %c0_i32 = arith.constant 0 : i32
    %c0_i32_0 = arith.constant 0 : i32
    return %c0_i32, %arg1 : i32, i32
  }
  func.func @transform_2(%arg0: i32, %arg1: i32) -> (i32, i32, i32) {
    %c0_i32 = arith.constant 0 : i32
    %c0_i32_0 = arith.constant 0 : i32
    %c0_i32_1 = arith.constant 0 : i32
    return %c0_i32, %arg0, %c0_i32_0 : i32, i32, i32
  }
  func.func @transform_3(%arg0: i32, %arg1: i32) -> (i32, i32, i32) {
    %c0_i32 = arith.constant 0 : i32
    %c0_i32_0 = arith.constant 0 : i32
    return %arg1, %arg0, %c0_i32 : i32, i32, i32
  }
}

module attributes {stable_mosaic.version = 14 : i64} {
  func.func @_fin_body(%arg0: i32, %arg1: memref<2x256x128xf32, #tpu.memory_space<vmem>>, %arg2: memref<2x256x1xf32, #tpu.memory_space<vmem>>, %arg3: memref<1x256xf32, #tpu.memory_space<vmem>>, %arg4: memref<256x256xf32, #tpu.memory_space<vmem>>) attributes {dimension_semantics = [#tpu.dimension_semantics<arbitrary>], iteration_bounds = array<i64: 40>, scalar_prefetch = 0 : i64, scratch_operands = 0 : i64, tpu.core_type = #tpu.core_type<tc>, window_params = [{transform_indices = @transform_0, window_bounds = array<i64: 2, 256, 128>}, {transform_indices = @transform_1, window_bounds = array<i64: 2, 256, 1>}, {pipeline_mode = #tpu.pipeline_mode<synchronous>, transform_indices = @transform_2, window_bounds = array<i64: 1, 256>}, {transform_indices = @transform_3, window_bounds = array<i64: 256, 256>}]} {
    %get3A = arith.constant 0 : index
    %get3A_0 = arith.constant 0 : index
    %get3A_1 = arith.constant 0 : index
    %get3A_2 = vector.load %arg2[%get3A, %get3A_0, %get3A_1] : memref<2x256x1xf32, #tpu.memory_space<vmem>>, vector<1x256x1xf32>
    %get3A_3 = vector.shape_cast %get3A_2 : vector<1x256x1xf32> to vector<256x1xf32>
    %get3A_4 = arith.constant 1 : index
    %get3A_5 = arith.constant 0 : index
    %get3A_6 = arith.constant 0 : index
    %get3A_7 = vector.load %arg2[%get3A_4, %get3A_5, %get3A_6] : memref<2x256x1xf32, #tpu.memory_space<vmem>>, vector<1x256x1xf32>
    %get3A_8 = vector.shape_cast %get3A_7 : vector<1x256x1xf32> to vector<256x1xf32>
    %add3A = arith.addf %get3A_3, %get3A_8 : vector<256x1xf32>
    %add3A_9 = arith.constant 1.000000e+00 : f32
    %add3A_10 = vector.broadcast %add3A_9 : f32 to vector<256x1xf32>
    %add3A_11 = arith.addf %add3A, %add3A_10 : vector<256x1xf32>
    %sqrt3A = math.sqrt %add3A_11 : vector<256x1xf32>
    %div3A = arith.constant 1.000000e+00 : f32
    %div3A_12 = vector.broadcast %div3A : f32 to vector<256x1xf32>
    %div3A_13 = arith.divf %div3A_12, %sqrt3A : vector<256x1xf32>
    %get3A_14 = arith.constant 0 : index
    %get3A_15 = arith.constant 0 : index
    %get3A_16 = arith.constant 0 : index
    %get3A_17 = vector.load %arg1[%get3A_14, %get3A_15, %get3A_16] : memref<2x256x128xf32, #tpu.memory_space<vmem>>, vector<1x256x128xf32>
    %get3A_18 = vector.shape_cast %get3A_17 : vector<1x256x128xf32> to vector<256x128xf32>
    %mul3A = vector.broadcast %div3A_13 : vector<256x1xf32> to vector<256x128xf32>
    %mul3A_19 = arith.mulf %get3A_18, %mul3A : vector<256x128xf32>
    %get3A_20 = arith.constant 1 : index
    %get3A_21 = arith.constant 0 : index
    %get3A_22 = arith.constant 0 : index
    %get3A_23 = vector.load %arg1[%get3A_20, %get3A_21, %get3A_22] : memref<2x256x128xf32, #tpu.memory_space<vmem>>, vector<1x256x128xf32>
    %get3A_24 = vector.shape_cast %get3A_23 : vector<1x256x128xf32> to vector<256x128xf32>
    %mul3A_25 = vector.broadcast %div3A_13 : vector<256x1xf32> to vector<256x128xf32>
    %mul3A_26 = arith.mulf %get3A_24, %mul3A_25 : vector<256x128xf32>
    %concatenate3A = tpu.concatenate %mul3A_19, %mul3A_26 in 1 : vector<256x128xf32>, vector<256x128xf32> -> vector<256x256xf32>
    %get3A_27 = arith.constant 0 : index
    %get3A_28 = arith.constant 0 : index
    %get3A_29 = vector.load %arg3[%get3A_27, %get3A_28] : memref<1x256xf32, #tpu.memory_space<vmem>>, vector<1x256xf32>
    %add3A_30 = vector.broadcast %get3A_29 : vector<1x256xf32> to vector<256x256xf32>
    %add3A_31 = arith.addf %concatenate3A, %add3A_30 : vector<256x256xf32>
    %swap3A = arith.constant 0 : index
    %swap3A_32 = arith.constant 0 : index
    %swap3A_33 = vector.load %arg4[%swap3A, %swap3A_32] : memref<256x256xf32, #tpu.memory_space<vmem>>, vector<256x256xf32>
    tpu.vector_store %arg4[%swap3A, %swap3A_32], %add3A_31 {strides = array<i32>} : memref<256x256xf32, #tpu.memory_space<vmem>>, vector<256x256xf32>,
    return
  }
  func.func @transform_0(%arg0: i32) -> (i32, i32, i32) {
    %c0_i32 = arith.constant 0 : i32
    %c0_i32_0 = arith.constant 0 : i32
    %c0_i32_1 = arith.constant 0 : i32
    return %c0_i32, %arg0, %c0_i32_0 : i32, i32, i32
  }
  func.func @transform_1(%arg0: i32) -> (i32, i32, i32) {
    %c0_i32 = arith.constant 0 : i32
    %c0_i32_0 = arith.constant 0 : i32
    %c0_i32_1 = arith.constant 0 : i32
    return %c0_i32, %arg0, %c0_i32_0 : i32, i32, i32
  }
  func.func @transform_2(%arg0: i32) -> (i32, i32) {
    %c0_i32 = arith.constant 0 : i32
    %c0_i32_0 = arith.constant 0 : i32
    %c0_i32_1 = arith.constant 0 : i32
    return %c0_i32, %c0_i32_0 : i32, i32
  }
  func.func @transform_3(%arg0: i32) -> (i32, i32) {
    %c0_i32 = arith.constant 0 : i32
    %c0_i32_0 = arith.constant 0 : i32
    return %arg0, %c0_i32 : i32, i32
  }
}

</mosaic_0001>

<sc_bundles>
// kernel: kernel.6.cloned.1.call-start
scs
__scs_entry_jumppad:
0x0: {  	(pc) =	sbr.rel $0x88, $3  }
0x1: {  	(tag) =	ssettag $0x0;
	lr =	simm.s32 $0x1  }
0x2: {  	[smem:$0x3F9D] =	sst lr;
	_ =	strace $0xD0000000  }
0x3: {  	_ = 	snop  }
0x4: {  	_ = 	snop  }
0x5: {  	_ = 	snop  }
0x6: {  	_ = 	snop  }
0x7: {  	_ = 	snop  }
__scs_overlays_trampoline_lowered:
0x8: {  	[smem:$0x3FAC] =	sst s0  }
0x9: {  	[smem:$0x3FAD] =	sst s1  }
0xa: {  	[smem:$0x3FAE] =	sst s2  }
0xb: {  	[smem:$0x3FAF] =	sst s3  }
0xc: {  	[smem:$0x3FB0] =	sst s4  }
0xd: {  	[smem:$0x3FB1] =	sst s5  }
0xe: {  	[smem:$0x3FB2] =	sst s6  }
0xf: {  	[smem:$0x3FB3] =	sst s7  }
0x10: {  	[smem:$0x3FB4] =	sst s8  }
0x11: {  	[smem:$0x3FB5] =	sst s9;
	s0 =	simm.s32 @!p0 $0x0  }
0x12: {  	s1 =	sld [smem:$0x3F9B];
	s0 =	simm.s32 @p0 $0x1  }
0x13: {  	[smem:$0x3FB6] =	sst s0;
	s0 =	simm.s32 @!p1 $0x0  }
0x14: {  	s2 =	sld [smem:$0x3F9A];
	s0 =	simm.s32 @p1 $0x1  }
0x15: {  	[smem:$0x3FB7] =	sst s0;
	s0 =	simm.s32 @!p2 $0x0  }
0x16: {  	s3 =	sld [smem:$0x3FDB];
	s0 =	simm.s32 @p2 $0x1  }
0x17: {  	s4 =	simm.s32 $0x1BF5;
	[smem:$0x3FB9] =	sst s0  }
0x18: {  	s0 =	sld [smem:$0x3F9C];
	_ =	swait.ge [sflag:s4], $0x0  }
0x19: {  	s7 =	sld [smem:$0x3F9D]  }
0x1a: {  	s8 =	sadd.s32 $0xFFFFE003, lr  }
0x1b: {  	s9 =	sadd.s32 $0xFFFFFEF7, lr;
	s5 =	simm.s32 $0xFFFFFFFF;
	p2 =	slt.u32 s8, $0xFFFFF086  }
0x1c: {  	p1 =	slt.u32 s9, $0xF7A;
	s5 =	simm.s32 @!p2 $0x0  }
0x1d: {  	s5 =	simm.s32 @p1 $0x1;
	p0 =	seq.s32 s7, s2  }
0x1e: {  	s7 =	smul.u32 @!p0 $0xF7A, s2;
	p2 =	seq.s32 @!p0 s5, $0x0  }
0x1f: {  	s9 =	smul.u32 $0xF7A, s1;
	s8 =	simm.s32 @!p0 $0x1BF5;
	p2 =	por !p2, p0  }
0x20: {  	[sflag:s8] =	ssyncset.s32 @!p0 $0xFFFFF086;
	s6 =	sadd.s32 @!p0 s3, s7;
	s7 =	simm.s32 @!p0 $0x108  }
0x21: {  	s3 =	sadd.s32 s3, s9;
	s6 =	sadd.s32 @!p0 $0x88, s6;
	s7 =	simm.s32 @p2 $0x1082  }
0x22: {  	[simem:s7], [sflag:s8] =	dma.local @!p0 [hbm:s6], $0xF7A  }
0x23: {  	s9 =	sor.u32 $0xD0000000, s2;
	s6 =	simm.s32 $0x108;
	_ =	swait.ge @!p0 [sflag:s8], $0x0  }
0x24: {  	s3 =	sadd.s32 $0x88, s3;
	s6 =	simm.s32 @!p1 $0x1082;
	[sflag:s4] =	ssyncset.s32 $0xFFFFF086  }
0x25: {  	[simem:s6], [sflag:s4] =	dma.local [hbm:s3], $0xF7A  }
0x26: {  	[smem:$0x3F9D] =	sst s1;
	(tag) =	ssettag s2;
	_ =	strace s9  }
0x27: {  	s1 =	sld [smem:$0x3FAD]  }
0x28: {  	s2 =	sld [smem:$0x3FAE]  }
0x29: {  	s4 =	sld [smem:$0x3FB0]  }
0x2a: {  	p0 =	seq.s32 s5, $0x0;
	s5 =	sld [smem:$0x3FB1]  }
0x2b: {  	s6 =	sld [smem:$0x3FB2]  }
0x2c: {  	s7 =	sld [smem:$0x3FB3]  }
0x2d: {  	s3 =	simm.s32 $0x108;
	s8 =	sld [smem:$0x3FB4]  }
0x2e: {  	s3 =	simm.s32 @!p0 $0x1082;
	s9 =	sld [smem:$0x3FB5]  }
0x2f: {  	lr =	sadd.s32 s0, s3;
	s0 =	sld [smem:$0x3FAC]  }
0x30: {  	s3 =	sld [smem:$0x3FAF]  }
0x31: {  	[smem:$0x3FB8] =	sst s10  }
0x32: {  	s10 =	sld [smem:$0x3FB6];
	_ =	sdelay $0x3  }
0x33: {  	p0 =	seq.s32 s10, $0x1;
	s10 =	sld [smem:$0x3FB8];
	_ =	sdelay $0x3  }
0x34: {  	[smem:$0x3FB8] =	sst s10  }
0x35: {  	s10 =	sld [smem:$0x3FB7];
	_ =	sdelay $0x3  }
0x36: {  	p1 =	seq.s32 s10, $0x1;
	s10 =	sld [smem:$0x3FB8];
	_ =	sdelay $0x3  }
0x37: {  	[smem:$0x3FB8] =	sst s10  }
0x38: {  	s10 =	sld [smem:$0x3FB9]  }
0x39: {  	_ = 	snop;
	(pc) =	sbr.ind lr, $3  }
0x3a: {  	_ = 	snop  }
0x3b: {  	_ = 	snop  }
0x3c: {  	p2 =	seq.s32 s10, $0x1;
	s10 =	sld [smem:$0x3FB8]  }
0x3d: {  	_ =	shalt  }
0x3e: {  	_ =	shalt  }
0x3f: {  	_ =	shalt  }
0x40: {  	_ =	shalt  }
0x41: {  	_ =	shalt  }
0x42: {  	_ =	shalt  }
0x43: {  	_ =	shalt  }
0x44: {  	_ =	shalt  }
0x45: {  	_ =	shalt  }
0x46: {  	_ =	shalt  }
0x47: {  	_ =	shalt  }
0x48: {  	_ =	shalt  }
0x49: {  	_ =	shalt  }
0x4a: {  	_ =	shalt  }
0x4b: {  	_ =	shalt  }
0x4c: {  	_ =	shalt  }
0x4d: {  	_ =	shalt  }
0x4e: {  	_ =	shalt  }
0x4f: {  	_ =	shalt  }
0x50: {  	_ =	shalt  }
0x51: {  	_ =	shalt  }
0x52: {  	_ =	shalt  }
0x53: {  	_ =	shalt  }
0x54: {  	_ =	shalt  }
0x55: {  	_ =	shalt  }
0x56: {  	_ =	shalt  }
0x57: {  	_ =	shalt  }
0x58: {  	_ =	shalt  }
0x59: {  	_ =	shalt  }
0x5a: {  	_ =	shalt  }
0x5b: {  	_ =	shalt  }
0x5c: {  	_ =	shalt  }
0x5d: {  	_ =	shalt  }
0x5e: {  	_ =	shalt  }
0x5f: {  	_ =	shalt  }
0x60: {  	_ =	shalt  }
0x61: {  	_ =	shalt  }
0x62: {  	_ =	shalt  }
0x63: {  	_ =	shalt  }
0x64: {  	_ =	shalt  }
0x65: {  	_ =	shalt  }
0x66: {  	_ =	shalt  }
0x67: {  	_ =	shalt  }
0x68: {  	_ =	shalt  }
0x69: {  	_ =	shalt  }
0x6a: {  	_ =	shalt  }
0x6b: {  	_ =	shalt  }
0x6c: {  	_ =	shalt  }
0x6d: {  	_ =	shalt  }
0x6e: {  	_ =	shalt  }
0x6f: {  	_ =	shalt  }
0x70: {  	_ =	shalt  }
0x71: {  	_ =	shalt  }
0x72: {  	_ =	shalt  }
0x73: {  	_ =	shalt  }
0x74: {  	_ =	shalt  }
0x75: {  	_ =	shalt  }
0x76: {  	_ =	shalt  }
0x77: {  	_ =	shalt  }
0x78: {  	_ =	shalt  }
0x79: {  	_ =	shalt  }
0x7a: {  	_ =	shalt  }
0x7b: {  	_ =	shalt  }
0x7c: {  	_ =	shalt  }
0x7d: {  	_ =	shalt  }
0x7e: {  	_ =	shalt  }
0x7f: {  	_ =	shalt  }
0x80: {  	_ =	shalt  }
0x81: {  	_ =	shalt  }
0x82: {  	_ =	shalt  }
0x83: {  	_ =	shalt  }
0x84: {  	_ =	shalt  }
0x85: {  	_ =	shalt  }
0x86: {  	_ =	shalt  }
0x87: {  	_ =	shalt  }
.Lfunc_end0:
.L_simem_size_0:
called_computation_lowered:
.L_overlay_start_0:
0x88: {  	s2 =	sld [smem:$0x3FD9]  }
0x89: {  	s3 =	sld [smem:$0x3FFE];
	_ =	sdelay $0x1  }
0x8a: {  	s1 =	srdreg.scid  }
0x8b: {  	s0 =	sand.u32 $0x1, s1  }
0x8c: {  	s16 =	sshll.u32 s0, $0xA;
	s2 =	sadd.s32 s3, s2  }
0x8d: {  	s2 =	sadd.s32 s2, s16  }
0x8e: {  	[smem:$0x3FC4] =	sst s2  }
0x8f: {  	_ = 	snop  }
0x90: {  	(tm) =	ssettm $0x1  }
0x91: {  	s17 =	sld [smem:$0x3FFB];
	_ =	sdelay $0x3  }
0x92: {  	_ =	strace s17  }
0x93: {  	s2 =	sld [smem:$0x3FFC];
	_ =	sdelay $0x3  }
0x94: {  	_ =	strace s2  }
0x95: {  	s2 =	sld [smem:$0x3FFD];
	_ =	sdelay $0x3  }
0x96: {  	_ =	strace s2  }
0x97: {  	_ =	strace $0x8FFFFFFF  }
0x98: {  	s18 =	sld [smem:$0x3FDB];
	_ =	sdelay $0x1  }
0x99: {  	s19 =	simm.s32 $_scs_section_size  }
0x9a: {  	s4 =	simm.s32 $_size__tile_overlayer_lowered;
	s5 =	simm.s32 $_tile_overlayer_lowered  }
0x9b: {  	s22 =	simm.s32 $0x1BFF;
	s21 =	sshll.u32 s5, $0x1;
	s2 =	sadd.s32 s19, s18  }
0x9c: {  	s6 =	simm.s32 $0x0;
	s20 =	sshll.u32 s4, $0x1;
	s4 =	sadd.s32 s21, s2  }
0x9d: {  	[timem:s6], [sflag:s22] =	dma.local [hbm:s4], s20  }
0x9e: {  	_ =	swait.ge [sflag:s22], s20  }
0x9f: {  	s3 =	ssub.s32 $0x0, s20;
	[sflag:s22] =	ssyncset.done $0x0  }
0xa0: {  	[sflag:s22] =	ssyncadd.s32 s3;
	_ =	sdelay $0x1  }
0xa1: {  	s23 =	simm.s32 $0x1B8B  }
0xa2: {  	_ =	swait.ge [sflag:s23], $0x1  }
0xa3: {  	[sflag:s23] =	ssyncset.done $0x0  }
0xa4: {  	s25 =	simm.s32 $0x1B8E;
	s24 =	sld [smem:$0x3FFE];
	[sflag:s23] =	ssyncadd.s32 $0xFFFFFFFF  }
0xa5: {  	s26 =	simm.s32 $execute0_lowered;
	[smem:$0x3FD2] =	sst s25  }
0xa6: {  	s4 =	sshll.u32 s26, $0x1;
	_ =	strace $0x80000046;
	[dreg:$0x1] =	wrdreg $0xFFFFFFFF  }
0xa7: {  	s28 =	simm.s32 $_size_execute0_lowered;
	s2 =	sadd.s32 s2, s4;
	[dreg:$0x0] =	wrdreg $0x0  }
0xa8: {  	s4 =	sshll.u32 s28, $0x1;
	[dreg:$0x2] =	wrdreg s2  }
0xa9: {  	[dreg:$0x3] =	wrdreg s4  }
0xaa: {  	[dreg:$0x4] =	wrdreg $0xC0  }
0xab: {  	_ =	task [dreg:s6], $0x5FFFF  }
0xac: {  	[dreg:$0x1] =	wrdreg $0xFFFFFFFF  }
0xad: {  	[dreg:$0x0] =	wrdreg $0x60  }
0xae: {  	[dreg:$0x2] =	wrdreg s24  }
0xaf: {  	[dreg:$0x3] =	wrdreg $0x66800  }
0xb0: {  	[dreg:$0x4] =	wrdreg $0x9  }
0xb1: {  	_ =	task.clear_ibuf [dreg:s6], $0x5FFFF;
	_ =	strace $0x90000046  }
0xb2: {  	s29 =	simm.s32 $0x9;
	_ =	strace $0x80000048  }
0xb3: {  	_ =	swait.ge [sflag:s29], $0x1  }
0xb4: {  	[sflag:s29] =	ssyncadd.s32 $0xFFFFFFFF  }
0xb5: {  	_ =	strace $0x90000048  }
0xb6: {  	_ =	sfence  }
0xb7: {  	s30 =	sld [smem:$0x0];
	_ =	sdelay $0x2  }
0xb8: {  	s31 =	sshll.u32 s1, $0xD;
	s1 =	sshrl.u32 s1, $0x2  }
0xb9: {  	s3 =	sand.u32 $0x4000, s31;
	s1 =	sadd.s32 s1, s30  }
0xba: {  	s0 =	sor.u32 s3, s0;
	s1 =	sshll.u32 s1, $0x11  }
0xbb: {  	s0 =	sor.u32 s1, s0  }
0xbc: {  	s0 =	sadd.s32 $0x8F2B, s0  }
0xbd: {  	[sflag:s0] =	ssyncadd.remote.s32 $0x1  }
0xbe: {  	_ =	sfence.sel $0xFFFF  }
0xbf: {  	[dreg:$0x0] =	wrdreg $0xFFFFFFFF;
	(pc) =	sbr.abs _section_cstart, $3  }
0xc0: {  	[dreg:$0x1] =	wrdreg $0xFFFFFFFF  }
0xc1: {  	_ =	task.clear_ibuf [dreg:s6], $0x2FFFF;
	_ =	strace $0x9FFFFFFF  }
0xc2: {  	(tm) =	ssettm $0x7FFFFFFF  }
0xc3: {  	_ =	shalt  }
tec
execute0_lowered:
.L_overlay_start_1:
0x0: {  	(tag) =	ssettag $0x1  }
0x1: {  	s0 =	srdreg.scid;
	s1 =	rddreg [dreg:$0x0]  }
0x2: {  	s8 =	stileid.u32;
	s3 =	rddreg [dreg:$0x1]  }
0x3: {  	s5 =	simm.s32 $0x0;
	s0 =	sand.u32 $0x1, s0;
	s4 =	sshll.u32 s8, $0x7  }
0x4: {  	[smem:$0x7FF] =	sst s5;
	s9 =	smul.u32 $0x500, s8;
	s7 =	sshrl.u32 s8, $0x3  }
0x5: {  	s11 =	smul.u32 $0x5000, s8;
	s2 =	sshll.u32 s0, $0x4;
	s4 =	sand.u32 $0x380, s4  }
0x6: {  	_ =	strace $0x80000047;
	s6 =	sshll.u32 s0, $0x7;
	s2 =	sor.u32 s8, s2  }
0x7: {  	s10 =	smul.u32 $0x50000, s7;
	s0 =	ssub.s32 $0x2, s0;
	s2 =	sshrl.u32 s2, $0x3  }
0x8: {  	s5 =	sor.u32 s6, s9;
	s12 =	sshrl.u32 s0, $0x1;
	s2 =	smul.u32 $0xA000, s2  }
0x9: {  	s14 =	sshrl.u32 s11, $0x2;
	s6 =	sshrl.u32 s10, $0x2;
	s0 =	ssub.s32 s0, s12  }
0xa: {  	s13 =	sadd.s32 s6, s3;
	s0 =	smax.u32 s0, $0x1;
	s2 =	sor.u32 s4, s2  }
0xb: {  	s15 =	sadd.s32 s4, s13;
	[dreg:$0x15] =	wrdreg s0;
	s2 =	sshrl.u32 s2, $0x3  }
0xc: {  	s5 =	sshrl.u32 s5, $0x3;
	[dreg:$0x4] =	wrdreg s15;
	s2 =	sadd.s32 s2, s1  }
0xd: {  	s1 =	sadd.s32 s5, s1;
	s5 =	sadd.s32 s14, s3;
	s2 =	sadd.s32 $0x1800, s2  }
0xe: {  	s16 =	sadd.s32 $0x80, s5;
	[dreg:$0x3] =	wrdreg s2  }
0xf: {  	s17 =	sadd.s32 $0x100, s5;
	[dreg:$0x5] =	wrdreg s16  }
0x10: {  	s18 =	sadd.s32 $0x180, s5;
	[dreg:$0x6] =	wrdreg s17  }
0x11: {  	s19 =	sadd.s32 $0x200, s5;
	[dreg:$0x7] =	wrdreg s18  }
0x12: {  	s20 =	sadd.s32 $0x280, s5;
	[dreg:$0x8] =	wrdreg s19  }
0x13: {  	s21 =	sadd.s32 $0x300, s5;
	[dreg:$0x9] =	wrdreg s20  }
0x14: {  	s22 =	sadd.s32 $0x380, s5;
	[dreg:$0xa] =	wrdreg s21  }
0x15: {  	s23 =	sadd.s32 $0x14000, s5;
	[dreg:$0xb] =	wrdreg s22  }
0x16: {  	s24 =	sadd.s32 $0x14080, s5;
	[dreg:$0xc] =	wrdreg s23  }
0x17: {  	s25 =	sadd.s32 $0x14100, s5;
	[dreg:$0xd] =	wrdreg s24  }
0x18: {  	s26 =	sadd.s32 $0x14180, s5;
	[dreg:$0xe] =	wrdreg s25  }
0x19: {  	s3 =	sadd.s32 $0x14200, s5;
	[dreg:$0xf] =	wrdreg s26  }
0x1a: {  	s4 =	sadd.s32 $0x14280, s5;
	[dreg:$0x10] =	wrdreg s3  }
0x1b: {  	s6 =	sadd.s32 $0x14300, s5;
	[dreg:$0x11] =	wrdreg s4  }
0x1c: {  	s7 =	sadd.s32 $0x14380, s5;
	[dreg:$0x12] =	wrdreg s6  }
0x1d: {  	s1 =	sadd.s32 $0x6800, s1;
	[dreg:$0x13] =	wrdreg s7  }
0x1e: {  	s8 =	sadd.s32 $0x400, s5;
	[dreg:$0x14] =	wrdreg s1  }
0x1f: {  	s9 =	sadd.s32 $0x800, s5;
	[dreg:$0x16] =	wrdreg s8  }
0x20: {  	s10 =	sadd.s32 $0xC00, s5;
	[dreg:$0x17] =	wrdreg s9  }
0x21: {  	s11 =	sadd.s32 $0x1000, s5;
	[dreg:$0x18] =	wrdreg s10  }
0x22: {  	s12 =	sadd.s32 $0x480, s5;
	[dreg:$0x19] =	wrdreg s11  }
0x23: {  	s13 =	sadd.s32 $0x880, s5;
	[dreg:$0x1a] =	wrdreg s12  }
0x24: {  	s14 =	sadd.s32 $0xC80, s5;
	[dreg:$0x1b] =	wrdreg s13  }
0x25: {  	s15 =	sadd.s32 $0x1080, s5;
	[dreg:$0x1c] =	wrdreg s14  }
0x26: {  	[dreg:$0x1d] =	wrdreg s15;
	s16 =	sadd.s32 $0x500, s5  }
0x27: {  	s17 =	sadd.s32 $0x900, s5;
	[dreg:$0x1e] =	wrdreg s16  }
0x28: {  	s18 =	sadd.s32 $0xD00, s5;
	[dreg:$0x1f] =	wrdreg s17  }
0x29: {  	s19 =	sadd.s32 $0x1100, s5;
	[smem:$0x7DC] =	sst s18  }
0x2a: {  	s20 =	sadd.s32 $0x580, s5;
	[smem:$0x7DD] =	sst s19  }
0x2b: {  	s21 =	sadd.s32 $0x980, s5;
	[smem:$0x7DE] =	sst s20  }
0x2c: {  	s22 =	sadd.s32 $0xD80, s5;
	[smem:$0x7DF] =	sst s21  }
0x2d: {  	s23 =	sadd.s32 $0x1180, s5;
	[smem:$0x7E0] =	sst s22  }
0x2e: {  	s24 =	sadd.s32 $0x600, s5;
	[smem:$0x7E1] =	sst s23  }
0x2f: {  	s25 =	sadd.s32 $0xA00, s5;
	[smem:$0x7E2] =	sst s24  }
0x30: {  	s26 =	sadd.s32 $0xE00, s5;
	[smem:$0x7E3] =	sst s25  }
0x31: {  	s1 =	sadd.s32 $0x1200, s5;
	[smem:$0x7E4] =	sst s26  }
0x32: {  	s2 =	sadd.s32 $0x680, s5;
	[smem:$0x7E5] =	sst s1  }
0x33: {  	s3 =	sadd.s32 $0xA80, s5;
	[smem:$0x7E6] =	sst s2  }
0x34: {  	s4 =	sadd.s32 $0xE80, s5;
	[smem:$0x7E7] =	sst s3  }
0x35: {  	s6 =	sadd.s32 $0x1280, s5;
	[smem:$0x7E8] =	sst s4  }
0x36: {  	s7 =	sadd.s32 $0x700, s5;
	[smem:$0x7E9] =	sst s6  }
0x37: {  	s8 =	sadd.s32 $0xB00, s5;
	[smem:$0x7EA] =	sst s7  }
0x38: {  	s9 =	sadd.s32 $0xF00, s5;
	[smem:$0x7EB] =	sst s8  }
0x39: {  	s10 =	sadd.s32 $0x1300, s5;
	[smem:$0x7EC] =	sst s9  }
0x3a: {  	s11 =	sadd.s32 $0x780, s5;
	[smem:$0x7ED] =	sst s10  }
0x3b: {  	s12 =	sadd.s32 $0xB80, s5;
	[smem:$0x7EE] =	sst s11  }
0x3c: {  	s28 =	simm.s32 $0x80;
	s13 =	sadd.s32 $0xF80, s5;
	[smem:$0x7EF] =	sst s12  }
0x3d: {  	s29 =	simm.s32 $0x400;
	s14 =	sadd.s32 $0x1380, s5;
	[smem:$0x7F0] =	sst s13  }
0x3e: {  	s30 =	simm.s32 $0x1;
	s15 =	sadd.s32 $0x14400, s5;
	[smem:$0x7F1] =	sst s14  }
0x3f: {  	s31 =	simm.s32 $0x1400;
	[smem:$0x7F2] =	sst s15;
	s16 =	sadd.s32 $0x14800, s5  }
0x40: {  	s17 =	sadd.s32 $0x14C00, s5;
	s18 =	sadd.s32 $0x15000, s5;
	[smem:$0x7F3] =	sst s16  }
0x41: {  	s19 =	sadd.s32 $0x14480, s5;
	s20 =	sadd.s32 $0x14880, s5;
	[smem:$0x7F4] =	sst s17  }
0x42: {  	s21 =	sadd.s32 $0x14C80, s5;
	s22 =	sadd.s32 $0x15080, s5;
	[smem:$0x7F5] =	sst s18  }
0x43: {  	s23 =	sadd.s32 $0x14500, s5;
	s24 =	sadd.s32 $0x14900, s5;
	[smem:$0x7F6] =	sst s19  }
0x44: {  	s25 =	sadd.s32 $0x14D00, s5;
	s26 =	sadd.s32 $0x15100, s5;
	[smem:$0x7F7] =	sst s20  }
0x45: {  	s7 =	sadd.s32 $0x14580, s5;
	s8 =	sadd.s32 $0x14980, s5;
	[smem:$0x7F8] =	sst s21  }
0x46: {  	s9 =	sadd.s32 $0x14D80, s5;
	s10 =	sadd.s32 $0x15180, s5;
	[smem:$0x7F9] =	sst s22  }
0x47: {  	s11 =	sadd.s32 $0x14600, s5;
	s12 =	sadd.s32 $0x14A00, s5;
	[smem:$0x7FA] =	sst s23  }
0x48: {  	s13 =	sadd.s32 $0x14E00, s5;
	s14 =	sadd.s32 $0x15200, s5;
	[smem:$0x7FB] =	sst s24  }
0x49: {  	s15 =	sadd.s32 $0x14680, s5;
	s1 =	simm.s32 $0x0;
	[smem:$0x7FC] =	sst s25  }
0x4a: {  	[smem:$0x7FD] =	sst s26;
	s16 =	sadd.s32 $0x14A80, s5;
	s17 =	sadd.s32 $0x14E80, s5  }
0x4b: {  	s18 =	sadd.s32 $0x15280, s5;
	s19 =	sadd.s32 $0x14700, s5;
	s20 =	sadd.s32 $0x14B00, s5  }
0x4c: {  	s21 =	sadd.s32 $0x14F00, s5;
	s22 =	sadd.s32 $0x15300, s5;
	s23 =	sadd.s32 $0x14780, s5  }
0x4d: {  	v0 =	vimm.f32 $0.0e+00;
	v1 =	vimm.f32 $1.000000000e+00;
	s24 =	sadd.s32 $0x14B80, s5;
	s25 =	sadd.s32 $0x14F80, s5;
	s26 =	sadd.s32 $0x15380, s5  }
.LBB2_1:
0x4e: {  	s0 =	simm.s32 $0x0;
	s2 =	rddreg [dreg:$0x3]  }
0x4f: {  	[tilespmem:s0], [sflag:$0x1] =	stream.strided.gather [hbm4b:s2+s28], $0x1400, s29, s28, $0x38;
	[tilespmem:$0x8E80] =	vst v63  }
0x50: {  	_ =	swait.ge [sflag:s30], $0x1400  }
0x51: {  	[sflag:s30] =	ssyncset.done $0x0  }
0x52: {  	s0 =	simm.s32 $0x0;
	[sflag:s30] =	ssyncadd.s32 $0xFFFFEC00  }
.LBB2_2:
0x53: {  	p0 =	sne.s32 s0, $0x9FC0  }
.Ltmp0:
0x54: {  	_ = 	snop;
	(pc) =	sbr.rel @p0 .LBB2_2-.Ltmp0, $3  }
0x55: {  	_ =	sdelay $0x1  }
0x56: {  	s2 =	sshra.s32 s0, $0x2  }
0x57: {  	s0 =	sadd.s32 $0x40, s0;
	[tilespmem:s2+$0x1400] =	vst v0  }
0x58: {  	s2 =	simm.s32 $0x0;
	s0 =	simm.s32 $0x40  }
.LBB2_4:
0x59: {  	p0 =	sne.s32 s0, $0x4FC0;
	v2 =	vld [tilespmem:s2+$0x0];
	_ =	sdelay $0x3  }
.Ltmp1:
0x5a: {  	(pc) =	sbr.rel @p0 .LBB2_4-.Ltmp1, $2  }
0x5b: {  	_ =	sdelay $0x2  }
0x5c: {  	s2 =	sshra.s32 s0, $0x2;
	s0 =	sadd.s32 $0x40, s0;
	[tilespmem:v2+s31+$0x0] =	vst.idx.add.f32.msk $0xffff, v1  }
0x5d: {  	v2 =	vld [tilespmem:s2+$0x0];
	_ =	sdelay $0x7  }
0x5e: {  	s0 =	rddreg [dreg:$0x4];
	[tilespmem:v2+s31+$0x0] =	vst.idx.add.f32.msk $0xffff, v1  }
0x5f: {  	[spmem:s0] =	stream.strided.scatter [tilespmem:s31], [sflag:$0x1], $0x2800, s29, s28, $0x38;
	[tilespmem:$0x8E80] =	vst v63  }
0x60: {  	_ =	swait.ge [sflag:s30], $0x2800  }
0x61: {  	[sflag:s30] =	ssyncset.done $0x0  }
0x62: {  	[sflag:s30] =	ssyncadd.s32 $0xFFFFD800  }
0x63: {  	s3 =	simm.s32 $0x3C00;
	[bflag:$0x0] =	sbarrier.arrive $0xFFFF  }
0x64: {  	[tilespmem:s3], [sflag:$0x1] =	stream.linear.gather [spmem:s5], $0x80, $0x38;
	[tilespmem:$0x8E80] =	vst v63  }
0x65: {  	s6 =	simm.s32 $0x4000;
	s4 =	rddreg [dreg:$0x16]  }
0x66: {  	[tilespmem:s6], [sflag:$0x1] =	stream.linear.gather [spmem:s4], $0x80, $0x38;
	[tilespmem:$0x8E80] =	vst v63  }
0x67: {  	s2 =	rddreg [dreg:$0x17];
	s3 =	simm.s32 $0x4400  }
0x68: {  	[tilespmem:s3], [sflag:$0x1] =	stream.linear.gather [spmem:s2], $0x80, $0x38;
	[tilespmem:$0x8E80] =	vst v63  }
0x69: {  	s4 =	rddreg [dreg:$0x18];
	s6 =	simm.s32 $0x4800  }
0x6a: {  	[tilespmem:s6], [sflag:$0x1] =	stream.linear.gather [spmem:s4], $0x80, $0x38;
	[tilespmem:$0x8E80] =	vst v63  }
0x6b: {  	s2 =	rddreg [dreg:$0x19];
	s3 =	simm.s32 $0x4C00  }
0x6c: {  	[tilespmem:s3], [sflag:$0x1] =	stream.linear.gather [spmem:s2], $0x80, $0x38;
	[tilespmem:$0x8E80] =	vst v63  }
0x6d: {  	_ =	swait.ge [sflag:s30], $0x280  }
0x6e: {  	[sflag:s30] =	ssyncset.done $0x0  }
0x6f: {  	s6 =	simm.s32 $0x3C80;
	s4 =	rddreg [dreg:$0x5];
	[sflag:s30] =	ssyncadd.s32 $0xFFFFFD80  }
0x70: {  	[tilespmem:s6], [sflag:$0x1] =	stream.linear.gather [spmem:s4], $0x80, $0x38;
	[tilespmem:$0x8E80] =	vst v63  }
0x71: {  	s3 =	simm.s32 $0x4080;
	s2 =	rddreg [dreg:$0x1a]  }
0x72: {  	[tilespmem:s3], [sflag:$0x1] =	stream.linear.gather [spmem:s2], $0x80, $0x38;
	[tilespmem:$0x8E80] =	vst v63  }
0x73: {  	s4 =	rddreg [dreg:$0x1b];
	s6 =	simm.s32 $0x4480  }
0x74: {  	[tilespmem:s6], [sflag:$0x1] =	stream.linear.gather [spmem:s4], $0x80, $0x38;
	[tilespmem:$0x8E80] =	vst v63  }
0x75: {  	s2 =	rddreg [dreg:$0x1c];
	s3 =	simm.s32 $0x4880  }
0x76: {  	[tilespmem:s3], [sflag:$0x1] =	stream.linear.gather [spmem:s2], $0x80, $0x38;
	[tilespmem:$0x8E80] =	vst v63  }
0x77: {  	s4 =	rddreg [dreg:$0x1d];
	s6 =	simm.s32 $0x4C80  }
0x78: {  	[tilespmem:s6], [sflag:$0x1] =	stream.linear.gather [spmem:s4], $0x80, $0x38;
	[tilespmem:$0x8E80] =	vst v63  }
0x79: {  	_ =	swait.ge [sflag:s30], $0x280  }
0x7a: {  	[sflag:s30] =	ssyncset.done $0x0;
	s2 =	rddreg [dreg:$0x6]  }
0x7b: {  	s3 =	simm.s32 $0x3D00;
	s4 =	rddreg [dreg:$0x1e];
	[sflag:s30] =	ssyncadd.s32 $0xFFFFFD80  }
0x7c: {  	[tilespmem:s3], [sflag:$0x1] =	stream.linear.gather [spmem:s2], $0x80, $0x38;
	[tilespmem:$0x8E80] =	vst v63  }
0x7d: {  	s6 =	simm.s32 $0x4100;
	s2 =	rddreg [dreg:$0x1f]  }
0x7e: {  	[tilespmem:s6], [sflag:$0x1] =	stream.linear.gather [spmem:s4], $0x80, $0x38;
	[tilespmem:$0x8E80] =	vst v63  }
0x7f: {  	s3 =	simm.s32 $0x4500;
	s4 =	sld [smem:$0x7DC]  }
0x80: {  	[tilespmem:s3], [sflag:$0x1] =	stream.linear.gather [spmem:s2], $0x80, $0x38;
	[tilespmem:$0x8E80] =	vst v63  }
0x81: {  	s6 =	simm.s32 $0x4900;
	s2 =	sld [smem:$0x7DD]  }
0x82: {  	[tilespmem:s6], [sflag:$0x1] =	stream.linear.gather [spmem:s4], $0x80, $0x38;
	[tilespmem:$0x8E80] =	vst v63  }
0x83: {  	s3 =	simm.s32 $0x4D00  }
0x84: {  	[tilespmem:s3], [sflag:$0x1] =	stream.linear.gather [spmem:s2], $0x80, $0x38;
	[tilespmem:$0x8E80] =	vst v63  }
0x85: {  	_ =	swait.ge [sflag:s30], $0x280  }
0x86: {  	[sflag:s30] =	ssyncset.done $0x0;
	s4 =	rddreg [dreg:$0x7]  }
0x87: {  	s6 =	simm.s32 $0x3D80;
	s2 =	sld [smem:$0x7DE];
	[sflag:s30] =	ssyncadd.s32 $0xFFFFFD80  }
0x88: {  	[tilespmem:s6], [sflag:$0x1] =	stream.linear.gather [spmem:s4], $0x80, $0x38;
	[tilespmem:$0x8E80] =	vst v63  }
0x89: {  	s3 =	simm.s32 $0x4180;
	s4 =	sld [smem:$0x7DF]  }
0x8a: {  	[tilespmem:s3], [sflag:$0x1] =	stream.linear.gather [spmem:s2], $0x80, $0x38;
	[tilespmem:$0x8E80] =	vst v63  }
0x8b: {  	s6 =	simm.s32 $0x4580;
	s2 =	sld [smem:$0x7E0]  }
0x8c: {  	[tilespmem:s6], [sflag:$0x1] =	stream.linear.gather [spmem:s4], $0x80, $0x38;
	[tilespmem:$0x8E80] =	vst v63  }
0x8d: {  	s3 =	simm.s32 $0x4980;
	s4 =	sld [smem:$0x7E1]  }
0x8e: {  	[tilespmem:s3], [sflag:$0x1] =	stream.linear.gather [spmem:s2], $0x80, $0x38;
	[tilespmem:$0x8E80] =	vst v63  }
0x8f: {  	s6 =	simm.s32 $0x4D80  }
0x90: {  	[tilespmem:s6], [sflag:$0x1] =	stream.linear.gather [spmem:s4], $0x80, $0x38;
	[tilespmem:$0x8E80] =	vst v63  }
0x91: {  	_ =	swait.ge [sflag:s30], $0x280  }
0x92: {  	[sflag:s30] =	ssyncset.done $0x0;
	s2 =	rddreg [dreg:$0x8]  }
0x93: {  	s3 =	simm.s32 $0x3E00;
	s4 =	sld [smem:$0x7E2];
	[sflag:s30] =	ssyncadd.s32 $0xFFFFFD80  }
0x94: {  	[tilespmem:s3], [sflag:$0x1] =	stream.linear.gather [spmem:s2], $0x80, $0x38;
	[tilespmem:$0x8E80] =	vst v63  }
0x95: {  	s6 =	simm.s32 $0x4200;
	s2 =	sld [smem:$0x7E3]  }
0x96: {  	[tilespmem:s6], [sflag:$0x1] =	stream.linear.gather [spmem:s4], $0x80, $0x38;
	[tilespmem:$0x8E80] =	vst v63  }
0x97: {  	s3 =	simm.s32 $0x4600;
	s4 =	sld [smem:$0x7E4]  }
0x98: {  	[tilespmem:s3], [sflag:$0x1] =	stream.linear.gather [spmem:s2], $0x80, $0x38;
	[tilespmem:$0x8E80] =	vst v63  }
0x99: {  	s6 =	simm.s32 $0x4A00;
	s2 =	sld [smem:$0x7E5]  }
0x9a: {  	[tilespmem:s6], [sflag:$0x1] =	stream.linear.gather [spmem:s4], $0x80, $0x38;
	[tilespmem:$0x8E80] =	vst v63  }
0x9b: {  	s3 =	simm.s32 $0x4E00  }
0x9c: {  	[tilespmem:s3], [sflag:$0x1] =	stream.linear.gather [spmem:s2], $0x80, $0x38;
	[tilespmem:$0x8E80] =	vst v63  }
0x9d: {  	_ =	swait.ge [sflag:s30], $0x280  }
0x9e: {  	[sflag:s30] =	ssyncset.done $0x0;
	s4 =	rddreg [dreg:$0x9]  }
0x9f: {  	s6 =	simm.s32 $0x3E80;
	s2 =	sld [smem:$0x7E6];
	[sflag:s30] =	ssyncadd.s32 $0xFFFFFD80  }
0xa0: {  	[tilespmem:s6], [sflag:$0x1] =	stream.linear.gather [spmem:s4], $0x80, $0x38;
	[tilespmem:$0x8E80] =	vst v63  }
0xa1: {  	s3 =	simm.s32 $0x4280;
	s4 =	sld [smem:$0x7E7]  }
0xa2: {  	[tilespmem:s3], [sflag:$0x1] =	stream.linear.gather [spmem:s2], $0x80, $0x38;
	[tilespmem:$0x8E80] =	vst v63  }
0xa3: {  	s6 =	simm.s32 $0x4680;
	s2 =	sld [smem:$0x7E8]  }
0xa4: {  	[tilespmem:s6], [sflag:$0x1] =	stream.linear.gather [spmem:s4], $0x80, $0x38;
	[tilespmem:$0x8E80] =	vst v63  }
0xa5: {  	s3 =	simm.s32 $0x4A80;
	s4 =	sld [smem:$0x7E9]  }
0xa6: {  	[tilespmem:s3], [sflag:$0x1] =	stream.linear.gather [spmem:s2], $0x80, $0x38;
	[tilespmem:$0x8E80] =	vst v63  }
0xa7: {  	s6 =	simm.s32 $0x4E80  }
0xa8: {  	[tilespmem:s6], [sflag:$0x1] =	stream.linear.gather [spmem:s4], $0x80, $0x38;
	[tilespmem:$0x8E80] =	vst v63  }
0xa9: {  	_ =	swait.ge [sflag:s30], $0x280  }
0xaa: {  	[sflag:s30] =	ssyncset.done $0x0;
	s2 =	rddreg [dreg:$0xa]  }
0xab: {  	s3 =	simm.s32 $0x3F00;
	s4 =	sld [smem:$0x7EA];
	[sflag:s30] =	ssyncadd.s32 $0xFFFFFD80  }
0xac: {  	[tilespmem:s3], [sflag:$0x1] =	stream.linear.gather [spmem:s2], $0x80, $0x38;
	[tilespmem:$0x8E80] =	vst v63  }
0xad: {  	s6 =	simm.s32 $0x4300;
	s2 =	sld [smem:$0x7EB]  }
0xae: {  	[tilespmem:s6], [sflag:$0x1] =	stream.linear.gather [spmem:s4], $0x80, $0x38;
	[tilespmem:$0x8E80] =	vst v63  }
0xaf: {  	s3 =	simm.s32 $0x4700;
	s4 =	sld [smem:$0x7EC]  }
0xb0: {  	[tilespmem:s3], [sflag:$0x1] =	stream.linear.gather [spmem:s2], $0x80, $0x38;
	[tilespmem:$0x8E80] =	vst v63  }
0xb1: {  	s6 =	simm.s32 $0x4B00;
	s2 =	sld [smem:$0x7ED]  }
0xb2: {  	[tilespmem:s6], [sflag:$0x1] =	stream.linear.gather [spmem:s4], $0x80, $0x38;
	[tilespmem:$0x8E80] =	vst v63  }
0xb3: {  	s3 =	simm.s32 $0x4F00  }
0xb4: {  	[tilespmem:s3], [sflag:$0x1] =	stream.linear.gather [spmem:s2], $0x80, $0x38;
	[tilespmem:$0x8E80] =	vst v63  }
0xb5: {  	_ =	swait.ge [sflag:s30], $0x280  }
0xb6: {  	[sflag:s30] =	ssyncset.done $0x0;
	s4 =	rddreg [dreg:$0xb]  }
0xb7: {  	s6 =	simm.s32 $0x3F80;
	s2 =	sld [smem:$0x7EE];
	[sflag:s30] =	ssyncadd.s32 $0xFFFFFD80  }
0xb8: {  	[tilespmem:s6], [sflag:$0x1] =	stream.linear.gather [spmem:s4], $0x80, $0x38;
	[tilespmem:$0x8E80] =	vst v63  }
0xb9: {  	s3 =	simm.s32 $0x4380;
	s4 =	sld [smem:$0x7EF]  }
0xba: {  	[tilespmem:s3], [sflag:$0x1] =	stream.linear.gather [spmem:s2], $0x80, $0x38;
	[tilespmem:$0x8E80] =	vst v63  }
0xbb: {  	s6 =	simm.s32 $0x4780;
	s2 =	sld [smem:$0x7F0]  }
0xbc: {  	[tilespmem:s6], [sflag:$0x1] =	stream.linear.gather [spmem:s4], $0x80, $0x38;
	[tilespmem:$0x8E80] =	vst v63  }
0xbd: {  	s3 =	simm.s32 $0x4B80;
	s4 =	sld [smem:$0x7F1]  }
0xbe: {  	[tilespmem:s3], [sflag:$0x1] =	stream.linear.gather [spmem:s2], $0x80, $0x38;
	[tilespmem:$0x8E80] =	vst v63  }
0xbf: {  	s6 =	simm.s32 $0x4F80  }
0xc0: {  	[tilespmem:s6], [sflag:$0x1] =	stream.linear.gather [spmem:s4], $0x80, $0x38;
	[tilespmem:$0x8E80] =	vst v63  }
0xc1: {  	_ =	swait.ge [sflag:s30], $0x280  }
0xc2: {  	[sflag:s30] =	ssyncset.done $0x0;
	s2 =	rddreg [dreg:$0xc]  }
0xc3: {  	s3 =	simm.s32 $0x5000;
	s4 =	sld [smem:$0x7F2];
	[sflag:s30] =	ssyncadd.s32 $0xFFFFFD80  }
0xc4: {  	[tilespmem:s3], [sflag:$0x1] =	stream.linear.gather [spmem:s2], $0x80, $0x38;
	[tilespmem:$0x8E80] =	vst v63  }
0xc5: {  	s6 =	simm.s32 $0x5400;
	s2 =	sld [smem:$0x7F3]  }
0xc6: {  	[tilespmem:s6], [sflag:$0x1] =	stream.linear.gather [spmem:s4], $0x80, $0x38;
	[tilespmem:$0x8E80] =	vst v63  }
0xc7: {  	s3 =	simm.s32 $0x5800;
	s4 =	sld [smem:$0x7F4]  }
0xc8: {  	[tilespmem:s3], [sflag:$0x1] =	stream.linear.gather [spmem:s2], $0x80, $0x38;
	[tilespmem:$0x8E80] =	vst v63  }
0xc9: {  	s6 =	simm.s32 $0x5C00;
	s2 =	sld [smem:$0x7F5]  }
0xca: {  	[tilespmem:s6], [sflag:$0x1] =	stream.linear.gather [spmem:s4], $0x80, $0x38;
	[tilespmem:$0x8E80] =	vst v63  }
0xcb: {  	s3 =	simm.s32 $0x6000  }
0xcc: {  	[tilespmem:s3], [sflag:$0x1] =	stream.linear.gather [spmem:s2], $0x80, $0x38;
	[tilespmem:$0x8E80] =	vst v63  }
0xcd: {  	_ =	swait.ge [sflag:s30], $0x280  }
0xce: {  	[sflag:s30] =	ssyncset.done $0x0;
	s4 =	rddreg [dreg:$0xd]  }
0xcf: {  	s6 =	simm.s32 $0x5080;
	s2 =	sld [smem:$0x7F6];
	[sflag:s30] =	ssyncadd.s32 $0xFFFFFD80  }
0xd0: {  	[tilespmem:s6], [sflag:$0x1] =	stream.linear.gather [spmem:s4], $0x80, $0x38;
	[tilespmem:$0x8E80] =	vst v63  }
0xd1: {  	s3 =	simm.s32 $0x5480;
	s4 =	sld [smem:$0x7F7]  }
0xd2: {  	[tilespmem:s3], [sflag:$0x1] =	stream.linear.gather [spmem:s2], $0x80, $0x38;
	[tilespmem:$0x8E80] =	vst v63  }
0xd3: {  	s6 =	simm.s32 $0x5880;
	s2 =	sld [smem:$0x7F8]  }
0xd4: {  	[tilespmem:s6], [sflag:$0x1] =	stream.linear.gather [spmem:s4], $0x80, $0x38;
	[tilespmem:$0x8E80] =	vst v63  }
0xd5: {  	s3 =	simm.s32 $0x5C80;
	s4 =	sld [smem:$0x7F9]  }
0xd6: {  	[tilespmem:s3], [sflag:$0x1] =	stream.linear.gather [spmem:s2], $0x80, $0x38;
	[tilespmem:$0x8E80] =	vst v63  }
0xd7: {  	s6 =	simm.s32 $0x6080  }
0xd8: {  	[tilespmem:s6], [sflag:$0x1] =	stream.linear.gather [spmem:s4], $0x80, $0x38;
	[tilespmem:$0x8E80] =	vst v63  }
0xd9: {  	_ =	swait.ge [sflag:s30], $0x280  }
0xda: {  	[sflag:s30] =	ssyncset.done $0x0;
	s2 =	rddreg [dreg:$0xe]  }
0xdb: {  	s3 =	simm.s32 $0x5100;
	s4 =	sld [smem:$0x7FA];
	[sflag:s30] =	ssyncadd.s32 $0xFFFFFD80  }
0xdc: {  	[tilespmem:s3], [sflag:$0x1] =	stream.linear.gather [spmem:s2], $0x80, $0x38;
	[tilespmem:$0x8E80] =	vst v63  }
0xdd: {  	s6 =	simm.s32 $0x5500;
	s2 =	sld [smem:$0x7FB]  }
0xde: {  	[tilespmem:s6], [sflag:$0x1] =	stream.linear.gather [spmem:s4], $0x80, $0x38;
	[tilespmem:$0x8E80] =	vst v63  }
0xdf: {  	s3 =	simm.s32 $0x5900;
	s4 =	sld [smem:$0x7FC]  }
0xe0: {  	[tilespmem:s3], [sflag:$0x1] =	stream.linear.gather [spmem:s2], $0x80, $0x38;
	[tilespmem:$0x8E80] =	vst v63  }
0xe1: {  	s6 =	simm.s32 $0x5D00;
	s2 =	sld [smem:$0x7FD]  }
0xe2: {  	[tilespmem:s6], [sflag:$0x1] =	stream.linear.gather [spmem:s4], $0x80, $0x38;
	[tilespmem:$0x8E80] =	vst v63  }
0xe3: {  	s3 =	simm.s32 $0x6100  }
0xe4: {  	[tilespmem:s3], [sflag:$0x1] =	stream.linear.gather [spmem:s2], $0x80, $0x38;
	[tilespmem:$0x8E80] =	vst v63  }
0xe5: {  	_ =	swait.ge [sflag:s30], $0x280  }
0xe6: {  	[sflag:s30] =	ssyncset.done $0x0  }
0xe7: {  	s6 =	simm.s32 $0x5180;
	s4 =	rddreg [dreg:$0xf];
	[sflag:s30] =	ssyncadd.s32 $0xFFFFFD80  }
0xe8: {  	[tilespmem:s6], [sflag:$0x1] =	stream.linear.gather [spmem:s4], $0x80, $0x38;
	[tilespmem:$0x8E80] =	vst v63  }
0xe9: {  	s2 =	simm.s32 $0x5580  }
0xea: {  	[tilespmem:s2], [sflag:$0x1] =	stream.linear.gather [spmem:s7], $0x80, $0x38;
	[tilespmem:$0x8E80] =	vst v63  }
0xeb: {  	s3 =	simm.s32 $0x5980  }
0xec: {  	[tilespmem:s3], [sflag:$0x1] =	stream.linear.gather [spmem:s8], $0x80, $0x38;
	[tilespmem:$0x8E80] =	vst v63  }
0xed: {  	s4 =	simm.s32 $0x5D80  }
0xee: {  	[tilespmem:s4], [sflag:$0x1] =	stream.linear.gather [spmem:s9], $0x80, $0x38;
	[tilespmem:$0x8E80] =	vst v63  }
0xef: {  	s6 =	simm.s32 $0x6180  }
0xf0: {  	[tilespmem:s6], [sflag:$0x1] =	stream.linear.gather [spmem:s10], $0x80, $0x38;
	[tilespmem:$0x8E80] =	vst v63  }
0xf1: {  	_ =	swait.ge [sflag:s30], $0x280  }
0xf2: {  	[sflag:s30] =	ssyncset.done $0x0  }
0xf3: {  	s3 =	simm.s32 $0x5200;
	s2 =	rddreg [dreg:$0x10];
	[sflag:s30] =	ssyncadd.s32 $0xFFFFFD80  }
0xf4: {  	[tilespmem:s3], [sflag:$0x1] =	stream.linear.gather [spmem:s2], $0x80, $0x38;
	[tilespmem:$0x8E80] =	vst v63  }
0xf5: {  	s4 =	simm.s32 $0x5600  }
0xf6: {  	[tilespmem:s4], [sflag:$0x1] =	stream.linear.gather [spmem:s11], $0x80, $0x38;
	[tilespmem:$0x8E80] =	vst v63  }
0xf7: {  	s6 =	simm.s32 $0x5A00  }
0xf8: {  	[tilespmem:s6], [sflag:$0x1] =	stream.linear.gather [spmem:s12], $0x80, $0x38;
	[tilespmem:$0x8E80] =	vst v63  }
0xf9: {  	s2 =	simm.s32 $0x5E00  }
0xfa: {  	[tilespmem:s2], [sflag:$0x1] =	stream.linear.gather [spmem:s13], $0x80, $0x38;
	[tilespmem:$0x8E80] =	vst v63  }
0xfb: {  	s3 =	simm.s32 $0x6200  }
0xfc: {  	[tilespmem:s3], [sflag:$0x1] =	stream.linear.gather [spmem:s14], $0x80, $0x38;
	[tilespmem:$0x8E80] =	vst v63  }
0xfd: {  	_ =	swait.ge [sflag:s30], $0x280  }
0xfe: {  	[sflag:s30] =	ssyncset.done $0x0  }
0xff: {  	s6 =	simm.s32 $0x5280;
	s4 =	rddreg [dreg:$0x11];
	[sflag:s30] =	ssyncadd.s32 $0xFFFFFD80  }
0x100: {  	[tilespmem:s6], [sflag:$0x1] =	stream.linear.gather [spmem:s4], $0x80, $0x38;
	[tilespmem:$0x8E80] =	vst v63  }
0x101: {  	s2 =	simm.s32 $0x5680  }
0x102: {  	[tilespmem:s2], [sflag:$0x1] =	stream.linear.gather [spmem:s15], $0x80, $0x38;
	[tilespmem:$0x8E80] =	vst v63  }
0x103: {  	s3 =	simm.s32 $0x5A80  }
0x104: {  	[tilespmem:s3], [sflag:$0x1] =	stream.linear.gather [spmem:s16], $0x80, $0x38;
	[tilespmem:$0x8E80] =	vst v63  }
0x105: {  	s4 =	simm.s32 $0x5E80  }
0x106: {  	[tilespmem:s4], [sflag:$0x1] =	stream.linear.gather [spmem:s17], $0x80, $0x38;
	[tilespmem:$0x8E80] =	vst v63  }
0x107: {  	s6 =	simm.s32 $0x6280  }
0x108: {  	[tilespmem:s6], [sflag:$0x1] =	stream.linear.gather [spmem:s18], $0x80, $0x38;
	[tilespmem:$0x8E80] =	vst v63  }
0x109: {  	_ =	swait.ge [sflag:s30], $0x280  }
0x10a: {  	[sflag:s30] =	ssyncset.done $0x0  }
0x10b: {  	s3 =	simm.s32 $0x5300;
	s2 =	rddreg [dreg:$0x12];
	[sflag:s30] =	ssyncadd.s32 $0xFFFFFD80  }
0x10c: {  	[tilespmem:s3], [sflag:$0x1] =	stream.linear.gather [spmem:s2], $0x80, $0x38;
	[tilespmem:$0x8E80] =	vst v63  }
0x10d: {  	s4 =	simm.s32 $0x5700  }
0x10e: {  	[tilespmem:s4], [sflag:$0x1] =	stream.linear.gather [spmem:s19], $0x80, $0x38;
	[tilespmem:$0x8E80] =	vst v63  }
0x10f: {  	s6 =	simm.s32 $0x5B00  }
0x110: {  	[tilespmem:s6], [sflag:$0x1] =	stream.linear.gather [spmem:s20], $0x80, $0x38;
	[tilespmem:$0x8E80] =	vst v63  }
0x111: {  	s2 =	simm.s32 $0x5F00  }
0x112: {  	[tilespmem:s2], [sflag:$0x1] =	stream.linear.gather [spmem:s21], $0x80, $0x38;
	[tilespmem:$0x8E80] =	vst v63  }
0x113: {  	s3 =	simm.s32 $0x6300  }
0x114: {  	[tilespmem:s3], [sflag:$0x1] =	stream.linear.gather [spmem:s22], $0x80, $0x38;
	[tilespmem:$0x8E80] =	vst v63  }
0x115: {  	_ =	swait.ge [sflag:s30], $0x280  }
0x116: {  	[sflag:s30] =	ssyncset.done $0x0  }
0x117: {  	s6 =	simm.s32 $0x5380;
	s4 =	rddreg [dreg:$0x13];
	[sflag:s30] =	ssyncadd.s32 $0xFFFFFD80  }
0x118: {  	[tilespmem:s6], [sflag:$0x1] =	stream.linear.gather [spmem:s4], $0x80, $0x38;
	[tilespmem:$0x8E80] =	vst v63  }
0x119: {  	s3 =	simm.s32 $0x5780  }
0x11a: {  	[tilespmem:s3], [sflag:$0x1] =	stream.linear.gather [spmem:s23], $0x80, $0x38;
	[tilespmem:$0x8E80] =	vst v63  }
0x11b: {  	s4 =	simm.s32 $0x5B80  }
0x11c: {  	[tilespmem:s4], [sflag:$0x1] =	stream.linear.gather [spmem:s24], $0x80, $0x38;
	[tilespmem:$0x8E80] =	vst v63  }
0x11d: {  	s6 =	simm.s32 $0x5F80  }
0x11e: {  	[tilespmem:s6], [sflag:$0x1] =	stream.linear.gather [spmem:s25], $0x80, $0x38;
	[tilespmem:$0x8E80] =	vst v63  }
0x11f: {  	s2 =	simm.s32 $0x6380  }
0x120: {  	[tilespmem:s2], [sflag:$0x1] =	stream.linear.gather [spmem:s26], $0x80, $0x38;
	[tilespmem:$0x8E80] =	vst v63  }
0x121: {  	s3 =	simm.s32 $0x0;
	_ =	swait.ge [sflag:s30], $0x280  }
0x122: {  	s0 =	sand.u32 $0x1C00, s3;
	s4 =	sand.u32 $0x70, s3;
	[sflag:s30] =	ssyncset.done $0x0  }
0x123: {  	s0 =	sor.u32 s4, s0;
	[sflag:s30] =	ssyncadd.s32 $0xFFFFFD80  }
0x124: {  	v2 =	vld [tilespmem:s0+$0x3C80]  }
0x125: {  	v3 =	vld [tilespmem:s0+$0x3C00];
	_ =	sdelay $0x1  }
0x126: {  	v4 =	vld [tilespmem:s0+$0x3D00];
	_ =	sdelay $0x1  }
0x127: {  	v5 =	vld [tilespmem:s0+$0x3D80]  }
0x128: {  	v2 =	vadd.f32 v2, v3  }
0x129: {  	v3 =	vld [tilespmem:s0+$0x3E00]  }
0x12a: {  	v2 =	vadd.f32 v4, v2  }
0x12b: {  	v56 =	vld [tilespmem:s0+$0x3E80]  }
0x12c: {  	v2 =	vadd.f32 v5, v2  }
0x12d: {  	v57 =	vld [tilespmem:s0+$0x3F00]  }
0x12e: {  	v2 =	vadd.f32 v3, v2  }
0x12f: {  	v3 =	vld [tilespmem:s0+$0x3F80]  }
0x130: {  	v2 =	vadd.f32 v56, v2  }
0x131: {  	v58 =	vld [tilespmem:s0+$0x5000]  }
0x132: {  	v2 =	vadd.f32 v57, v2  }
0x133: {  	v59 =	vld [tilespmem:s0+$0x5080]  }
0x134: {  	v2 =	vadd.f32 v3, v2  }
0x135: {  	v3 =	vld [tilespmem:s0+$0x5100]  }
0x136: {  	v2 =	vadd.f32 v58, v2  }
0x137: {  	v60 =	vld [tilespmem:s0+$0x5180]  }
0x138: {  	v2 =	vadd.f32 v59, v2  }
0x139: {  	v61 =	vld [tilespmem:s0+$0x5200]  }
0x13a: {  	v2 =	vadd.f32 v3, v2  }
0x13b: {  	v3 =	vld [tilespmem:s0+$0x5280]  }
0x13c: {  	v2 =	vadd.f32 v60, v2  }
0x13d: {  	v62 =	vld [tilespmem:s0+$0x5300]  }
0x13e: {  	v2 =	vadd.f32 v61, v2  }
0x13f: {  	v63 =	vld [tilespmem:s0+$0x5380]  }
0x140: {  	v2 =	vadd.f32 v3, v2;
	_ =	sdelay $0x1  }
0x141: {  	v2 =	vadd.f32 v62, v2;
	_ =	sdelay $0x1  }
0x142: {  	s3 =	simm.s32 $0x80;
	s6 =	simm.s32 $0x10;
	v2 =	vadd.f32 v63, v2  }
0x143: {  	s4 =	sand.u32 $0x1C00, s3;
	s2 =	sand.u32 $0x70, s6;
	s0 =	simm.s32 $0x6400  }
0x144: {  	s2 =	sor.u32 s2, s4;
	s4 =	simm.s32 $0x20;
	[tilespmem:s0+$0x0] =	vst v2  }
.LBB2_6:
0x145: {  	p0 =	sne.s32 s4, $0x270;
	v2 =	vld [tilespmem:s2+$0x3C80]  }
0x146: {  	v3 =	vld [tilespmem:s2+$0x3C00];
	_ =	sdelay $0x1  }
0x147: {  	v4 =	vld [tilespmem:s2+$0x3D00];
	_ =	sdelay $0x1  }
0x148: {  	v5 =	vld [tilespmem:s2+$0x3D80]  }
0x149: {  	v2 =	vadd.f32 v2, v3  }
0x14a: {  	v3 =	vld [tilespmem:s2+$0x3E00]  }
0x14b: {  	v2 =	vadd.f32 v4, v2  }
0x14c: {  	v4 =	vld [tilespmem:s2+$0x3E80]  }
0x14d: {  	v2 =	vadd.f32 v5, v2  }
0x14e: {  	v5 =	vld [tilespmem:s2+$0x3F00]  }
0x14f: {  	v2 =	vadd.f32 v3, v2  }
0x150: {  	v3 =	vld [tilespmem:s2+$0x3F80]  }
0x151: {  	v2 =	vadd.f32 v4, v2  }
0x152: {  	v4 =	vld [tilespmem:s2+$0x5000]  }
0x153: {  	v2 =	vadd.f32 v5, v2  }
0x154: {  	v5 =	vld [tilespmem:s2+$0x5080]  }
0x155: {  	v2 =	vadd.f32 v3, v2  }
0x156: {  	v3 =	vld [tilespmem:s2+$0x5100]  }
0x157: {  	v2 =	vadd.f32 v4, v2  }
0x158: {  	v4 =	vld [tilespmem:s2+$0x5180]  }
0x159: {  	v2 =	vadd.f32 v5, v2  }
0x15a: {  	v5 =	vld [tilespmem:s2+$0x5200]  }
0x15b: {  	v2 =	vadd.f32 v3, v2  }
0x15c: {  	v3 =	vld [tilespmem:s2+$0x5280]  }
0x15d: {  	v2 =	vadd.f32 v4, v2  }
0x15e: {  	v4 =	vld [tilespmem:s2+$0x5300]  }
0x15f: {  	v2 =	vadd.f32 v5, v2  }
0x160: {  	v5 =	vld [tilespmem:s2+$0x5380]  }
0x161: {  	v2 =	vadd.f32 v3, v2;
	_ =	sdelay $0x1  }
.Ltmp2:
0x162: {  	v2 =	vadd.f32 v4, v2;
	(pc) =	sbr.rel @p0 .LBB2_6-.Ltmp2, $4  }
0x163: {  	_ = 	snop  }
0x164: {  	s3 =	sadd.s32 $0x80, s3;
	v2 =	vadd.f32 v5, v2  }
0x165: {  	s0 =	sadd.s32 $0x10, s0;
	s6 =	sand.u32 $0x1C00, s3;
	s2 =	sand.u32 $0x70, s4  }
0x166: {  	s4 =	sadd.s32 $0x10, s4;
	s2 =	sor.u32 s2, s6;
	[tilespmem:s0+$0x0] =	vst v2  }
0x167: {  	v2 =	vld [tilespmem:s2+$0x3C80]  }
0x168: {  	v3 =	vld [tilespmem:s2+$0x3C00];
	_ =	sdelay $0x1  }
0x169: {  	v4 =	vld [tilespmem:s2+$0x3D00];
	_ =	sdelay $0x1  }
0x16a: {  	v5 =	vld [tilespmem:s2+$0x3D80]  }
0x16b: {  	v2 =	vadd.f32 v2, v3  }
0x16c: {  	v3 =	vld [tilespmem:s2+$0x3E00]  }
0x16d: {  	v2 =	vadd.f32 v4, v2  }
0x16e: {  	v56 =	vld [tilespmem:s2+$0x3E80]  }
0x16f: {  	v2 =	vadd.f32 v5, v2  }
0x170: {  	v57 =	vld [tilespmem:s2+$0x3F00]  }
0x171: {  	v2 =	vadd.f32 v3, v2  }
0x172: {  	v3 =	vld [tilespmem:s2+$0x3F80]  }
0x173: {  	v2 =	vadd.f32 v56, v2  }
0x174: {  	v58 =	vld [tilespmem:s2+$0x5000]  }
0x175: {  	v2 =	vadd.f32 v57, v2  }
0x176: {  	v59 =	vld [tilespmem:s2+$0x5080]  }
0x177: {  	v2 =	vadd.f32 v3, v2  }
0x178: {  	v3 =	vld [tilespmem:s2+$0x5100]  }
0x179: {  	v2 =	vadd.f32 v58, v2  }
0x17a: {  	v60 =	vld [tilespmem:s2+$0x5180]  }
0x17b: {  	v2 =	vadd.f32 v59, v2  }
0x17c: {  	v61 =	vld [tilespmem:s2+$0x5200]  }
0x17d: {  	v2 =	vadd.f32 v3, v2  }
0x17e: {  	v3 =	vld [tilespmem:s2+$0x5280]  }
0x17f: {  	v2 =	vadd.f32 v60, v2  }
0x180: {  	v62 =	vld [tilespmem:s2+$0x5300]  }
0x181: {  	v2 =	vadd.f32 v61, v2  }
0x182: {  	v63 =	vld [tilespmem:s2+$0x5380]  }
0x183: {  	v2 =	vadd.f32 v3, v2;
	_ =	sdelay $0x1  }
0x184: {  	v2 =	vadd.f32 v62, v2;
	_ =	sdelay $0x1  }
0x185: {  	v2 =	vadd.f32 v63, v2  }
0x186: {  	s0 =	sadd.s32 $0x10, s0  }
0x187: {  	s4 =	simm.s32 $0x100;
	s3 =	simm.s32 $0x6400;
	s2 =	rddreg [dreg:$0x14];
	[tilespmem:s0+$0x0] =	vst v2  }
0x188: {  	[hbm4b:s2+s28] =	stream.strided.scatter [tilespmem:s3], [sflag:$0x1], $0x280, s4, s28, $0x38;
	[tilespmem:$0x8E80] =	vst v63  }
0x189: {  	_ =	swait.ge [sflag:s30], $0x280  }
0x18a: {  	s1 =	sadd.s32 $0x1, s1;
	s6 =	rddreg [dreg:$0x15]  }
0x18b: {  	p0 =	sne.s32 s1, s6  }
.Ltmp3:
0x18c: {  	_ = 	snop;
	(pc) =	sbr.rel @p0 .LBB2_1-.Ltmp3, $3  }
0x18d: {  	_ =	sdelay $0x1  }
0x18e: {  	[sflag:s30] =	ssyncset.done $0x0  }
0x18f: {  	[sflag:s30] =	ssyncadd.s32 $0xFFFFFD80  }
0x190: {  	_ =	sfence.sel $0x180000  }
0x191: {  	[bflag:$0x0] =	sbarrier.arrive $0xFFFF  }
0x192: {  	_ =	strace $0x90000047  }
0x193: {  	s0 =	stileid.u32;
	[bflag:$0x2] =	sbarrier.arrive $0xFFFF  }
0x194: {  	p0 =	sne.s32 s0, $0x0;
	s0 =	rddreg [dreg:$0x2]  }
0x195: {  	s0 =	sadd.s32 @!p0 $0x100000, s0  }
0x196: {  	[sflag:s0] =	ssyncadd.tile.s32 @!p0 $0x1;
	_ =	shalt  }
.Lfunc_end2:
_tile_overlayer_lowered:
.L_overlay_start_2:
0x197: {  	(tag) =	ssettag $0x2  }
0x198: {  	s0 =	rddreg [dreg:$0x0];
	s2 =	stileid.u32  }
0x199: {  	s1 =	rddreg [dreg:$0x1];
	p0 =	sne.s32 s2, $0x0  }
0x19a: {  	s3 =	rddreg [dreg:$0x2];
	[bflag:$0x3] =	sbarrier.arrive $0xFFFF;
	s2 =	simm.s32 @!p0 $0x1C01  }
0x19b: {  	[timem:s3], [sflag:s2] =	dma.local @!p0 [hbm:s0], s1  }
0x19c: {  	s0 =	simm.s32 @!p0 $0x1  }
0x19d: {  	_ =	swait.ge @!p0 [sflag:s0], s1  }
0x19e: {  	s1 =	ssub.s32 @!p0 $0x0, s1;
	[sflag:s0] =	ssyncset.done @!p0 $0x0  }
0x19f: {  	[sflag:s0] =	ssyncadd.s32 @!p0 s1  }
0x1a0: {  	[bflag:$0x3] =	sbarrier.arrive $0xFFFF  }
0x1a1: {  	_ =	shalt  }

// kernel: kernel.9.cloned.1.call-start
scs
__scs_entry_jumppad:
0x0: {  	(pc) =	sbr.rel $0x88, $3  }
0x1: {  	(tag) =	ssettag $0x0;
	lr =	simm.s32 $0x1  }
0x2: {  	[smem:$0x3F9D] =	sst lr;
	_ =	strace $0xD0000000  }
0x3: {  	_ = 	snop  }
0x4: {  	_ = 	snop  }
0x5: {  	_ = 	snop  }
0x6: {  	_ = 	snop  }
0x7: {  	_ = 	snop  }
__scs_overlays_trampoline_lowered:
0x8: {  	[smem:$0x3FAC] =	sst s0  }
0x9: {  	[smem:$0x3FAD] =	sst s1  }
0xa: {  	[smem:$0x3FAE] =	sst s2  }
0xb: {  	[smem:$0x3FAF] =	sst s3  }
0xc: {  	[smem:$0x3FB0] =	sst s4  }
0xd: {  	[smem:$0x3FB1] =	sst s5  }
0xe: {  	[smem:$0x3FB2] =	sst s6  }
0xf: {  	[smem:$0x3FB3] =	sst s7  }
0x10: {  	[smem:$0x3FB4] =	sst s8  }
0x11: {  	[smem:$0x3FB5] =	sst s9;
	s0 =	simm.s32 @!p0 $0x0  }
0x12: {  	s1 =	sld [smem:$0x3F9B];
	s0 =	simm.s32 @p0 $0x1  }
0x13: {  	[smem:$0x3FB6] =	sst s0;
	s0 =	simm.s32 @!p1 $0x0  }
0x14: {  	s2 =	sld [smem:$0x3F9A];
	s0 =	simm.s32 @p1 $0x1  }
0x15: {  	[smem:$0x3FB7] =	sst s0;
	s0 =	simm.s32 @!p2 $0x0  }
0x16: {  	s3 =	sld [smem:$0x3FDB];
	s0 =	simm.s32 @p2 $0x1  }
0x17: {  	s4 =	simm.s32 $0x1BF5;
	[smem:$0x3FB9] =	sst s0  }
0x18: {  	s0 =	sld [smem:$0x3F9C];
	_ =	swait.ge [sflag:s4], $0x0  }
0x19: {  	s7 =	sld [smem:$0x3F9D]  }
0x1a: {  	s8 =	sadd.s32 $0xFFFFE003, lr  }
0x1b: {  	s9 =	sadd.s32 $0xFFFFFEF7, lr;
	s5 =	simm.s32 $0xFFFFFFFF;
	p2 =	slt.u32 s8, $0xFFFFF086  }
0x1c: {  	p1 =	slt.u32 s9, $0xF7A;
	s5 =	simm.s32 @!p2 $0x0  }
0x1d: {  	s5 =	simm.s32 @p1 $0x1;
	p0 =	seq.s32 s7, s2  }
0x1e: {  	s7 =	smul.u32 @!p0 $0xF7A, s2;
	p2 =	seq.s32 @!p0 s5, $0x0  }
0x1f: {  	s9 =	smul.u32 $0xF7A, s1;
	s8 =	simm.s32 @!p0 $0x1BF5;
	p2 =	por !p2, p0  }
0x20: {  	[sflag:s8] =	ssyncset.s32 @!p0 $0xFFFFF086;
	s6 =	sadd.s32 @!p0 s3, s7;
	s7 =	simm.s32 @!p0 $0x108  }
0x21: {  	s3 =	sadd.s32 s3, s9;
	s6 =	sadd.s32 @!p0 $0x88, s6;
	s7 =	simm.s32 @p2 $0x1082  }
0x22: {  	[simem:s7], [sflag:s8] =	dma.local @!p0 [hbm:s6], $0xF7A  }
0x23: {  	s9 =	sor.u32 $0xD0000000, s2;
	s6 =	simm.s32 $0x108;
	_ =	swait.ge @!p0 [sflag:s8], $0x0  }
0x24: {  	s3 =	sadd.s32 $0x88, s3;
	s6 =	simm.s32 @!p1 $0x1082;
	[sflag:s4] =	ssyncset.s32 $0xFFFFF086  }
0x25: {  	[simem:s6], [sflag:s4] =	dma.local [hbm:s3], $0xF7A  }
0x26: {  	[smem:$0x3F9D] =	sst s1;
	(tag) =	ssettag s2;
	_ =	strace s9  }
0x27: {  	s1 =	sld [smem:$0x3FAD]  }
0x28: {  	s2 =	sld [smem:$0x3FAE]  }
0x29: {  	s4 =	sld [smem:$0x3FB0]  }
0x2a: {  	p0 =	seq.s32 s5, $0x0;
	s5 =	sld [smem:$0x3FB1]  }
0x2b: {  	s6 =	sld [smem:$0x3FB2]  }
0x2c: {  	s7 =	sld [smem:$0x3FB3]  }
0x2d: {  	s3 =	simm.s32 $0x108;
	s8 =	sld [smem:$0x3FB4]  }
0x2e: {  	s3 =	simm.s32 @!p0 $0x1082;
	s9 =	sld [smem:$0x3FB5]  }
0x2f: {  	lr =	sadd.s32 s0, s3;
	s0 =	sld [smem:$0x3FAC]  }
0x30: {  	s3 =	sld [smem:$0x3FAF]  }
0x31: {  	[smem:$0x3FB8] =	sst s10  }
0x32: {  	s10 =	sld [smem:$0x3FB6];
	_ =	sdelay $0x3  }
0x33: {  	p0 =	seq.s32 s10, $0x1;
	s10 =	sld [smem:$0x3FB8];
	_ =	sdelay $0x3  }
0x34: {  	[smem:$0x3FB8] =	sst s10  }
0x35: {  	s10 =	sld [smem:$0x3FB7];
	_ =	sdelay $0x3  }
0x36: {  	p1 =	seq.s32 s10, $0x1;
	s10 =	sld [smem:$0x3FB8];
	_ =	sdelay $0x3  }
0x37: {  	[smem:$0x3FB8] =	sst s10  }
0x38: {  	s10 =	sld [smem:$0x3FB9]  }
0x39: {  	_ = 	snop;
	(pc) =	sbr.ind lr, $3  }
0x3a: {  	_ = 	snop  }
0x3b: {  	_ = 	snop  }
0x3c: {  	p2 =	seq.s32 s10, $0x1;
	s10 =	sld [smem:$0x3FB8]  }
0x3d: {  	_ =	shalt  }
0x3e: {  	_ =	shalt  }
0x3f: {  	_ =	shalt  }
0x40: {  	_ =	shalt  }
0x41: {  	_ =	shalt  }
0x42: {  	_ =	shalt  }
0x43: {  	_ =	shalt  }
0x44: {  	_ =	shalt  }
0x45: {  	_ =	shalt  }
0x46: {  	_ =	shalt  }
0x47: {  	_ =	shalt  }
0x48: {  	_ =	shalt  }
0x49: {  	_ =	shalt  }
0x4a: {  	_ =	shalt  }
0x4b: {  	_ =	shalt  }
0x4c: {  	_ =	shalt  }
0x4d: {  	_ =	shalt  }
0x4e: {  	_ =	shalt  }
0x4f: {  	_ =	shalt  }
0x50: {  	_ =	shalt  }
0x51: {  	_ =	shalt  }
0x52: {  	_ =	shalt  }
0x53: {  	_ =	shalt  }
0x54: {  	_ =	shalt  }
0x55: {  	_ =	shalt  }
0x56: {  	_ =	shalt  }
0x57: {  	_ =	shalt  }
0x58: {  	_ =	shalt  }
0x59: {  	_ =	shalt  }
0x5a: {  	_ =	shalt  }
0x5b: {  	_ =	shalt  }
0x5c: {  	_ =	shalt  }
0x5d: {  	_ =	shalt  }
0x5e: {  	_ =	shalt  }
0x5f: {  	_ =	shalt  }
0x60: {  	_ =	shalt  }
0x61: {  	_ =	shalt  }
0x62: {  	_ =	shalt  }
0x63: {  	_ =	shalt  }
0x64: {  	_ =	shalt  }
0x65: {  	_ =	shalt  }
0x66: {  	_ =	shalt  }
0x67: {  	_ =	shalt  }
0x68: {  	_ =	shalt  }
0x69: {  	_ =	shalt  }
0x6a: {  	_ =	shalt  }
0x6b: {  	_ =	shalt  }
0x6c: {  	_ =	shalt  }
0x6d: {  	_ =	shalt  }
0x6e: {  	_ =	shalt  }
0x6f: {  	_ =	shalt  }
0x70: {  	_ =	shalt  }
0x71: {  	_ =	shalt  }
0x72: {  	_ =	shalt  }
0x73: {  	_ =	shalt  }
0x74: {  	_ =	shalt  }
0x75: {  	_ =	shalt  }
0x76: {  	_ =	shalt  }
0x77: {  	_ =	shalt  }
0x78: {  	_ =	shalt  }
0x79: {  	_ =	shalt  }
0x7a: {  	_ =	shalt  }
0x7b: {  	_ =	shalt  }
0x7c: {  	_ =	shalt  }
0x7d: {  	_ =	shalt  }
0x7e: {  	_ =	shalt  }
0x7f: {  	_ =	shalt  }
0x80: {  	_ =	shalt  }
0x81: {  	_ =	shalt  }
0x82: {  	_ =	shalt  }
0x83: {  	_ =	shalt  }
0x84: {  	_ =	shalt  }
0x85: {  	_ =	shalt  }
0x86: {  	_ =	shalt  }
0x87: {  	_ =	shalt  }
.Lfunc_end0:
.L_simem_size_0:
called_computation.1_lowered:
.L_overlay_start_0:
0x88: {  	s2 =	sld [smem:$0x3FD9]  }
0x89: {  	s3 =	sld [smem:$0x3FFE];
	_ =	sdelay $0x1  }
0x8a: {  	s1 =	srdreg.scid  }
0x8b: {  	s0 =	sand.u32 $0x1, s1  }
0x8c: {  	s17 =	sshll.u32 s0, $0xA;
	s2 =	sadd.s32 s3, s2  }
0x8d: {  	s2 =	sadd.s32 s2, s17  }
0x8e: {  	[smem:$0x3FC4] =	sst s2  }
0x8f: {  	_ = 	snop  }
0x90: {  	s2 =	sld [smem:$0x3FD0];
	(tm) =	ssettm $0x1  }
0x91: {  	s18 =	sld [smem:$0x3FFB];
	_ =	sdelay $0x3  }
0x92: {  	_ =	strace s18  }
0x93: {  	s3 =	sld [smem:$0x3FFC];
	_ =	sdelay $0x3  }
0x94: {  	_ =	strace s3  }
0x95: {  	s3 =	sld [smem:$0x3FFD];
	_ =	sdelay $0x3  }
0x96: {  	_ =	strace s3  }
0x97: {  	_ =	strace $0x8FFFFFFF  }
0x98: {  	s19 =	sld [smem:$0x3FDB];
	_ =	sdelay $0x1  }
0x99: {  	s4 =	simm.s32 $_scs_section_size  }
0x9a: {  	s5 =	simm.s32 $_size__tile_overlayer_lowered;
	s6 =	simm.s32 $_tile_overlayer_lowered  }
0x9b: {  	s22 =	simm.s32 $0x1BFF;
	s21 =	sshll.u32 s6, $0x1;
	s3 =	sadd.s32 s4, s19  }
0x9c: {  	s7 =	simm.s32 $0x0;
	s20 =	sshll.u32 s5, $0x1;
	s5 =	sadd.s32 s21, s3  }
0x9d: {  	[timem:s7], [sflag:s22] =	dma.local [hbm:s5], s20  }
0x9e: {  	_ =	swait.ge [sflag:s22], s20  }
0x9f: {  	s4 =	ssub.s32 $0x0, s20;
	[sflag:s22] =	ssyncset.done $0x0  }
0xa0: {  	[sflag:s22] =	ssyncadd.s32 s4;
	_ =	sdelay $0x1  }
0xa1: {  	s23 =	simm.s32 $0x1B8B  }
0xa2: {  	_ =	swait.ge [sflag:s23], $0x1  }
0xa3: {  	[sflag:s23] =	ssyncset.done $0x0  }
0xa4: {  	s25 =	simm.s32 $0x1B8E;
	s24 =	sld [smem:$0x3FFE];
	[sflag:s23] =	ssyncadd.s32 $0xFFFFFFFF  }
0xa5: {  	s26 =	simm.s32 $execute0_lowered;
	[smem:$0x3FD2] =	sst s25  }
0xa6: {  	s5 =	sshll.u32 s26, $0x1;
	_ =	strace $0x80000049;
	[dreg:$0x1] =	wrdreg $0xFFFFFFFF  }
0xa7: {  	s28 =	simm.s32 $_size_execute0_lowered;
	s3 =	sadd.s32 s3, s5;
	[dreg:$0x0] =	wrdreg $0x0  }
0xa8: {  	s5 =	sshll.u32 s28, $0x1;
	[dreg:$0x2] =	wrdreg s3  }
0xa9: {  	[dreg:$0x3] =	wrdreg s5  }
0xaa: {  	[dreg:$0x4] =	wrdreg $0xC0  }
0xab: {  	_ =	task [dreg:s7], $0x5FFFF  }
0xac: {  	[dreg:$0x1] =	wrdreg $0xFFFFFFFF  }
0xad: {  	[dreg:$0x0] =	wrdreg $0x60  }
0xae: {  	[dreg:$0x2] =	wrdreg s24  }
0xaf: {  	[dreg:$0x3] =	wrdreg s2  }
0xb0: {  	[dreg:$0x4] =	wrdreg $0xC0000  }
0xb1: {  	[dreg:$0x5] =	wrdreg $0x9  }
0xb2: {  	_ =	task.clear_ibuf [dreg:s7], $0x6FFFF;
	_ =	strace $0x90000049  }
0xb3: {  	s29 =	simm.s32 $0x9;
	_ =	strace $0x8000004B  }
0xb4: {  	_ =	swait.ge [sflag:s29], $0x1  }
0xb5: {  	[sflag:s29] =	ssyncadd.s32 $0xFFFFFFFF  }
0xb6: {  	_ =	strace $0x9000004B  }
0xb7: {  	_ =	sfence  }
0xb8: {  	s30 =	sld [smem:$0x0];
	_ =	sdelay $0x2  }
0xb9: {  	s31 =	sshll.u32 s1, $0xD;
	s1 =	sshrl.u32 s1, $0x2  }
0xba: {  	s3 =	sand.u32 $0x4000, s31;
	s1 =	sadd.s32 s1, s30  }
0xbb: {  	s0 =	sor.u32 s3, s0;
	s1 =	sshll.u32 s1, $0x11  }
0xbc: {  	s0 =	sor.u32 s1, s0  }
0xbd: {  	s0 =	sadd.s32 $0x8F2B, s0  }
0xbe: {  	[sflag:s0] =	ssyncadd.remote.s32 $0x1  }
0xbf: {  	_ =	sfence.sel $0xFFFF  }
0xc0: {  	[dreg:$0x0] =	wrdreg $0xFFFFFFFF;
	(pc) =	sbr.abs _section_cstart, $3  }
0xc1: {  	[dreg:$0x1] =	wrdreg $0xFFFFFFFF  }
0xc2: {  	_ =	task.clear_ibuf [dreg:s7], $0x2FFFF;
	_ =	strace $0x9FFFFFFF  }
0xc3: {  	(tm) =	ssettm $0x7FFFFFFF  }
tec
execute0_lowered:
.L_overlay_start_1:
0x0: {  	(tag) =	ssettag $0x1  }
0x1: {  	s4 =	rddreg [dreg:$0x0]  }
0x2: {  	s5 =	rddreg [dreg:$0x1]  }
0x3: {  	s1 =	rddreg [dreg:$0x2];
	s2 =	srdreg.scid;
	s3 =	simm.s32 $0x0  }
0x4: {  	s0 =	stileid.u32;
	s13 =	simm.s32 $0x4000;
	s14 =	simm.s32 $0x4800  }
0x5: {  	s15 =	simm.s32 $0x4028;
	s16 =	simm.s32 $0x5C00;
	s17 =	simm.s32 $0x4080  }
0x6: {  	s18 =	simm.s32 $0x7000;
	s19 =	simm.s32 $0x40A8;
	s20 =	simm.s32 $0x8400  }
0x7: {  	s21 =	simm.s32 $0x50;
	s22 =	simm.s32 $0x8;
	s23 =	simm.s32 $0x0  }
0x8: {  	s6 =	sand.u32 $0x1, s2;
	[smem:$0x7FF] =	sst s3;
	s8 =	smul.u32 $0x14000, s0  }
0x9: {  	s9 =	sadd.s32 $0x57200, s4;
	s11 =	smul.u32 $0x50000, s0;
	s28 =	sshll.u32 s0, $0xB  }
0xa: {  	s31 =	sshll.u32 s0, $0x6;
	s7 =	smul.u32 $0x140000, s6;
	s6 =	ssub.s32 $0x2, s6  }
0xb: {  	_ =	strace $0x8000004A;
	s10 =	sshrl.u32 s6, $0x1;
	s29 =	sshrl.u32 s11, $0x2  }
0xc: {  	s8 =	sadd.s32 s8, s7;
	s10 =	ssub.s32 s6, s10;
	s30 =	sshrl.u32 s7, $0x3  }
0xd: {  	s11 =	sadd.s32 s29, s1;
	s8 =	sshrl.u32 s8, $0x3;
	s6 =	sadd.s32 s9, s30  }
0xe: {  	s11 =	sshrl.u32 s11, $0x3;
	s12 =	sadd.s32 s8, s4;
	s4 =	sadd.s32 s5, s28  }
0xf: {  	s5 =	sadd.s32 s9, s8;
	s8 =	smax.u32 s10, $0x1;
	s9 =	simm.s32 $0xA  }
0x10: {  	s10 =	sor.u32 $0x1C0A, s31;
	s7 =	sadd.s32 $0xA7200, s12;
	s12 =	simm.s32 $0x28  }
.LBB2_1:
0x11: {  	[tilespmem:s3], [sflag:$0xA] =	stream.linear.gather [hbm4b:s4+s3], $0x4000, $0x38;
	v63 =	vld [tilespmem:$0x0]  }
0x12: {  	_ =	swait.ge [sflag:s9], $0x4000  }
0x13: {  	[sflag:s9] =	ssyncset.done $0x0  }
0x14: {  	[sflag:s9] =	ssyncadd.s32 $0xFFFFC000  }
0x15: {  	[spmem:s11], [sflag:s10] =	dma.local [hbm:s5], $0x2800  }
0x16: {  	_ =	swait.ge [sflag:s9], $0x2800  }
0x17: {  	[sflag:s9] =	ssyncset.done $0x0  }
0x18: {  	[sflag:s9] =	ssyncadd.s32 $0xFFFFD800  }
0x19: {  	[bflag:$0x0] =	sbarrier.arrive $0xFFFF  }
0x1a: {  	v0 =	vld [tilespmem:$0x0];
	_ =	sdelay $0x1  }
0x1b: {  	v1 =	vld [tilespmem:$0x10];
	_ =	sdelay $0x1  }
0x1c: {  	v2 =	vld [tilespmem:$0x20]  }
0x1d: {  	v3 =	vshra.s32 v0, $0xE  }
0x1e: {  	v39 =	vld [tilespmem:$0x30];
	v0 =	vand.u32 $0x3FFF, v0;
	[tilespmem:$0x4400] =	vst v3  }
0x1f: {  	v40 =	vshra.s32 v1, $0xE;
	[tilespmem:$0x4000] =	vst v0  }
0x20: {  	v42 =	vld [tilespmem:$0x40];
	v41 =	vand.u32 $0x3FFF, v1;
	[tilespmem:$0x4410] =	vst v40  }
0x21: {  	v43 =	vshra.s32 v2, $0xE;
	[tilespmem:$0x4010] =	vst v41  }
0x22: {  	v44 =	vand.u32 $0x3FFF, v2;
	[tilespmem:$0x4420] =	vst v43  }
0x23: {  	v45 =	vshra.s32 v39, $0xE;
	[tilespmem:$0x4020] =	vst v44  }
0x24: {  	v46 =	vand.u32 $0x3FFF, v39;
	[tilespmem:$0x4430] =	vst v45  }
0x25: {  	v47 =	vshra.s32 v42, $0xE;
	[tilespmem:$0x4030] =	vst v46  }
0x26: {  	v48 =	vand.u32 $0x3FFF, v42;
	[tilespmem:$0x4440] =	vst v47  }
0x27: {  	[tilespmem:$0x4040] =	vst v48  }
0x28: {  	[tilespmem:s14], [sflag:$0x1] =	stream.indirect.gather [hbm4b:s6+s12], $0x80, s13, s12, $0xb8;
	v63 =	vld [tilespmem:$0x0]  }
0x29: {  	_ = 	snop  }
0x2a: {  	[tilespmem:s16], [sflag:$0x4] =	stream.indirect.gather [hbm4b:s6+s12], $0x80, s15, s12, $0xb8;
	v63 =	vld [tilespmem:$0x0]  }
0x2b: {  	v49 =	vld [tilespmem:$0x80];
	_ =	sdelay $0x1  }
0x2c: {  	v50 =	vld [tilespmem:$0x90];
	_ =	sdelay $0x1  }
0x2d: {  	v51 =	vld [tilespmem:$0xA0]  }
0x2e: {  	v52 =	vshra.s32 v49, $0xE  }
0x2f: {  	v53 =	vld [tilespmem:$0xB0];
	v0 =	vand.u32 $0x3FFF, v49;
	[tilespmem:$0x4480] =	vst v52  }
0x30: {  	v54 =	vshra.s32 v50, $0xE;
	[tilespmem:$0x4080] =	vst v0  }
0x31: {  	v56 =	vld [tilespmem:$0xC0];
	v55 =	vand.u32 $0x3FFF, v50;
	[tilespmem:$0x4490] =	vst v54  }
0x32: {  	v57 =	vshra.s32 v51, $0xE;
	[tilespmem:$0x4090] =	vst v55  }
0x33: {  	v58 =	vand.u32 $0x3FFF, v51;
	[tilespmem:$0x44A0] =	vst v57  }
0x34: {  	v59 =	vshra.s32 v53, $0xE;
	[tilespmem:$0x40A0] =	vst v58  }
0x35: {  	v60 =	vand.u32 $0x3FFF, v53;
	[tilespmem:$0x44B0] =	vst v59  }
0x36: {  	v61 =	vshra.s32 v56, $0xE;
	[tilespmem:$0x40B0] =	vst v60  }
0x37: {  	v62 =	vand.u32 $0x3FFF, v56;
	[tilespmem:$0x44C0] =	vst v61  }
0x38: {  	[tilespmem:$0x40C0] =	vst v62  }
0x39: {  	[tilespmem:s18], [sflag:$0x2] =	stream.indirect.gather [hbm4b:s6+s12], $0x80, s17, s12, $0xb8;
	v63 =	vld [tilespmem:$0x0]  }
0x3a: {  	s24 =	simm.s32 $0x2;
	s25 =	simm.s32 $0x100;
	s26 =	simm.s32 $0x0  }
0x3b: {  	[tilespmem:s20], [sflag:$0x5] =	stream.indirect.gather [hbm4b:s6+s12], $0x80, s19, s12, $0xb8;
	v63 =	vld [tilespmem:$0x0]  }
.LBB2_2:
0x3c: {  	s28 =	sadd.s32 $0xFFFFFFFE, s24  }
0x3d: {  	p0 =	sgt.u32 s28, $0x7D  }
0x3e: {  	s29 =	sshra.s32 @!p0 s26, $0x2  }
0x3f: {  	v0 =	vld @!p0 [tilespmem:s29+$0x100];
	_ =	sdelay $0x4  }
0x40: {  	s30 =	sand.u32 @!p0 $0x380, s25;
	v1 =	vshra.s32 @!p0 v0, $0xE  }
0x41: {  	v0 =	vand.u32 @!p0 $0x3FFF, v0;
	[tilespmem:s30+$0x4400] =	vst @!p0 v1  }
0x42: {  	[tilespmem:s30+$0x4000] =	vst @!p0 v0  }
0x43: {  	v0 =	vld @!p0 [tilespmem:s29+$0x110];
	_ =	sdelay $0x4  }
0x44: {  	v1 =	vshra.s32 @!p0 v0, $0xE  }
0x45: {  	v0 =	vand.u32 @!p0 $0x3FFF, v0;
	[tilespmem:s30+$0x4410] =	vst @!p0 v1  }
0x46: {  	[tilespmem:s30+$0x4010] =	vst @!p0 v0  }
0x47: {  	v0 =	vld @!p0 [tilespmem:s29+$0x120];
	_ =	sdelay $0x4  }
0x48: {  	v1 =	vshra.s32 @!p0 v0, $0xE  }
0x49: {  	v0 =	vand.u32 @!p0 $0x3FFF, v0;
	[tilespmem:s30+$0x4420] =	vst @!p0 v1  }
0x4a: {  	[tilespmem:s30+$0x4020] =	vst @!p0 v0  }
0x4b: {  	v0 =	vld @!p0 [tilespmem:s29+$0x130];
	_ =	sdelay $0x4  }
0x4c: {  	v1 =	vshra.s32 @!p0 v0, $0xE  }
0x4d: {  	v0 =	vand.u32 @!p0 $0x3FFF, v0;
	[tilespmem:s30+$0x4430] =	vst @!p0 v1  }
0x4e: {  	s31 =	smul.u32 $0xAB, s28;
	[tilespmem:s30+$0x4030] =	vst @!p0 v0  }
0x4f: {  	v0 =	vld @!p0 [tilespmem:s29+$0x140]  }
0x50: {  	s2 =	sshrl.u32 s31, $0x9  }
0x51: {  	s29 =	sand.u32 $0x7F, s2  }
0x52: {  	s29 =	smul.u32 $0x3, s29;
	_ =	sdelay $0x1  }
0x53: {  	s29 =	ssub.s32 s28, s29;
	v1 =	vshra.s32 @!p0 v0, $0xE  }
0x54: {  	s29 =	sand.u32 $0xFF, s29;
	v0 =	vand.u32 @!p0 $0x3FFF, v0;
	[tilespmem:s30+$0x4440] =	vst @!p0 v1  }
0x55: {  	s31 =	sadd.s32 $0x1, s29;
	[tilespmem:s30+$0x4040] =	vst @!p0 v0  }
0x56: {  	_ =	swait.ge [sflag:s31], $0x1400  }
0x57: {  	p0 =	seq.s32 s24, $0x2;
	[sflag:s31] =	ssyncset.done $0x0  }
0x58: {  	s30 =	sor.u32 $0x4, s29;
	[sflag:s31] =	ssyncadd.s32 $0xFFFFEC00;
	s31 =	sadd.s32 @!p0 $0xFFFFFFFF, s28  }
0x59: {  	s0 =	smul.u32 $0xA000, s29;
	_ =	swait.ge [sflag:s30], $0x1400;
	s2 =	sand.u32 @!p0 $0xFF, s31  }
0x5a: {  	[sflag:s30] =	ssyncset.done $0x0;
	s2 =	smul.u32 @!p0 $0xAB, s2  }
0x5b: {  	s29 =	sadd.s32 $0x7, s29;
	[sflag:s30] =	ssyncadd.s32 $0xFFFFEC00;
	s30 =	sand.u32 $0xE00, s26  }
0x5c: {  	s0 =	sshrl.u32 s0, $0x2;
	s30 =	sshrl.u32 s30, $0x2;
	s2 =	sshrl.u32 @!p0 s2, $0x9  }
0x5d: {  	s0 =	sadd.s32 $0x4800, s0;
	s30 =	sor.u32 $0x4400, s30;
	s2 =	smul.u32 @!p0 $0x3, s2  }
0x5e: {  	[spmem:s1] =	stream.indirect.scatter.add.f32 [tilespmem:s0], [sflag:s29], $0x80, s30, s21, $0xb8;
	v63 =	vld [tilespmem:$0x0]  }
0x5f: {  	s0 =	ssub.s32 @!p0 s31, s2  }
0x60: {  	s0 =	sand.u32 @!p0 $0xFF, s0  }
0x61: {  	s0 =	sadd.s32 @!p0 $0x7, s0  }
0x62: {  	p1 =	sgt.u32 @!p0 s28, $0x7D;
	_ =	swait.ge @!p0 [sflag:s0], $0x2800  }
0x63: {  	p1 =	por p0, !p1;
	[sflag:s0] =	ssyncset.done @!p0 $0x0  }
0x64: {  	[sflag:s0] =	ssyncadd.s32 @!p0 $0xFFFFD800;
	s0 =	smul.u32 @p1 $0xAB, s24;
	_ =	sdelay $0x1  }
0x65: {  	s0 =	sshrl.u32 @p1 s0, $0x9  }
0x66: {  	s0 =	sand.u32 @p1 $0x7F, s0  }
0x67: {  	s0 =	smul.u32 @p1 $0x3, s0;
	_ =	sdelay $0x1  }
0x68: {  	s0 =	ssub.s32 @p1 s24, s0  }
0x69: {  	s0 =	sand.u32 @p1 $0xFF, s0  }
0x6a: {  	s24 =	sadd.s32 $0x1, s24;
	s2 =	smul.u32 @p1 $0xA000, s0  }
0x6b: {  	s28 =	sand.u32 @p1 $0x380, s25;
	s25 =	sadd.s32 $0x80, s25;
	p0 =	sne.s32 s24, $0x82  }
.Ltmp0:
0x6c: {  	s26 =	sadd.s32 $0x200, s26;
	s2 =	sshrl.u32 @p1 s2, $0x2;
	(pc) =	sbr.rel @p0 .LBB2_2-.Ltmp0, $4  }
0x6d: {  	s30 =	sor.u32 @p1 $0x4000, s28;
	s31 =	sadd.s32 @p1 $0x1, s0;
	s29 =	sadd.s32 @p1 $0x4800, s2  }
0x6e: {  	[tilespmem:s29], [sflag:s31] =	stream.indirect.gather @p1 [hbm4b:s6+s12], $0x80, s30, s12, $0xb8;
	v63 =	vld [tilespmem:$0x0]  }
0x6f: {  	s28 =	sor.u32 @p1 $0x4028, s28;
	s0 =	sor.u32 @p1 $0x4, s0;
	s2 =	sadd.s32 @p1 $0x5C00, s2  }
0x70: {  	[tilespmem:s2], [sflag:s0] =	stream.indirect.gather @p1 [hbm4b:s6+s12], $0x80, s28, s12, $0xb8;
	v63 =	vld [tilespmem:$0x0]  }
0x71: {  	_ =	swait.ge [sflag:s22], $0x2800  }
0x72: {  	s23 =	sadd.s32 $0x1, s23;
	[sflag:s22] =	ssyncset.done $0x0  }
0x73: {  	p0 =	sne.s32 s23, s8;
	[sflag:s22] =	ssyncadd.s32 $0xFFFFD800  }
.Ltmp1:
0x74: {  	[bflag:$0x0] =	sbarrier.arrive $0xFFFF;
	(pc) =	sbr.rel @p0 .LBB2_1-.Ltmp1, $4  }
0x75: {  	[hbm:s7], [sflag:s10] =	dma.local [spmem:s11], $0x2800  }
0x76: {  	_ =	swait.ge [sflag:s9], $0x2800  }
0x77: {  	[sflag:s9] =	ssyncset.done $0x0  }
0x78: {  	[sflag:s9] =	ssyncadd.s32 $0xFFFFD800  }
0x79: {  	_ =	sfence.sel $0x180000  }
0x7a: {  	[bflag:$0x0] =	sbarrier.arrive $0xFFFF  }
0x7b: {  	_ =	strace $0x9000004A  }
0x7c: {  	s0 =	stileid.u32;
	[bflag:$0x2] =	sbarrier.arrive $0xFFFF  }
0x7d: {  	p0 =	sne.s32 s0, $0x0;
	s0 =	rddreg [dreg:$0x3]  }
0x7e: {  	s0 =	sadd.s32 @!p0 $0x100000, s0  }
0x7f: {  	[sflag:s0] =	ssyncadd.tile.s32 @!p0 $0x1;
	_ =	shalt  }
.Lfunc_end2:
_tile_overlayer_lowered:
.L_overlay_start_2:
0x80: {  	(tag) =	ssettag $0x2  }
0x81: {  	s0 =	rddreg [dreg:$0x0];
	s2 =	stileid.u32  }
0x82: {  	s1 =	rddreg [dreg:$0x1];
	p0 =	sne.s32 s2, $0x0  }
0x83: {  	s3 =	rddreg [dreg:$0x2];
	[bflag:$0x3] =	sbarrier.arrive $0xFFFF;
	s2 =	simm.s32 @!p0 $0x1C0A  }
0x84: {  	[timem:s3], [sflag:s2] =	dma.local @!p0 [hbm:s0], s1  }
0x85: {  	s0 =	simm.s32 @!p0 $0xA  }
0x86: {  	_ =	swait.ge @!p0 [sflag:s0], s1  }
0x87: {  	s1 =	ssub.s32 @!p0 $0x0, s1;
	[sflag:s0] =	ssyncset.done @!p0 $0x0  }
0x88: {  	[sflag:s0] =	ssyncadd.s32 @!p0 s1  }
0x89: {  	[bflag:$0x3] =	sbarrier.arrive $0xFFFF  }
0x8a: {  	_ =	shalt  }

</sc_bundles>
